<compile_context>
chip_gen: v7x
topology: tpu7x:2x2x1
jax: 0.10.2.dev20260603
libtpu: 0.0.44.dev20260713+nightly
codegen_flags: <defaults>
</compile_context>

<pallas_src>
import functools

import jax
import jax.numpy as jnp
from jax import lax
from jax.experimental import pallas as pl
from jax.experimental.pallas import tpu as pltpu
from jax.experimental.pallas import tpu_sc as plsc

_NC = 2
_NS = 16
_L = 16


def _round_up(x, m):
    return (x + m - 1) // m * m


def _make_sc_hist(e_pad, np_rows):
    per_tile = e_pad // _NS
    n_vec = per_tile // _L
    seg = np_rows // _NS

    mesh = plsc.VectorSubcoreMesh(core_axis_name="c", subcore_axis_name="s")

    @functools.partial(
        pl.kernel,
        out_type=(
            jax.ShapeDtypeStruct((np_rows,), jnp.float32),
            jax.ShapeDtypeStruct((np_rows,), jnp.float32),
        ),
        mesh=mesh,
        scratch_types=[
            pltpu.VMEM((per_tile,), jnp.int32),
            pltpu.VMEM((np_rows,), jnp.float32),
            pltpu.VMEM((seg,), jnp.float32),
            pltpu.VMEM((seg,), jnp.float32),
            pltpu.VMEM_SHARED((_NS, np_rows), jnp.float32),
        ],
        compiler_params=pltpu.CompilerParams(needs_layout_passes=False),
    )
    def hist_kernel(src_hbm, dst_hbm, out_src, out_dst,
                    idx_v, hist_v, acc_v, seg_v, shared):
        cid = lax.axis_index("c")
        sid = lax.axis_index("s")
        zeros = jnp.zeros((_L,), jnp.float32)
        ones = jnp.ones((_L,), jnp.float32)

        def zero_body(i, _):
            hist_v[pl.ds(i * _L, _L)] = zeros
            return 0
        lax.fori_loop(0, np_rows // _L, zero_body, 0)

        def count_from(ref):
            pltpu.sync_copy(ref.at[pl.ds(sid * per_tile, per_tile)], idx_v)

            def body(k, _):
                iv = idx_v[pl.ds(k * _L, _L)]
                plsc.addupdate_scatter(hist_v, [iv], ones)
                return 0
            lax.fori_loop(0, n_vec, body, 0)

        @pl.when(cid == 0)
        def _():
            count_from(src_hbm)

        @pl.when(cid == 1)
        def _():
            count_from(dst_hbm)

        pltpu.sync_copy(hist_v, shared.at[sid])
        plsc.subcore_barrier()
        pltpu.sync_copy(shared.at[0, pl.ds(sid * seg, seg)], acc_v)

        def red_body(t, _):
            pltpu.sync_copy(shared.at[t, pl.ds(sid * seg, seg)], seg_v)

            def add_body(j, _):
                sl = pl.ds(j * _L, _L)
                acc_v[sl] = acc_v[sl] + seg_v[sl]
                return 0
            lax.fori_loop(0, seg // _L, add_body, 0)
            return 0
        lax.fori_loop(1, _NS, red_body, 0)

        @pl.when(cid == 0)
        def _():
            pltpu.sync_copy(acc_v, out_src.at[pl.ds(sid * seg, seg)])

        @pl.when(cid == 1)
        def _():
            pltpu.sync_copy(acc_v, out_dst.at[pl.ds(sid * seg, seg)])

    return hist_kernel


def _make_sc_scatter(e_rows, np_acc):
    np_rows = np_acc
    rt = e_rows // _NS
    gr = 16
    nbuf = 2
    init_rows = np_rows // _NS
    out_rows = np_rows // _NS

    mesh = plsc.VectorSubcoreMesh(core_axis_name="c", subcore_axis_name="s")

    @functools.partial(
        pl.kernel,
        out_type=(
            jax.ShapeDtypeStruct((np_rows, 128), jnp.float32),
            jax.ShapeDtypeStruct((np_rows, 128), jnp.float32),
        ),
        mesh=mesh,
        scratch_types=[
            pltpu.VMEM((gr, 128), jnp.int32),
            pltpu.VMEM((gr, 128), jnp.int32),
            pltpu.VMEM((128, 128), jnp.float32),
            pltpu.VMEM((128, 128), jnp.float32),
            pltpu.VMEM_SHARED((np_rows, 128), jnp.float32),
            pltpu.SemaphoreType.DMA,
            pltpu.SemaphoreType.DMA,
            pltpu.SemaphoreType.DMA,
            pltpu.SemaphoreType.DMA,
        ],
    )
    def scatter_kernel(src2_hbm, dst2_hbm, u0_hbm, u1_hbm, out0, out1,
                       sidx_v, didx_v, rows_0, rows_1, acc_sh,
                       gsem_0, gsem_1, ssem_0, ssem_1):
        cid = lax.axis_index("c")
        sid = lax.axis_index("s")
        bufs = (rows_0, rows_1)
        gsems = (gsem_0, gsem_1)
        ssems = (ssem_0, ssem_1)

        def run_half(u_hbm, out_hbm):
            pltpu.sync_copy(u_hbm.at[pl.ds(sid * init_rows, init_rows)],
                            acc_sh.at[pl.ds(sid * init_rows, init_rows)])
            plsc.subcore_barrier()

            def group(g, _):
                base = sid * rt + g * gr
                pltpu.sync_copy(src2_hbm.at[pl.ds(base, gr)], sidx_v)
                pltpu.sync_copy(dst2_hbm.at[pl.ds(base, gr)], didx_v)

                gd = [None] * nbuf
                sd = [None] * nbuf
                gd[0] = pltpu.async_copy(u_hbm.at[sidx_v.at[0]], bufs[0],
                                         gsems[0])
                for j in range(gr):
                    b = j % nbuf
                    o = 1 - b
                    gd[b].wait()
                    if j + 1 < gr:
                        if sd[o] is not None:
                            sd[o].wait()
                        gd[o] = pltpu.async_copy(
                            u_hbm.at[sidx_v.at[j + 1]], bufs[o], gsems[o])
                    sd[b] = pltpu.async_copy(
                        bufs[b], acc_sh.at[didx_v.at[j]], ssems[b],
                        add=True)
                sd[0].wait()
                sd[1].wait()
                return 0
            lax.fori_loop(0, rt // gr, group, 0)

            plsc.subcore_barrier()
            pltpu.sync_copy(acc_sh.at[pl.ds(sid * out_rows, out_rows)],
                            out_hbm.at[pl.ds(sid * out_rows, out_rows)])

        @pl.when(cid == 0)
        def _():
            run_half(u0_hbm, out0)

        @pl.when(cid == 1)
        def _():
            run_half(u1_hbm, out1)

    return scatter_kernel


def _make_tc_matmul(n_nodes, m_mid, d, np_rows, br):
    grid = (np_rows // br,)

    def body(ci_ref, ch_ref, nh_ref, convW_ref, fusW_ref, hs_ref,
             u0_ref, u1_ref):
        ns = lax.rsqrt(hs_ref[...] + 1.0)
        ch = ch_ref[...] * ns
        u0_ref[...] = jnp.dot(ch, convW_ref[...],
                              preferred_element_type=jnp.float32)
        fused = jnp.dot(ci_ref[...], nh_ref[...],
                        preferred_element_type=jnp.float32) * ns
        u1_ref[...] = jnp.dot(fused, fusW_ref[...],
                              preferred_element_type=jnp.float32)

    return pl.pallas_call(
        body,
        grid=grid,
        in_specs=[
            pl.BlockSpec((br, m_mid), lambda i: (i, 0)),
            pl.BlockSpec((br, d), lambda i: (i, 0)),
            pl.BlockSpec((m_mid, d), lambda i: (0, 0)),
            pl.BlockSpec((d, d), lambda i: (0, 0)),
            pl.BlockSpec((d, d), lambda i: (0, 0)),
            pl.BlockSpec((br, 1), lambda i: (i, 0)),
        ],
        out_specs=[
            pl.BlockSpec((br, d), lambda i: (i, 0)),
            pl.BlockSpec((br, d), lambda i: (i, 0)),
        ],
        out_shape=[
            jax.ShapeDtypeStruct((np_rows, d), jnp.float32),
            jax.ShapeDtypeStruct((np_rows, d), jnp.float32),
        ],
    )


def _make_tc_head(n_nodes, d, br):
    grid = (n_nodes // br,)

    def body(a0_ref, a1_ref, hd_ref, convB_ref, fusB_ref, cw_ref, tw_ref,
             catT_ref, catB_ref, catb_ref, g_ref, b_ref, out_ref):
        nd = lax.rsqrt(hd_ref[...] + 1.0)
        s1 = (a0_ref[...] * nd + convB_ref[...]) * cw_ref[...]
        s2 = (a1_ref[...] * nd + fusB_ref[...]) * tw_ref[...]
        p = jnp.maximum(s1, 0.0) + jnp.maximum(s2, 0.0)
        q = s1 + s2
        y = (jnp.dot(p, catT_ref[...], preferred_element_type=jnp.float32)
             + jnp.dot(q, catB_ref[...], preferred_element_type=jnp.float32)
             + catb_ref[...])
        mu = jnp.mean(y, axis=-1, keepdims=True)
        yc = y - mu
        var = jnp.mean(yc * yc, axis=-1, keepdims=True)
        out_ref[...] = yc * lax.rsqrt(var + 1e-5) * g_ref[...] + b_ref[...]

    vec = lambda i: (0, 0)
    return pl.pallas_call(
        body,
        grid=grid,
        in_specs=[
            pl.BlockSpec((br, d), lambda i: (i, 0)),
            pl.BlockSpec((br, d), lambda i: (i, 0)),
            pl.BlockSpec((br, 1), lambda i: (i, 0)),
            pl.BlockSpec((1, d), vec),
            pl.BlockSpec((1, d), vec),
            pl.BlockSpec((1, d), vec),
            pl.BlockSpec((1, d), vec),
            pl.BlockSpec((d, d), vec),
            pl.BlockSpec((d, d), vec),
            pl.BlockSpec((1, d), vec),
            pl.BlockSpec((1, d), vec),
            pl.BlockSpec((1, d), vec),
        ],
        out_specs=pl.BlockSpec((br, d), lambda i: (i, 0)),
        out_shape=jax.ShapeDtypeStruct((n_nodes, d), jnp.float32),
    )


def kernel(curr_h, next_h, curr_inc, edge_index, convW, convB, fusW, fusB,
           catW, catB, conv_w, topDown_w, ln_g, ln_b):
    n, d = curr_h.shape
    m = next_h.shape[0]
    e = edge_index.shape[1]

    np_rows = _round_up(n + 1, _NS * _L)
    e_rows = _round_up(e, _NS * 8 * 128) // 128
    e_pad = e_rows * 128

    padn = jnp.full((e_pad - e,), n, jnp.int32)
    src = jnp.concatenate([edge_index[0], padn])
    dst = jnp.concatenate([edge_index[1], padn])
    src2 = src.reshape(e_rows, 128)
    dst2 = dst.reshape(e_rows, 128)

    hist_src, hist_dst = _make_sc_hist(e_pad, np_rows)(src, dst)

    u0, u1 = _make_tc_matmul(n, m, d, np_rows, 512)(
        curr_inc, curr_h, next_h, convW, fusW, hist_src.reshape(-1, 1))

    np_acc = _round_up(n + 1, 128)
    agg0, agg1 = _make_sc_scatter(e_rows, np_acc)(src2, dst2, u0, u1)

    out = _make_tc_head(n, d, 400)(
        agg0, agg1, hist_dst[:n].reshape(-1, 1),
        convB.reshape(1, -1), fusB.reshape(1, -1),
        conv_w.reshape(1, -1), topDown_w.reshape(1, -1),
        catW[:d], catW[d:], catB.reshape(1, -1),
        ln_g.reshape(1, -1), ln_b.reshape(1, -1))
    return out

# --- scband reference (transcript-rebuilt; emitter-appended) ---
"""Pipeline reference for scband-lgcore-39556648796682 (READ-ONLY COPY).

The authoritative reference and input builder live on the scoring server;
editing this copy changes nothing except your own understanding.
"""

import jax, jax.numpy as jnp
import numpy as np

N = 10000
M = 500
E = 320000
D = 128

def setup_inputs(seed: int = 0) -> dict:
    key = jax.random.key(seed)
    ks = jax.random.split(key, 16)
    inp = {}
    inp["curr_h"] = jax.random.normal(ks[0], (N, D), dtype=jnp.float32)
    inp["next_h"] = jax.random.normal(ks[1], (M, D), dtype=jnp.float32)
    inp["curr_inc"] = jax.random.uniform(ks[2], (N, M), dtype=jnp.float32)
    inp["edge_index"] = jax.random.randint(ks[3], (2, E), 0, N, dtype=jnp.int32)
    # learned parameters
    inp["convW"] = jax.random.normal(ks[4], (D, D), dtype=jnp.float32) * 0.05
    inp["convB"] = jnp.zeros((D,), dtype=jnp.float32)
    inp["fusW"] = jax.random.normal(ks[5], (D, D), dtype=jnp.float32) * 0.05
    inp["fusB"] = jnp.zeros((D,), dtype=jnp.float32)
    inp["catW"] = jax.random.normal(ks[6], (2 * D, D), dtype=jnp.float32) * 0.05
    inp["catB"] = jnp.zeros((D,), dtype=jnp.float32)
    inp["conv_w"] = jax.random.uniform(ks[7], (D,), dtype=jnp.float32)
    inp["topDown_w"] = jax.random.uniform(ks[8], (D,), dtype=jnp.float32)
    inp["ln_g"] = jnp.ones((D,), dtype=jnp.float32)
    inp["ln_b"] = jnp.zeros((D,), dtype=jnp.float32)
    return inp

def reference(curr_h, next_h, curr_inc, edge_index, convW, convB, fusW, fusB, catW, catB, conv_w, topDown_w, ln_g, ln_b):
    # dgl.add_self_loop
    loop = jnp.arange(N, dtype=edge_index.dtype)
    src = jnp.concatenate([edge_index[0], loop])
    dst = jnp.concatenate([edge_index[1], loop])

    deg_out = jnp.zeros((N,), jnp.float32).at[src].add(1.0)
    deg_in = jnp.zeros((N,), jnp.float32).at[dst].add(1.0)
    norm_src = jnp.where(deg_out > 0, deg_out ** -0.5, 0.0)
    norm_dst = jnp.where(deg_in > 0, deg_in ** -0.5, 0.0)

    def gconv(x, W, b):
        # DGL GraphConv, norm='both': D_dst^{-1/2} A D_src^{-1/2} X W + b
        h = (x * norm_src[:, None]) @ W
        agg = jnp.zeros((N, W.shape[1]), jnp.float32).at[dst].add(h[src])
        return agg * norm_dst[:, None] + b

    conv_layer_skip = gconv(curr_h, convW, convB) * conv_w[None, :]
    conv_layer_act = jax.nn.relu(conv_layer_skip)
    conv_layer = jnp.concatenate([conv_layer_act, conv_layer_skip], axis=1)

    fused = curr_inc @ next_h
    td_skip = gconv(fused, fusW, fusB) * topDown_w[None, :]
    td_act = jax.nn.relu(td_skip)
    td_layer = jnp.concatenate([td_act, td_skip], axis=1)

    result = conv_layer + td_layer
    result = result @ catW + catB
    mu = jnp.mean(result, axis=-1, keepdims=True)
    var = jnp.var(result, axis=-1, keepdims=True)
    result = (result - mu) / jnp.sqrt(var + 1e-5) * ln_g + ln_b
    # dropout p=0.0 (eval) -> identity
    return result

if __name__ == "__main__":
    import jax
    _d = setup_inputs()
    print(jax.jit(kernel)(*tuple(_d.values())))

</pallas_src>

<mosaic_0001>
#map = affine_map<(d0, d1) -> (0, 0)>
module attributes {stable_mosaic.version = 14 : i64} {
  func.func @scatter_kernel(%arg0: i32, %arg1: i32, %arg2: memref<2560x128xi32, #tpu.memory_space<hbm>>, %arg3: memref<2560x128xi32, #tpu.memory_space<hbm>>, %arg4: memref<10240x128xf32, #tpu.memory_space<hbm>>, %arg5: memref<10240x128xf32, #tpu.memory_space<hbm>>, %arg6: memref<10112x128xf32, #tpu.memory_space<hbm>>, %arg7: memref<10112x128xf32, #tpu.memory_space<hbm>>, %arg8: memref<16x128xi32, #tpu.memory_space<vmem>>, %arg9: memref<16x128xi32, #tpu.memory_space<vmem>>, %arg10: memref<128x128xf32, #tpu.memory_space<vmem>>, %arg11: memref<128x128xf32, #tpu.memory_space<vmem>>, %arg12: memref<10112x128xf32, #tpu.memory_space<vmem_shared>>, %arg13: memref<!tpu.dma_semaphore, #tpu.memory_space<semaphore_mem>>, %arg14: memref<!tpu.dma_semaphore, #tpu.memory_space<semaphore_mem>>, %arg15: memref<!tpu.dma_semaphore, #tpu.memory_space<semaphore_mem>>, %arg16: memref<!tpu.dma_semaphore, #tpu.memory_space<semaphore_mem>>) attributes {dimension_semantics = [#tpu.dimension_semantics<core_parallel>, #tpu.dimension_semantics<subcore_parallel>], iteration_bounds = array<i64: 2, 16>, scalar_prefetch = 0 : i64, scratch_operands = 9 : i64, tpu.core_type = #tpu.core_type<sc_vector_subcore>, window_params = [{transform_indices = #map}, {transform_indices = #map}, {transform_indices = #map}, {transform_indices = #map}, {transform_indices = #map}, {transform_indices = #map}]} {
    %eq3A = arith.constant 0 : i32
    %eq3A_0 = arith.cmpi eq, %arg0, %eq3A : i32
    %convert_element_type3A = arith.extui %eq3A_0 : i1 to i32
    %cond3A = arith.constant 0 : i32
    %cond3A_1 = arith.cmpi ne, %convert_element_type3A, %cond3A : i32
    scf.if %cond3A_1 {
      %mul3A = arith.constant 632 : i32
      %mul3A_7 = arith.muli %arg1, %mul3A : i32
      %mul3A_8 = arith.constant 632 : i32
      %mul3A_9 = arith.muli %arg1, %mul3A_8 : i32
      "tpu.region"() ({
        %run_scoped3A = tpu.sem_alloc : memref<!tpu.dma_semaphore, #tpu.memory_space<semaphore_mem>>
        %dma_start3A = arith.constant 0 : i32
        %dma_start3A_21 = tpu.memref_slice %arg12[%mul3A_9, %dma_start3A] : memref<10112x128xf32, #tpu.memory_space<vmem_shared>> -> memref<632x128xf32, #tpu.memory_space<vmem_shared>>
        %dma_start3A_22 = arith.constant 0 : i32
        %dma_start3A_23 = tpu.memref_slice %arg4[%mul3A_7, %dma_start3A_22] : memref<10240x128xf32, #tpu.memory_space<hbm>> -> memref<632x128xf32, #tpu.memory_space<hbm>>
        tpu.enqueue_dma source(%dma_start3A_23 : memref<632x128xf32, #tpu.memory_space<hbm>>) target(%dma_start3A_21 : memref<632x128xf32, #tpu.memory_space<vmem_shared>>) target_semaphore(%run_scoped3A : memref<!tpu.dma_semaphore, #tpu.memory_space<semaphore_mem>>)
        %dma_wait3A = arith.constant 0 : i32
        %dma_wait3A_24 = tpu.memref_slice %arg12[%mul3A_9, %dma_wait3A] : memref<10112x128xf32, #tpu.memory_space<vmem_shared>> -> memref<632x128xf32, #tpu.memory_space<vmem_shared>>
        %dma_wait3A_25 = arith.constant 0 : i32
        %dma_wait3A_26 = tpu.memref_slice %arg4[%mul3A_7, %dma_wait3A_25] : memref<10240x128xf32, #tpu.memory_space<hbm>> -> memref<632x128xf32, #tpu.memory_space<hbm>>
        tpu.wait_dma2 semaphore(%run_scoped3A : memref<!tpu.dma_semaphore, #tpu.memory_space<semaphore_mem>>) src(%dma_wait3A_26 : memref<632x128xf32, #tpu.memory_space<hbm>>) dst(%dma_wait3A_24 : memref<632x128xf32, #tpu.memory_space<vmem_shared>>)
        tpu.yield
      }) : () -> ()
      %barrier3A = arith.constant 0 : index
      tpu.barrier barrier_id(%barrier3A)
      %scan3A = arith.constant 0 : i32
      %scan3A_10 = arith.constant 0 : i32
      %scan3A_11 = arith.constant 10 : i32
      %scan3A_12 = arith.addi %scan3A_10, %scan3A_11 : i32
      %scan3A_13 = arith.constant 1 : i32
      %scan3A_14 = scf.for %scan3A_21 = %scan3A_10 to %scan3A_12 step %scan3A_13 iter_args(%scan3A_22 = %scan3A) -> (i32)  : i32 {
        %mul3A_23 = arith.constant 160 : i32
        %mul3A_24 = arith.muli %arg1, %mul3A_23 : i32
        %mul3A_25 = arith.constant 16 : i32
        %mul3A_26 = arith.muli %scan3A_21, %mul3A_25 : i32
        %add3A = arith.addi %mul3A_24, %mul3A_26 : i32
        "tpu.region"() ({
          %run_scoped3A = tpu.sem_alloc : memref<!tpu.dma_semaphore, #tpu.memory_space<semaphore_mem>>
          %dma_start3A_474 = arith.constant 0 : i32
          %dma_start3A_475 = tpu.memref_slice %arg2[%add3A, %dma_start3A_474] : memref<2560x128xi32, #tpu.memory_space<hbm>> -> memref<16x128xi32, #tpu.memory_space<hbm>>
          %dma_start3A_476 = arith.constant 0 : i32
          %dma_start3A_477 = tpu.memref_slice %arg2[%add3A, %dma_start3A_476] : memref<2560x128xi32, #tpu.memory_space<hbm>> -> memref<16x128xi32, #tpu.memory_space<hbm>>
          tpu.enqueue_dma source(%dma_start3A_477 : memref<16x128xi32, #tpu.memory_space<hbm>>) target(%arg8 : memref<16x128xi32, #tpu.memory_space<vmem>>) target_semaphore(%run_scoped3A : memref<!tpu.dma_semaphore, #tpu.memory_space<semaphore_mem>>)
          %dma_wait3A_478 = arith.constant 0 : i32
          %dma_wait3A_479 = tpu.memref_slice %arg2[%add3A, %dma_wait3A_478] : memref<2560x128xi32, #tpu.memory_space<hbm>> -> memref<16x128xi32, #tpu.memory_space<hbm>>
          %dma_wait3A_480 = arith.constant 0 : i32
          %dma_wait3A_481 = tpu.memref_slice %arg2[%add3A, %dma_wait3A_480] : memref<2560x128xi32, #tpu.memory_space<hbm>> -> memref<16x128xi32, #tpu.memory_space<hbm>>
          tpu.wait_dma2 semaphore(%run_scoped3A : memref<!tpu.dma_semaphore, #tpu.memory_space<semaphore_mem>>) src(%dma_wait3A_481 : memref<16x128xi32, #tpu.memory_space<hbm>>) dst(%arg8 : memref<16x128xi32, #tpu.memory_space<vmem>>)
          tpu.yield
        }) : () -> ()
        "tpu.region"() ({
          %run_scoped3A = tpu.sem_alloc : memref<!tpu.dma_semaphore, #tpu.memory_space<semaphore_mem>>
          %dma_start3A_474 = arith.constant 0 : i32
          %dma_start3A_475 = tpu.memref_slice %arg3[%add3A, %dma_start3A_474] : memref<2560x128xi32, #tpu.memory_space<hbm>> -> memref<16x128xi32, #tpu.memory_space<hbm>>
          %dma_start3A_476 = arith.constant 0 : i32
          %dma_start3A_477 = tpu.memref_slice %arg3[%add3A, %dma_start3A_476] : memref<2560x128xi32, #tpu.memory_space<hbm>> -> memref<16x128xi32, #tpu.memory_space<hbm>>
          tpu.enqueue_dma source(%dma_start3A_477 : memref<16x128xi32, #tpu.memory_space<hbm>>) target(%arg9 : memref<16x128xi32, #tpu.memory_space<vmem>>) target_semaphore(%run_scoped3A : memref<!tpu.dma_semaphore, #tpu.memory_space<semaphore_mem>>)
          %dma_wait3A_478 = arith.constant 0 : i32
          %dma_wait3A_479 = tpu.memref_slice %arg3[%add3A, %dma_wait3A_478] : memref<2560x128xi32, #tpu.memory_space<hbm>> -> memref<16x128xi32, #tpu.memory_space<hbm>>
          %dma_wait3A_480 = arith.constant 0 : i32
          %dma_wait3A_481 = tpu.memref_slice %arg3[%add3A, %dma_wait3A_480] : memref<2560x128xi32, #tpu.memory_space<hbm>> -> memref<16x128xi32, #tpu.memory_space<hbm>>
          tpu.wait_dma2 semaphore(%run_scoped3A : memref<!tpu.dma_semaphore, #tpu.memory_space<semaphore_mem>>) src(%dma_wait3A_481 : memref<16x128xi32, #tpu.memory_space<hbm>>) dst(%arg9 : memref<16x128xi32, #tpu.memory_space<vmem>>)
          tpu.yield
        }) : () -> ()
        %dma_start3A = arith.constant 0 : i32
        %dma_start3A_27 = arith.constant 0 : i32
        %dma_start3A_28 = tpu.memref_slice %arg8[%dma_start3A, %dma_start3A_27] : memref<16x128xi32, #tpu.memory_space<vmem>> -> memref<1x128xi32, #tpu.memory_space<vmem>>
        %dma_start3A_29 = tpu.memref_squeeze %dma_start3A_28 : memref<1x128xi32, #tpu.memory_space<vmem>> -> memref<128xi32, #tpu.memory_space<vmem>>
        %dma_start3A_30 = arith.constant 0 : i32
        %dma_start3A_31 = arith.constant 0 : i32
        %dma_start3A_32 = tpu.memref_slice %arg4[%dma_start3A_30, %dma_start3A_31] : memref<10240x128xf32, #tpu.memory_space<hbm>> -> memref<10240x128xf32, #tpu.memory_space<hbm>>
        tpu.enqueue_indirect_dma source(%dma_start3A_32 : memref<10240x128xf32, #tpu.memory_space<hbm>>) target(%arg10 : memref<128x128xf32, #tpu.memory_space<vmem>>) offsets(%dma_start3A_29 : memref<128xi32, #tpu.memory_space<vmem>>) semaphore(%arg13 : memref<!tpu.dma_semaphore, #tpu.memory_space<semaphore_mem>>)
        %dma_wait3A = arith.constant 0 : i32
        %dma_wait3A_33 = arith.constant 0 : i32
        %dma_wait3A_34 = tpu.memref_slice %arg8[%dma_wait3A, %dma_wait3A_33] : memref<16x128xi32, #tpu.memory_space<vmem>> -> memref<1x128xi32, #tpu.memory_space<vmem>>
        %dma_wait3A_35 = tpu.memref_squeeze %dma_wait3A_34 : memref<1x128xi32, #tpu.memory_space<vmem>> -> memref<128xi32, #tpu.memory_space<vmem>>
        %dma_wait3A_36 = arith.constant 0 : i32
        %dma_wait3A_37 = arith.constant 0 : i32
        %dma_wait3A_38 = tpu.memref_slice %arg4[%dma_wait3A_36, %dma_wait3A_37] : memref<10240x128xf32, #tpu.memory_space<hbm>> -> memref<10240x128xf32, #tpu.memory_space<hbm>>
        tpu.wait_indirect_dma semaphore(%arg13 : memref<!tpu.dma_semaphore, #tpu.memory_space<semaphore_mem>>) src(%dma_wait3A_38 : memref<10240x128xf32, #tpu.memory_space<hbm>>) dst(%arg10 : memref<128x128xf32, #tpu.memory_space<vmem>>)
        %dma_start3A_39 = arith.constant 1 : i32
        %dma_start3A_40 = arith.constant 0 : i32
        %dma_start3A_41 = tpu.memref_slice %arg8[%dma_start3A_39, %dma_start3A_40] : memref<16x128xi32, #tpu.memory_space<vmem>> -> memref<1x128xi32, #tpu.memory_space<vmem>>
        %dma_start3A_42 = tpu.memref_squeeze %dma_start3A_41 : memref<1x128xi32, #tpu.memory_space<vmem>> -> memref<128xi32, #tpu.memory_space<vmem>>
        %dma_start3A_43 = arith.constant 0 : i32
        %dma_start3A_44 = arith.constant 0 : i32
        %dma_start3A_45 = tpu.memref_slice %arg4[%dma_start3A_43, %dma_start3A_44] : memref<10240x128xf32, #tpu.memory_space<hbm>> -> memref<10240x128xf32, #tpu.memory_space<hbm>>
        tpu.enqueue_indirect_dma source(%dma_start3A_45 : memref<10240x128xf32, #tpu.memory_space<hbm>>) target(%arg11 : memref<128x128xf32, #tpu.memory_space<vmem>>) offsets(%dma_start3A_42 : memref<128xi32, #tpu.memory_space<vmem>>) semaphore(%arg14 : memref<!tpu.dma_semaphore, #tpu.memory_space<semaphore_mem>>)
        %dma_start3A_46 = arith.constant 0 : i32
        %dma_start3A_47 = arith.constant 0 : i32
        %dma_start3A_48 = tpu.memref_slice %arg9[%dma_start3A_46, %dma_start3A_47] : memref<16x128xi32, #tpu.memory_space<vmem>> -> memref<1x128xi32, #tpu.memory_space<vmem>>
        %dma_start3A_49 = tpu.memref_squeeze %dma_start3A_48 : memref<1x128xi32, #tpu.memory_space<vmem>> -> memref<128xi32, #tpu.memory_space<vmem>>
        %dma_start3A_50 = arith.constant 0 : i32
        %dma_start3A_51 = arith.constant 0 : i32
        %dma_start3A_52 = tpu.memref_slice %arg12[%dma_start3A_50, %dma_start3A_51] : memref<10112x128xf32, #tpu.memory_space<vmem_shared>> -> memref<10112x128xf32, #tpu.memory_space<vmem_shared>>
        tpu.enqueue_indirect_dma source(%arg10 : memref<128x128xf32, #tpu.memory_space<vmem>>) target(%dma_start3A_52 : memref<10112x128xf32, #tpu.memory_space<vmem_shared>>) offsets(%dma_start3A_49 : memref<128xi32, #tpu.memory_space<vmem>>) semaphore(%arg15 : memref<!tpu.dma_semaphore, #tpu.memory_space<semaphore_mem>>) {add = true}
        %dma_wait3A_53 = arith.constant 1 : i32
        %dma_wait3A_54 = arith.constant 0 : i32
        %dma_wait3A_55 = tpu.memref_slice %arg8[%dma_wait3A_53, %dma_wait3A_54] : memref<16x128xi32, #tpu.memory_space<vmem>> -> memref<1x128xi32, #tpu.memory_space<vmem>>
        %dma_wait3A_56 = tpu.memref_squeeze %dma_wait3A_55 : memref<1x128xi32, #tpu.memory_space<vmem>> -> memref<128xi32, #tpu.memory_space<vmem>>
        %dma_wait3A_57 = arith.constant 0 : i32
        %dma_wait3A_58 = arith.constant 0 : i32
        %dma_wait3A_59 = tpu.memref_slice %arg4[%dma_wait3A_57, %dma_wait3A_58] : memref<10240x128xf32, #tpu.memory_space<hbm>> -> memref<10240x128xf32, #tpu.memory_space<hbm>>
        tpu.wait_indirect_dma semaphore(%arg14 : memref<!tpu.dma_semaphore, #tpu.memory_space<semaphore_mem>>) src(%dma_wait3A_59 : memref<10240x128xf32, #tpu.memory_space<hbm>>) dst(%arg11 : memref<128x128xf32, #tpu.memory_space<vmem>>)
        %dma_wait3A_60 = arith.constant 0 : i32
        %dma_wait3A_61 = arith.constant 0 : i32
        %dma_wait3A_62 = tpu.memref_slice %arg9[%dma_wait3A_60, %dma_wait3A_61] : memref<16x128xi32, #tpu.memory_space<vmem>> -> memref<1x128xi32, #tpu.memory_space<vmem>>
        %dma_wait3A_63 = tpu.memref_squeeze %dma_wait3A_62 : memref<1x128xi32, #tpu.memory_space<vmem>> -> memref<128xi32, #tpu.memory_space<vmem>>
        %dma_wait3A_64 = arith.constant 0 : i32
        %dma_wait3A_65 = arith.constant 0 : i32
        %dma_wait3A_66 = tpu.memref_slice %arg12[%dma_wait3A_64, %dma_wait3A_65] : memref<10112x128xf32, #tpu.memory_space<vmem_shared>> -> memref<10112x128xf32, #tpu.memory_space<vmem_shared>>
        tpu.wait_indirect_dma semaphore(%arg15 : memref<!tpu.dma_semaphore, #tpu.memory_space<semaphore_mem>>) src(%arg10 : memref<128x128xf32, #tpu.memory_space<vmem>>) dst(%dma_wait3A_66 : memref<10112x128xf32, #tpu.memory_space<vmem_shared>>)
        %dma_start3A_67 = arith.constant 2 : i32
        %dma_start3A_68 = arith.constant 0 : i32
        %dma_start3A_69 = tpu.memref_slice %arg8[%dma_start3A_67, %dma_start3A_68] : memref<16x128xi32, #tpu.memory_space<vmem>> -> memref<1x128xi32, #tpu.memory_space<vmem>>
        %dma_start3A_70 = tpu.memref_squeeze %dma_start3A_69 : memref<1x128xi32, #tpu.memory_space<vmem>> -> memref<128xi32, #tpu.memory_space<vmem>>
        %dma_start3A_71 = arith.constant 0 : i32
        %dma_start3A_72 = arith.constant 0 : i32
        %dma_start3A_73 = tpu.memref_slice %arg4[%dma_start3A_71, %dma_start3A_72] : memref<10240x128xf32, #tpu.memory_space<hbm>> -> memref<10240x128xf32, #tpu.memory_space<hbm>>
        tpu.enqueue_indirect_dma source(%dma_start3A_73 : memref<10240x128xf32, #tpu.memory_space<hbm>>) target(%arg10 : memref<128x128xf32, #tpu.memory_space<vmem>>) offsets(%dma_start3A_70 : memref<128xi32, #tpu.memory_space<vmem>>) semaphore(%arg13 : memref<!tpu.dma_semaphore, #tpu.memory_space<semaphore_mem>>)
        %dma_start3A_74 = arith.constant 1 : i32
        %dma_start3A_75 = arith.constant 0 : i32
        %dma_start3A_76 = tpu.memref_slice %arg9[%dma_start3A_74, %dma_start3A_75] : memref<16x128xi32, #tpu.memory_space<vmem>> -> memref<1x128xi32, #tpu.memory_space<vmem>>
        %dma_start3A_77 = tpu.memref_squeeze %dma_start3A_76 : memref<1x128xi32, #tpu.memory_space<vmem>> -> memref<128xi32, #tpu.memory_space<vmem>>
        %dma_start3A_78 = arith.constant 0 : i32
        %dma_start3A_79 = arith.constant 0 : i32
        %dma_start3A_80 = tpu.memref_slice %arg12[%dma_start3A_78, %dma_start3A_79] : memref<10112x128xf32, #tpu.memory_space<vmem_shared>> -> memref<10112x128xf32, #tpu.memory_space<vmem_shared>>
        tpu.enqueue_indirect_dma source(%arg11 : memref<128x128xf32, #tpu.memory_space<vmem>>) target(%dma_start3A_80 : memref<10112x128xf32, #tpu.memory_space<vmem_shared>>) offsets(%dma_start3A_77 : memref<128xi32, #tpu.memory_space<vmem>>) semaphore(%arg16 : memref<!tpu.dma_semaphore, #tpu.memory_space<semaphore_mem>>) {add = true}
        %dma_wait3A_81 = arith.constant 2 : i32
        %dma_wait3A_82 = arith.constant 0 : i32
        %dma_wait3A_83 = tpu.memref_slice %arg8[%dma_wait3A_81, %dma_wait3A_82] : memref<16x128xi32, #tpu.memory_space<vmem>> -> memref<1x128xi32, #tpu.memory_space<vmem>>
        %dma_wait3A_84 = tpu.memref_squeeze %dma_wait3A_83 : memref<1x128xi32, #tpu.memory_space<vmem>> -> memref<128xi32, #tpu.memory_space<vmem>>
        %dma_wait3A_85 = arith.constant 0 : i32
        %dma_wait3A_86 = arith.constant 0 : i32
        %dma_wait3A_87 = tpu.memref_slice %arg4[%dma_wait3A_85, %dma_wait3A_86] : memref<10240x128xf32, #tpu.memory_space<hbm>> -> memref<10240x128xf32, #tpu.memory_space<hbm>>
        tpu.wait_indirect_dma semaphore(%arg13 : memref<!tpu.dma_semaphore, #tpu.memory_space<semaphore_mem>>) src(%dma_wait3A_87 : memref<10240x128xf32, #tpu.memory_space<hbm>>) dst(%arg10 : memref<128x128xf32, #tpu.memory_space<vmem>>)
        %dma_wait3A_88 = arith.constant 1 : i32
        %dma_wait3A_89 = arith.constant 0 : i32
        %dma_wait3A_90 = tpu.memref_slice %arg9[%dma_wait3A_88, %dma_wait3A_89] : memref<16x128xi32, #tpu.memory_space<vmem>> -> memref<1x128xi32, #tpu.memory_space<vmem>>
        %dma_wait3A_91 = tpu.memref_squeeze %dma_wait3A_90 : memref<1x128xi32, #tpu.memory_space<vmem>> -> memref<128xi32, #tpu.memory_space<vmem>>
        %dma_wait3A_92 = arith.constant 0 : i32
        %dma_wait3A_93 = arith.constant 0 : i32
        %dma_wait3A_94 = tpu.memref_slice %arg12[%dma_wait3A_92, %dma_wait3A_93] : memref<10112x128xf32, #tpu.memory_space<vmem_shared>> -> memref<10112x128xf32, #tpu.memory_space<vmem_shared>>
        tpu.wait_indirect_dma semaphore(%arg16 : memref<!tpu.dma_semaphore, #tpu.memory_space<semaphore_mem>>) src(%arg11 : memref<128x128xf32, #tpu.memory_space<vmem>>) dst(%dma_wait3A_94 : memref<10112x128xf32, #tpu.memory_space<vmem_shared>>)
        %dma_start3A_95 = arith.constant 3 : i32
        %dma_start3A_96 = arith.constant 0 : i32
        %dma_start3A_97 = tpu.memref_slice %arg8[%dma_start3A_95, %dma_start3A_96] : memref<16x128xi32, #tpu.memory_space<vmem>> -> memref<1x128xi32, #tpu.memory_space<vmem>>
        %dma_start3A_98 = tpu.memref_squeeze %dma_start3A_97 : memref<1x128xi32, #tpu.memory_space<vmem>> -> memref<128xi32, #tpu.memory_space<vmem>>
        %dma_start3A_99 = arith.constant 0 : i32
        %dma_start3A_100 = arith.constant 0 : i32
        %dma_start3A_101 = tpu.memref_slice %arg4[%dma_start3A_99, %dma_start3A_100] : memref<10240x128xf32, #tpu.memory_space<hbm>> -> memref<10240x128xf32, #tpu.memory_space<hbm>>
        tpu.enqueue_indirect_dma source(%dma_start3A_101 : memref<10240x128xf32, #tpu.memory_space<hbm>>) target(%arg11 : memref<128x128xf32, #tpu.memory_space<vmem>>) offsets(%dma_start3A_98 : memref<128xi32, #tpu.memory_space<vmem>>) semaphore(%arg14 : memref<!tpu.dma_semaphore, #tpu.memory_space<semaphore_mem>>)
        %dma_start3A_102 = arith.constant 2 : i32
        %dma_start3A_103 = arith.constant 0 : i32
        %dma_start3A_104 = tpu.memref_slice %arg9[%dma_start3A_102, %dma_start3A_103] : memref<16x128xi32, #tpu.memory_space<vmem>> -> memref<1x128xi32, #tpu.memory_space<vmem>>
        %dma_start3A_105 = tpu.memref_squeeze %dma_start3A_104 : memref<1x128xi32, #tpu.memory_space<vmem>> -> memref<128xi32, #tpu.memory_space<vmem>>
        %dma_start3A_106 = arith.constant 0 : i32
        %dma_start3A_107 = arith.constant 0 : i32
        %dma_start3A_108 = tpu.memref_slice %arg12[%dma_start3A_106, %dma_start3A_107] : memref<10112x128xf32, #tpu.memory_space<vmem_shared>> -> memref<10112x128xf32, #tpu.memory_space<vmem_shared>>
        tpu.enqueue_indirect_dma source(%arg10 : memref<128x128xf32, #tpu.memory_space<vmem>>) target(%dma_start3A_108 : memref<10112x128xf32, #tpu.memory_space<vmem_shared>>) offsets(%dma_start3A_105 : memref<128xi32, #tpu.memory_space<vmem>>) semaphore(%arg15 : memref<!tpu.dma_semaphore, #tpu.memory_space<semaphore_mem>>) {add = true}
        %dma_wait3A_109 = arith.constant 3 : i32
        %dma_wait3A_110 = arith.constant 0 : i32
        %dma_wait3A_111 = tpu.memref_slice %arg8[%dma_wait3A_109, %dma_wait3A_110] : memref<16x128xi32, #tpu.memory_space<vmem>> -> memref<1x128xi32, #tpu.memory_space<vmem>>
        %dma_wait3A_112 = tpu.memref_squeeze %dma_wait3A_111 : memref<1x128xi32, #tpu.memory_space<vmem>> -> memref<128xi32, #tpu.memory_space<vmem>>
        %dma_wait3A_113 = arith.constant 0 : i32
        %dma_wait3A_114 = arith.constant 0 : i32
        %dma_wait3A_115 = tpu.memref_slice %arg4[%dma_wait3A_113, %dma_wait3A_114] : memref<10240x128xf32, #tpu.memory_space<hbm>> -> memref<10240x128xf32, #tpu.memory_space<hbm>>
        tpu.wait_indirect_dma semaphore(%arg14 : memref<!tpu.dma_semaphore, #tpu.memory_space<semaphore_mem>>) src(%dma_wait3A_115 : memref<10240x128xf32, #tpu.memory_space<hbm>>) dst(%arg11 : memref<128x128xf32, #tpu.memory_space<vmem>>)
        %dma_wait3A_116 = arith.constant 2 : i32
        %dma_wait3A_117 = arith.constant 0 : i32
        %dma_wait3A_118 = tpu.memref_slice %arg9[%dma_wait3A_116, %dma_wait3A_117] : memref<16x128xi32, #tpu.memory_space<vmem>> -> memref<1x128xi32, #tpu.memory_space<vmem>>
        %dma_wait3A_119 = tpu.memref_squeeze %dma_wait3A_118 : memref<1x128xi32, #tpu.memory_space<vmem>> -> memref<128xi32, #tpu.memory_space<vmem>>
        %dma_wait3A_120 = arith.constant 0 : i32
        %dma_wait3A_121 = arith.constant 0 : i32
        %dma_wait3A_122 = tpu.memref_slice %arg12[%dma_wait3A_120, %dma_wait3A_121] : memref<10112x128xf32, #tpu.memory_space<vmem_shared>> -> memref<10112x128xf32, #tpu.memory_space<vmem_shared>>
        tpu.wait_indirect_dma semaphore(%arg15 : memref<!tpu.dma_semaphore, #tpu.memory_space<semaphore_mem>>) src(%arg10 : memref<128x128xf32, #tpu.memory_space<vmem>>) dst(%dma_wait3A_122 : memref<10112x128xf32, #tpu.memory_space<vmem_shared>>)
        %dma_start3A_123 = arith.constant 4 : i32
        %dma_start3A_124 = arith.constant 0 : i32
        %dma_start3A_125 = tpu.memref_slice %arg8[%dma_start3A_123, %dma_start3A_124] : memref<16x128xi32, #tpu.memory_space<vmem>> -> memref<1x128xi32, #tpu.memory_space<vmem>>
        %dma_start3A_126 = tpu.memref_squeeze %dma_start3A_125 : memref<1x128xi32, #tpu.memory_space<vmem>> -> memref<128xi32, #tpu.memory_space<vmem>>
        %dma_start3A_127 = arith.constant 0 : i32
        %dma_start3A_128 = arith.constant 0 : i32
        %dma_start3A_129 = tpu.memref_slice %arg4[%dma_start3A_127, %dma_start3A_128] : memref<10240x128xf32, #tpu.memory_space<hbm>> -> memref<10240x128xf32, #tpu.memory_space<hbm>>
        tpu.enqueue_indirect_dma source(%dma_start3A_129 : memref<10240x128xf32, #tpu.memory_space<hbm>>) target(%arg10 : memref<128x128xf32, #tpu.memory_space<vmem>>) offsets(%dma_start3A_126 : memref<128xi32, #tpu.memory_space<vmem>>) semaphore(%arg13 : memref<!tpu.dma_semaphore, #tpu.memory_space<semaphore_mem>>)
        %dma_start3A_130 = arith.constant 3 : i32
        %dma_start3A_131 = arith.constant 0 : i32
        %dma_start3A_132 = tpu.memref_slice %arg9[%dma_start3A_130, %dma_start3A_131] : memref<16x128xi32, #tpu.memory_space<vmem>> -> memref<1x128xi32, #tpu.memory_space<vmem>>
        %dma_start3A_133 = tpu.memref_squeeze %dma_start3A_132 : memref<1x128xi32, #tpu.memory_space<vmem>> -> memref<128xi32, #tpu.memory_space<vmem>>
        %dma_start3A_134 = arith.constant 0 : i32
        %dma_start3A_135 = arith.constant 0 : i32
        %dma_start3A_136 = tpu.memref_slice %arg12[%dma_start3A_134, %dma_start3A_135] : memref<10112x128xf32, #tpu.memory_space<vmem_shared>> -> memref<10112x128xf32, #tpu.memory_space<vmem_shared>>
        tpu.enqueue_indirect_dma source(%arg11 : memref<128x128xf32, #tpu.memory_space<vmem>>) target(%dma_start3A_136 : memref<10112x128xf32, #tpu.memory_space<vmem_shared>>) offsets(%dma_start3A_133 : memref<128xi32, #tpu.memory_space<vmem>>) semaphore(%arg16 : memref<!tpu.dma_semaphore, #tpu.memory_space<semaphore_mem>>) {add = true}
        %dma_wait3A_137 = arith.constant 4 : i32
        %dma_wait3A_138 = arith.constant 0 : i32
        %dma_wait3A_139 = tpu.memref_slice %arg8[%dma_wait3A_137, %dma_wait3A_138] : memref<16x128xi32, #tpu.memory_space<vmem>> -> memref<1x128xi32, #tpu.memory_space<vmem>>
        %dma_wait3A_140 = tpu.memref_squeeze %dma_wait3A_139 : memref<1x128xi32, #tpu.memory_space<vmem>> -> memref<128xi32, #tpu.memory_space<vmem>>
        %dma_wait3A_141 = arith.constant 0 : i32
        %dma_wait3A_142 = arith.constant 0 : i32
        %dma_wait3A_143 = tpu.memref_slice %arg4[%dma_wait3A_141, %dma_wait3A_142] : memref<10240x128xf32, #tpu.memory_space<hbm>> -> memref<10240x128xf32, #tpu.memory_space<hbm>>
        tpu.wait_indirect_dma semaphore(%arg13 : memref<!tpu.dma_semaphore, #tpu.memory_space<semaphore_mem>>) src(%dma_wait3A_143 : memref<10240x128xf32, #tpu.memory_space<hbm>>) dst(%arg10 : memref<128x128xf32, #tpu.memory_space<vmem>>)
        %dma_wait3A_144 = arith.constant 3 : i32
        %dma_wait3A_145 = arith.constant 0 : i32
        %dma_wait3A_146 = tpu.memref_slice %arg9[%dma_wait3A_144, %dma_wait3A_145] : memref<16x128xi32, #tpu.memory_space<vmem>> -> memref<1x128xi32, #tpu.memory_space<vmem>>
        %dma_wait3A_147 = tpu.memref_squeeze %dma_wait3A_146 : memref<1x128xi32, #tpu.memory_space<vmem>> -> memref<128xi32, #tpu.memory_space<vmem>>
        %dma_wait3A_148 = arith.constant 0 : i32
        %dma_wait3A_149 = arith.constant 0 : i32
        %dma_wait3A_150 = tpu.memref_slice %arg12[%dma_wait3A_148, %dma_wait3A_149] : memref<10112x128xf32, #tpu.memory_space<vmem_shared>> -> memref<10112x128xf32, #tpu.memory_space<vmem_shared>>
        tpu.wait_indirect_dma semaphore(%arg16 : memref<!tpu.dma_semaphore, #tpu.memory_space<semaphore_mem>>) src(%arg11 : memref<128x128xf32, #tpu.memory_space<vmem>>) dst(%dma_wait3A_150 : memref<10112x128xf32, #tpu.memory_space<vmem_shared>>)
        %dma_start3A_151 = arith.constant 5 : i32
        %dma_start3A_152 = arith.constant 0 : i32
        %dma_start3A_153 = tpu.memref_slice %arg8[%dma_start3A_151, %dma_start3A_152] : memref<16x128xi32, #tpu.memory_space<vmem>> -> memref<1x128xi32, #tpu.memory_space<vmem>>
        %dma_start3A_154 = tpu.memref_squeeze %dma_start3A_153 : memref<1x128xi32, #tpu.memory_space<vmem>> -> memref<128xi32, #tpu.memory_space<vmem>>
        %dma_start3A_155 = arith.constant 0 : i32
        %dma_start3A_156 = arith.constant 0 : i32
        %dma_start3A_157 = tpu.memref_slice %arg4[%dma_start3A_155, %dma_start3A_156] : memref<10240x128xf32, #tpu.memory_space<hbm>> -> memref<10240x128xf32, #tpu.memory_space<hbm>>
        tpu.enqueue_indirect_dma source(%dma_start3A_157 : memref<10240x128xf32, #tpu.memory_space<hbm>>) target(%arg11 : memref<128x128xf32, #tpu.memory_space<vmem>>) offsets(%dma_start3A_154 : memref<128xi32, #tpu.memory_space<vmem>>) semaphore(%arg14 : memref<!tpu.dma_semaphore, #tpu.memory_space<semaphore_mem>>)
        %dma_start3A_158 = arith.constant 4 : i32
        %dma_start3A_159 = arith.constant 0 : i32
        %dma_start3A_160 = tpu.memref_slice %arg9[%dma_start3A_158, %dma_start3A_159] : memref<16x128xi32, #tpu.memory_space<vmem>> -> memref<1x128xi32, #tpu.memory_space<vmem>>
        %dma_start3A_161 = tpu.memref_squeeze %dma_start3A_160 : memref<1x128xi32, #tpu.memory_space<vmem>> -> memref<128xi32, #tpu.memory_space<vmem>>
        %dma_start3A_162 = arith.constant 0 : i32
        %dma_start3A_163 = arith.constant 0 : i32
        %dma_start3A_164 = tpu.memref_slice %arg12[%dma_start3A_162, %dma_start3A_163] : memref<10112x128xf32, #tpu.memory_space<vmem_shared>> -> memref<10112x128xf32, #tpu.memory_space<vmem_shared>>
        tpu.enqueue_indirect_dma source(%arg10 : memref<128x128xf32, #tpu.memory_space<vmem>>) target(%dma_start3A_164 : memref<10112x128xf32, #tpu.memory_space<vmem_shared>>) offsets(%dma_start3A_161 : memref<128xi32, #tpu.memory_space<vmem>>) semaphore(%arg15 : memref<!tpu.dma_semaphore, #tpu.memory_space<semaphore_mem>>) {add = true}
        %dma_wait3A_165 = arith.constant 5 : i32
        %dma_wait3A_166 = arith.constant 0 : i32
        %dma_wait3A_167 = tpu.memref_slice %arg8[%dma_wait3A_165, %dma_wait3A_166] : memref<16x128xi32, #tpu.memory_space<vmem>> -> memref<1x128xi32, #tpu.memory_space<vmem>>
        %dma_wait3A_168 = tpu.memref_squeeze %dma_wait3A_167 : memref<1x128xi32, #tpu.memory_space<vmem>> -> memref<128xi32, #tpu.memory_space<vmem>>
        %dma_wait3A_169 = arith.constant 0 : i32
        %dma_wait3A_170 = arith.constant 0 : i32
        %dma_wait3A_171 = tpu.memref_slice %arg4[%dma_wait3A_169, %dma_wait3A_170] : memref<10240x128xf32, #tpu.memory_space<hbm>> -> memref<10240x128xf32, #tpu.memory_space<hbm>>
        tpu.wait_indirect_dma semaphore(%arg14 : memref<!tpu.dma_semaphore, #tpu.memory_space<semaphore_mem>>) src(%dma_wait3A_171 : memref<10240x128xf32, #tpu.memory_space<hbm>>) dst(%arg11 : memref<128x128xf32, #tpu.memory_space<vmem>>)
        %dma_wait3A_172 = arith.constant 4 : i32
        %dma_wait3A_173 = arith.constant 0 : i32
        %dma_wait3A_174 = tpu.memref_slice %arg9[%dma_wait3A_172, %dma_wait3A_173] : memref<16x128xi32, #tpu.memory_space<vmem>> -> memref<1x128xi32, #tpu.memory_space<vmem>>
        %dma_wait3A_175 = tpu.memref_squeeze %dma_wait3A_174 : memref<1x128xi32, #tpu.memory_space<vmem>> -> memref<128xi32, #tpu.memory_space<vmem>>
        %dma_wait3A_176 = arith.constant 0 : i32
        %dma_wait3A_177 = arith.constant 0 : i32
        %dma_wait3A_178 = tpu.memref_slice %arg12[%dma_wait3A_176, %dma_wait3A_177] : memref<10112x128xf32, #tpu.memory_space<vmem_shared>> -> memref<10112x128xf32, #tpu.memory_space<vmem_shared>>
        tpu.wait_indirect_dma semaphore(%arg15 : memref<!tpu.dma_semaphore, #tpu.memory_space<semaphore_mem>>) src(%arg10 : memref<128x128xf32, #tpu.memory_space<vmem>>) dst(%dma_wait3A_178 : memref<10112x128xf32, #tpu.memory_space<vmem_shared>>)
        %dma_start3A_179 = arith.constant 6 : i32
        %dma_start3A_180 = arith.constant 0 : i32
        %dma_start3A_181 = tpu.memref_slice %arg8[%dma_start3A_179, %dma_start3A_180] : memref<16x128xi32, #tpu.memory_space<vmem>> -> memref<1x128xi32, #tpu.memory_space<vmem>>
        %dma_start3A_182 = tpu.memref_squeeze %dma_start3A_181 : memref<1x128xi32, #tpu.memory_space<vmem>> -> memref<128xi32, #tpu.memory_space<vmem>>
        %dma_start3A_183 = arith.constant 0 : i32
        %dma_start3A_184 = arith.constant 0 : i32
        %dma_start3A_185 = tpu.memref_slice %arg4[%dma_start3A_183, %dma_start3A_184] : memref<10240x128xf32, #tpu.memory_space<hbm>> -> memref<10240x128xf32, #tpu.memory_space<hbm>>
        tpu.enqueue_indirect_dma source(%dma_start3A_185 : memref<10240x128xf32, #tpu.memory_space<hbm>>) target(%arg10 : memref<128x128xf32, #tpu.memory_space<vmem>>) offsets(%dma_start3A_182 : memref<128xi32, #tpu.memory_space<vmem>>) semaphore(%arg13 : memref<!tpu.dma_semaphore, #tpu.memory_space<semaphore_mem>>)
        %dma_start3A_186 = arith.constant 5 : i32
        %dma_start3A_187 = arith.constant 0 : i32
        %dma_start3A_188 = tpu.memref_slice %arg9[%dma_start3A_186, %dma_start3A_187] : memref<16x128xi32, #tpu.memory_space<vmem>> -> memref<1x128xi32, #tpu.memory_space<vmem>>
        %dma_start3A_189 = tpu.memref_squeeze %dma_start3A_188 : memref<1x128xi32, #tpu.memory_space<vmem>> -> memref<128xi32, #tpu.memory_space<vmem>>
        %dma_start3A_190 = arith.constant 0 : i32
        %dma_start3A_191 = arith.constant 0 : i32
        %dma_start3A_192 = tpu.memref_slice %arg12[%dma_start3A_190, %dma_start3A_191] : memref<10112x128xf32, #tpu.memory_space<vmem_shared>> -> memref<10112x128xf32, #tpu.memory_space<vmem_shared>>
        tpu.enqueue_indirect_dma source(%arg11 : memref<128x128xf32, #tpu.memory_space<vmem>>) target(%dma_start3A_192 : memref<10112x128xf32, #tpu.memory_space<vmem_shared>>) offsets(%dma_start3A_189 : memref<128xi32, #tpu.memory_space<vmem>>) semaphore(%arg16 : memref<!tpu.dma_semaphore, #tpu.memory_space<semaphore_mem>>) {add = true}
        %dma_wait3A_193 = arith.constant 6 : i32
        %dma_wait3A_194 = arith.constant 0 : i32
        %dma_wait3A_195 = tpu.memref_slice %arg8[%dma_wait3A_193, %dma_wait3A_194] : memref<16x128xi32, #tpu.memory_space<vmem>> -> memref<1x128xi32, #tpu.memory_space<vmem>>
        %dma_wait3A_196 = tpu.memref_squeeze %dma_wait3A_195 : memref<1x128xi32, #tpu.memory_space<vmem>> -> memref<128xi32, #tpu.memory_space<vmem>>
        %dma_wait3A_197 = arith.constant 0 : i32
        %dma_wait3A_198 = arith.constant 0 : i32
        %dma_wait3A_199 = tpu.memref_slice %arg4[%dma_wait3A_197, %dma_wait3A_198] : memref<10240x128xf32, #tpu.memory_space<hbm>> -> memref<10240x128xf32, #tpu.memory_space<hbm>>
        tpu.wait_indirect_dma semaphore(%arg13 : memref<!tpu.dma_semaphore, #tpu.memory_space<semaphore_mem>>) src(%dma_wait3A_199 : memref<10240x128xf32, #tpu.memory_space<hbm>>) dst(%arg10 : memref<128x128xf32, #tpu.memory_space<vmem>>)
        %dma_wait3A_200 = arith.constant 5 : i32
        %dma_wait3A_201 = arith.constant 0 : i32
        %dma_wait3A_202 = tpu.memref_slice %arg9[%dma_wait3A_200, %dma_wait3A_201] : memref<16x128xi32, #tpu.memory_space<vmem>> -> memref<1x128xi32, #tpu.memory_space<vmem>>
        %dma_wait3A_203 = tpu.memref_squeeze %dma_wait3A_202 : memref<1x128xi32, #tpu.memory_space<vmem>> -> memref<128xi32, #tpu.memory_space<vmem>>
        %dma_wait3A_204 = arith.constant 0 : i32
        %dma_wait3A_205 = arith.constant 0 : i32
        %dma_wait3A_206 = tpu.memref_slice %arg12[%dma_wait3A_204, %dma_wait3A_205] : memref<10112x128xf32, #tpu.memory_space<vmem_shared>> -> memref<10112x128xf32, #tpu.memory_space<vmem_shared>>
        tpu.wait_indirect_dma semaphore(%arg16 : memref<!tpu.dma_semaphore, #tpu.memory_space<semaphore_mem>>) src(%arg11 : memref<128x128xf32, #tpu.memory_space<vmem>>) dst(%dma_wait3A_206 : memref<10112x128xf32, #tpu.memory_space<vmem_shared>>)
        %dma_start3A_207 = arith.constant 7 : i32
        %dma_start3A_208 = arith.constant 0 : i32
        %dma_start3A_209 = tpu.memref_slice %arg8[%dma_start3A_207, %dma_start3A_208] : memref<16x128xi32, #tpu.memory_space<vmem>> -> memref<1x128xi32, #tpu.memory_space<vmem>>
        %dma_start3A_210 = tpu.memref_squeeze %dma_start3A_209 : memref<1x128xi32, #tpu.memory_space<vmem>> -> memref<128xi32, #tpu.memory_space<vmem>>
        %dma_start3A_211 = arith.constant 0 : i32
        %dma_start3A_212 = arith.constant 0 : i32
        %dma_start3A_213 = tpu.memref_slice %arg4[%dma_start3A_211, %dma_start3A_212] : memref<10240x128xf32, #tpu.memory_space<hbm>> -> memref<10240x128xf32, #tpu.memory_space<hbm>>
        tpu.enqueue_indirect_dma source(%dma_start3A_213 : memref<10240x128xf32, #tpu.memory_space<hbm>>) target(%arg11 : memref<128x128xf32, #tpu.memory_space<vmem>>) offsets(%dma_start3A_210 : memref<128xi32, #tpu.memory_space<vmem>>) semaphore(%arg14 : memref<!tpu.dma_semaphore, #tpu.memory_space<semaphore_mem>>)
        %dma_start3A_214 = arith.constant 6 : i32
        %dma_start3A_215 = arith.constant 0 : i32
        %dma_start3A_216 = tpu.memref_slice %arg9[%dma_start3A_214, %dma_start3A_215] : memref<16x128xi32, #tpu.memory_space<vmem>> -> memref<1x128xi32, #tpu.memory_space<vmem>>
        %dma_start3A_217 = tpu.memref_squeeze %dma_start3A_216 : memref<1x128xi32, #tpu.memory_space<vmem>> -> memref<128xi32, #tpu.memory_space<vmem>>
        %dma_start3A_218 = arith.constant 0 : i32
        %dma_start3A_219 = arith.constant 0 : i32
        %dma_start3A_220 = tpu.memref_slice %arg12[%dma_start3A_218, %dma_start3A_219] : memref<10112x128xf32, #tpu.memory_space<vmem_shared>> -> memref<10112x128xf32, #tpu.memory_space<vmem_shared>>
        tpu.enqueue_indirect_dma source(%arg10 : memref<128x128xf32, #tpu.memory_space<vmem>>) target(%dma_start3A_220 : memref<10112x128xf32, #tpu.memory_space<vmem_shared>>) offsets(%dma_start3A_217 : memref<128xi32, #tpu.memory_space<vmem>>) semaphore(%arg15 : memref<!tpu.dma_semaphore, #tpu.memory_space<semaphore_mem>>) {add = true}
        %dma_wait3A_221 = arith.constant 7 : i32
        %dma_wait3A_222 = arith.constant 0 : i32
        %dma_wait3A_223 = tpu.memref_slice %arg8[%dma_wait3A_221, %dma_wait3A_222] : memref<16x128xi32, #tpu.memory_space<vmem>> -> memref<1x128xi32, #tpu.memory_space<vmem>>
        %dma_wait3A_224 = tpu.memref_squeeze %dma_wait3A_223 : memref<1x128xi32, #tpu.memory_space<vmem>> -> memref<128xi32, #tpu.memory_space<vmem>>
        %dma_wait3A_225 = arith.constant 0 : i32
        %dma_wait3A_226 = arith.constant 0 : i32
        %dma_wait3A_227 = tpu.memref_slice %arg4[%dma_wait3A_225, %dma_wait3A_226] : memref<10240x128xf32, #tpu.memory_space<hbm>> -> memref<10240x128xf32, #tpu.memory_space<hbm>>
        tpu.wait_indirect_dma semaphore(%arg14 : memref<!tpu.dma_semaphore, #tpu.memory_space<semaphore_mem>>) src(%dma_wait3A_227 : memref<10240x128xf32, #tpu.memory_space<hbm>>) dst(%arg11 : memref<128x128xf32, #tpu.memory_space<vmem>>)
        %dma_wait3A_228 = arith.constant 6 : i32
        %dma_wait3A_229 = arith.constant 0 : i32
        %dma_wait3A_230 = tpu.memref_slice %arg9[%dma_wait3A_228, %dma_wait3A_229] : memref<16x128xi32, #tpu.memory_space<vmem>> -> memref<1x128xi32, #tpu.memory_space<vmem>>
        %dma_wait3A_231 = tpu.memref_squeeze %dma_wait3A_230 : memref<1x128xi32, #tpu.memory_space<vmem>> -> memref<128xi32, #tpu.memory_space<vmem>>
        %dma_wait3A_232 = arith.constant 0 : i32
        %dma_wait3A_233 = arith.constant 0 : i32
        %dma_wait3A_234 = tpu.memref_slice %arg12[%dma_wait3A_232, %dma_wait3A_233] : memref<10112x128xf32, #tpu.memory_space<vmem_shared>> -> memref<10112x128xf32, #tpu.memory_space<vmem_shared>>
        tpu.wait_indirect_dma semaphore(%arg15 : memref<!tpu.dma_semaphore, #tpu.memory_space<semaphore_mem>>) src(%arg10 : memref<128x128xf32, #tpu.memory_space<vmem>>) dst(%dma_wait3A_234 : memref<10112x128xf32, #tpu.memory_space<vmem_shared>>)
        %dma_start3A_235 = arith.constant 8 : i32
        %dma_start3A_236 = arith.constant 0 : i32
        %dma_start3A_237 = tpu.memref_slice %arg8[%dma_start3A_235, %dma_start3A_236] : memref<16x128xi32, #tpu.memory_space<vmem>> -> memref<1x128xi32, #tpu.memory_space<vmem>>
        %dma_start3A_238 = tpu.memref_squeeze %dma_start3A_237 : memref<1x128xi32, #tpu.memory_space<vmem>> -> memref<128xi32, #tpu.memory_space<vmem>>
        %dma_start3A_239 = arith.constant 0 : i32
        %dma_start3A_240 = arith.constant 0 : i32
        %dma_start3A_241 = tpu.memref_slice %arg4[%dma_start3A_239, %dma_start3A_240] : memref<10240x128xf32, #tpu.memory_space<hbm>> -> memref<10240x128xf32, #tpu.memory_space<hbm>>
        tpu.enqueue_indirect_dma source(%dma_start3A_241 : memref<10240x128xf32, #tpu.memory_space<hbm>>) target(%arg10 : memref<128x128xf32, #tpu.memory_space<vmem>>) offsets(%dma_start3A_238 : memref<128xi32, #tpu.memory_space<vmem>>) semaphore(%arg13 : memref<!tpu.dma_semaphore, #tpu.memory_space<semaphore_mem>>)
        %dma_start3A_242 = arith.constant 7 : i32
        %dma_start3A_243 = arith.constant 0 : i32
        %dma_start3A_244 = tpu.memref_slice %arg9[%dma_start3A_242, %dma_start3A_243] : memref<16x128xi32, #tpu.memory_space<vmem>> -> memref<1x128xi32, #tpu.memory_space<vmem>>
        %dma_start3A_245 = tpu.memref_squeeze %dma_start3A_244 : memref<1x128xi32, #tpu.memory_space<vmem>> -> memref<128xi32, #tpu.memory_space<vmem>>
        %dma_start3A_246 = arith.constant 0 : i32
        %dma_start3A_247 = arith.constant 0 : i32
        %dma_start3A_248 = tpu.memref_slice %arg12[%dma_start3A_246, %dma_start3A_247] : memref<10112x128xf32, #tpu.memory_space<vmem_shared>> -> memref<10112x128xf32, #tpu.memory_space<vmem_shared>>
        tpu.enqueue_indirect_dma source(%arg11 : memref<128x128xf32, #tpu.memory_space<vmem>>) target(%dma_start3A_248 : memref<10112x128xf32, #tpu.memory_space<vmem_shared>>) offsets(%dma_start3A_245 : memref<128xi32, #tpu.memory_space<vmem>>) semaphore(%arg16 : memref<!tpu.dma_semaphore, #tpu.memory_space<semaphore_mem>>) {add = true}
        %dma_wait3A_249 = arith.constant 8 : i32
        %dma_wait3A_250 = arith.constant 0 : i32
        %dma_wait3A_251 = tpu.memref_slice %arg8[%dma_wait3A_249, %dma_wait3A_250] : memref<16x128xi32, #tpu.memory_space<vmem>> -> memref<1x128xi32, #tpu.memory_space<vmem>>
        %dma_wait3A_252 = tpu.memref_squeeze %dma_wait3A_251 : memref<1x128xi32, #tpu.memory_space<vmem>> -> memref<128xi32, #tpu.memory_space<vmem>>
        %dma_wait3A_253 = arith.constant 0 : i32
        %dma_wait3A_254 = arith.constant 0 : i32
        %dma_wait3A_255 = tpu.memref_slice %arg4[%dma_wait3A_253, %dma_wait3A_254] : memref<10240x128xf32, #tpu.memory_space<hbm>> -> memref<10240x128xf32, #tpu.memory_space<hbm>>
        tpu.wait_indirect_dma semaphore(%arg13 : memref<!tpu.dma_semaphore, #tpu.memory_space<semaphore_mem>>) src(%dma_wait3A_255 : memref<10240x128xf32, #tpu.memory_space<hbm>>) dst(%arg10 : memref<128x128xf32, #tpu.memory_space<vmem>>)
        %dma_wait3A_256 = arith.constant 7 : i32
        %dma_wait3A_257 = arith.constant 0 : i32
        %dma_wait3A_258 = tpu.memref_slice %arg9[%dma_wait3A_256, %dma_wait3A_257] : memref<16x128xi32, #tpu.memory_space<vmem>> -> memref<1x128xi32, #tpu.memory_space<vmem>>
        %dma_wait3A_259 = tpu.memref_squeeze %dma_wait3A_258 : memref<1x128xi32, #tpu.memory_space<vmem>> -> memref<128xi32, #tpu.memory_space<vmem>>
        %dma_wait3A_260 = arith.constant 0 : i32
        %dma_wait3A_261 = arith.constant 0 : i32
        %dma_wait3A_262 = tpu.memref_slice %arg12[%dma_wait3A_260, %dma_wait3A_261] : memref<10112x128xf32, #tpu.memory_space<vmem_shared>> -> memref<10112x128xf32, #tpu.memory_space<vmem_shared>>
        tpu.wait_indirect_dma semaphore(%arg16 : memref<!tpu.dma_semaphore, #tpu.memory_space<semaphore_mem>>) src(%arg11 : memref<128x128xf32, #tpu.memory_space<vmem>>) dst(%dma_wait3A_262 : memref<10112x128xf32, #tpu.memory_space<vmem_shared>>)
        %dma_start3A_263 = arith.constant 9 : i32
        %dma_start3A_264 = arith.constant 0 : i32
        %dma_start3A_265 = tpu.memref_slice %arg8[%dma_start3A_263, %dma_start3A_264] : memref<16x128xi32, #tpu.memory_space<vmem>> -> memref<1x128xi32, #tpu.memory_space<vmem>>
        %dma_start3A_266 = tpu.memref_squeeze %dma_start3A_265 : memref<1x128xi32, #tpu.memory_space<vmem>> -> memref<128xi32, #tpu.memory_space<vmem>>
        %dma_start3A_267 = arith.constant 0 : i32
        %dma_start3A_268 = arith.constant 0 : i32
        %dma_start3A_269 = tpu.memref_slice %arg4[%dma_start3A_267, %dma_start3A_268] : memref<10240x128xf32, #tpu.memory_space<hbm>> -> memref<10240x128xf32, #tpu.memory_space<hbm>>
        tpu.enqueue_indirect_dma source(%dma_start3A_269 : memref<10240x128xf32, #tpu.memory_space<hbm>>) target(%arg11 : memref<128x128xf32, #tpu.memory_space<vmem>>) offsets(%dma_start3A_266 : memref<128xi32, #tpu.memory_space<vmem>>) semaphore(%arg14 : memref<!tpu.dma_semaphore, #tpu.memory_space<semaphore_mem>>)
        %dma_start3A_270 = arith.constant 8 : i32
        %dma_start3A_271 = arith.constant 0 : i32
        %dma_start3A_272 = tpu.memref_slice %arg9[%dma_start3A_270, %dma_start3A_271] : memref<16x128xi32, #tpu.memory_space<vmem>> -> memref<1x128xi32, #tpu.memory_space<vmem>>
        %dma_start3A_273 = tpu.memref_squeeze %dma_start3A_272 : memref<1x128xi32, #tpu.memory_space<vmem>> -> memref<128xi32, #tpu.memory_space<vmem>>
        %dma_start3A_274 = arith.constant 0 : i32
        %dma_start3A_275 = arith.constant 0 : i32
        %dma_start3A_276 = tpu.memref_slice %arg12[%dma_start3A_274, %dma_start3A_275] : memref<10112x128xf32, #tpu.memory_space<vmem_shared>> -> memref<10112x128xf32, #tpu.memory_space<vmem_shared>>
        tpu.enqueue_indirect_dma source(%arg10 : memref<128x128xf32, #tpu.memory_space<vmem>>) target(%dma_start3A_276 : memref<10112x128xf32, #tpu.memory_space<vmem_shared>>) offsets(%dma_start3A_273 : memref<128xi32, #tpu.memory_space<vmem>>) semaphore(%arg15 : memref<!tpu.dma_semaphore, #tpu.memory_space<semaphore_mem>>) {add = true}
        %dma_wait3A_277 = arith.constant 9 : i32
        %dma_wait3A_278 = arith.constant 0 : i32
        %dma_wait3A_279 = tpu.memref_slice %arg8[%dma_wait3A_277, %dma_wait3A_278] : memref<16x128xi32, #tpu.memory_space<vmem>> -> memref<1x128xi32, #tpu.memory_space<vmem>>
        %dma_wait3A_280 = tpu.memref_squeeze %dma_wait3A_279 : memref<1x128xi32, #tpu.memory_space<vmem>> -> memref<128xi32, #tpu.memory_space<vmem>>
        %dma_wait3A_281 = arith.constant 0 : i32
        %dma_wait3A_282 = arith.constant 0 : i32
        %dma_wait3A_283 = tpu.memref_slice %arg4[%dma_wait3A_281, %dma_wait3A_282] : memref<10240x128xf32, #tpu.memory_space<hbm>> -> memref<10240x128xf32, #tpu.memory_space<hbm>>
        tpu.wait_indirect_dma semaphore(%arg14 : memref<!tpu.dma_semaphore, #tpu.memory_space<semaphore_mem>>) src(%dma_wait3A_283 : memref<10240x128xf32, #tpu.memory_space<hbm>>) dst(%arg11 : memref<128x128xf32, #tpu.memory_space<vmem>>)
        %dma_wait3A_284 = arith.constant 8 : i32
        %dma_wait3A_285 = arith.constant 0 : i32
        %dma_wait3A_286 = tpu.memref_slice %arg9[%dma_wait3A_284, %dma_wait3A_285] : memref<16x128xi32, #tpu.memory_space<vmem>> -> memref<1x128xi32, #tpu.memory_space<vmem>>
        %dma_wait3A_287 = tpu.memref_squeeze %dma_wait3A_286 : memref<1x128xi32, #tpu.memory_space<vmem>> -> memref<128xi32, #tpu.memory_space<vmem>>
        %dma_wait3A_288 = arith.constant 0 : i32
        %dma_wait3A_289 = arith.constant 0 : i32
        %dma_wait3A_290 = tpu.memref_slice %arg12[%dma_wait3A_288, %dma_wait3A_289] : memref<10112x128xf32, #tpu.memory_space<vmem_shared>> -> memref<10112x128xf32, #tpu.memory_space<vmem_shared>>
        tpu.wait_indirect_dma semaphore(%arg15 : memref<!tpu.dma_semaphore, #tpu.memory_space<semaphore_mem>>) src(%arg10 : memref<128x128xf32, #tpu.memory_space<vmem>>) dst(%dma_wait3A_290 : memref<10112x128xf32, #tpu.memory_space<vmem_shared>>)
        %dma_start3A_291 = arith.constant 10 : i32
        %dma_start3A_292 = arith.constant 0 : i32
        %dma_start3A_293 = tpu.memref_slice %arg8[%dma_start3A_291, %dma_start3A_292] : memref<16x128xi32, #tpu.memory_space<vmem>> -> memref<1x128xi32, #tpu.memory_space<vmem>>
        %dma_start3A_294 = tpu.memref_squeeze %dma_start3A_293 : memref<1x128xi32, #tpu.memory_space<vmem>> -> memref<128xi32, #tpu.memory_space<vmem>>
        %dma_start3A_295 = arith.constant 0 : i32
        %dma_start3A_296 = arith.constant 0 : i32
        %dma_start3A_297 = tpu.memref_slice %arg4[%dma_start3A_295, %dma_start3A_296] : memref<10240x128xf32, #tpu.memory_space<hbm>> -> memref<10240x128xf32, #tpu.memory_space<hbm>>
        tpu.enqueue_indirect_dma source(%dma_start3A_297 : memref<10240x128xf32, #tpu.memory_space<hbm>>) target(%arg10 : memref<128x128xf32, #tpu.memory_space<vmem>>) offsets(%dma_start3A_294 : memref<128xi32, #tpu.memory_space<vmem>>) semaphore(%arg13 : memref<!tpu.dma_semaphore, #tpu.memory_space<semaphore_mem>>)
        %dma_start3A_298 = arith.constant 9 : i32
        %dma_start3A_299 = arith.constant 0 : i32
        %dma_start3A_300 = tpu.memref_slice %arg9[%dma_start3A_298, %dma_start3A_299] : memref<16x128xi32, #tpu.memory_space<vmem>> -> memref<1x128xi32, #tpu.memory_space<vmem>>
        %dma_start3A_301 = tpu.memref_squeeze %dma_start3A_300 : memref<1x128xi32, #tpu.memory_space<vmem>> -> memref<128xi32, #tpu.memory_space<vmem>>
        %dma_start3A_302 = arith.constant 0 : i32
        %dma_start3A_303 = arith.constant 0 : i32
        %dma_start3A_304 = tpu.memref_slice %arg12[%dma_start3A_302, %dma_start3A_303] : memref<10112x128xf32, #tpu.memory_space<vmem_shared>> -> memref<10112x128xf32, #tpu.memory_space<vmem_shared>>
        tpu.enqueue_indirect_dma source(%arg11 : memref<128x128xf32, #tpu.memory_space<vmem>>) target(%dma_start3A_304 : memref<10112x128xf32, #tpu.memory_space<vmem_shared>>) offsets(%dma_start3A_301 : memref<128xi32, #tpu.memory_space<vmem>>) semaphore(%arg16 : memref<!tpu.dma_semaphore, #tpu.memory_space<semaphore_mem>>) {add = true}
        %dma_wait3A_305 = arith.constant 10 : i32
        %dma_wait3A_306 = arith.constant 0 : i32
        %dma_wait3A_307 = tpu.memref_slice %arg8[%dma_wait3A_305, %dma_wait3A_306] : memref<16x128xi32, #tpu.memory_space<vmem>> -> memref<1x128xi32, #tpu.memory_space<vmem>>
        %dma_wait3A_308 = tpu.memref_squeeze %dma_wait3A_307 : memref<1x128xi32, #tpu.memory_space<vmem>> -> memref<128xi32, #tpu.memory_space<vmem>>
        %dma_wait3A_309 = arith.constant 0 : i32
        %dma_wait3A_310 = arith.constant 0 : i32
        %dma_wait3A_311 = tpu.memref_slice %arg4[%dma_wait3A_309, %dma_wait3A_310] : memref<10240x128xf32, #tpu.memory_space<hbm>> -> memref<10240x128xf32, #tpu.memory_space<hbm>>
        tpu.wait_indirect_dma semaphore(%arg13 : memref<!tpu.dma_semaphore, #tpu.memory_space<semaphore_mem>>) src(%dma_wait3A_311 : memref<10240x128xf32, #tpu.memory_space<hbm>>) dst(%arg10 : memref<128x128xf32, #tpu.memory_space<vmem>>)
        %dma_wait3A_312 = arith.constant 9 : i32
        %dma_wait3A_313 = arith.constant 0 : i32
        %dma_wait3A_314 = tpu.memref_slice %arg9[%dma_wait3A_312, %dma_wait3A_313] : memref<16x128xi32, #tpu.memory_space<vmem>> -> memref<1x128xi32, #tpu.memory_space<vmem>>
        %dma_wait3A_315 = tpu.memref_squeeze %dma_wait3A_314 : memref<1x128xi32, #tpu.memory_space<vmem>> -> memref<128xi32, #tpu.memory_space<vmem>>
        %dma_wait3A_316 = arith.constant 0 : i32
        %dma_wait3A_317 = arith.constant 0 : i32
        %dma_wait3A_318 = tpu.memref_slice %arg12[%dma_wait3A_316, %dma_wait3A_317] : memref<10112x128xf32, #tpu.memory_space<vmem_shared>> -> memref<10112x128xf32, #tpu.memory_space<vmem_shared>>
        tpu.wait_indirect_dma semaphore(%arg16 : memref<!tpu.dma_semaphore, #tpu.memory_space<semaphore_mem>>) src(%arg11 : memref<128x128xf32, #tpu.memory_space<vmem>>) dst(%dma_wait3A_318 : memref<10112x128xf32, #tpu.memory_space<vmem_shared>>)
        %dma_start3A_319 = arith.constant 11 : i32
        %dma_start3A_320 = arith.constant 0 : i32
        %dma_start3A_321 = tpu.memref_slice %arg8[%dma_start3A_319, %dma_start3A_320] : memref<16x128xi32, #tpu.memory_space<vmem>> -> memref<1x128xi32, #tpu.memory_space<vmem>>
        %dma_start3A_322 = tpu.memref_squeeze %dma_start3A_321 : memref<1x128xi32, #tpu.memory_space<vmem>> -> memref<128xi32, #tpu.memory_space<vmem>>
        %dma_start3A_323 = arith.constant 0 : i32
        %dma_start3A_324 = arith.constant 0 : i32
        %dma_start3A_325 = tpu.memref_slice %arg4[%dma_start3A_323, %dma_start3A_324] : memref<10240x128xf32, #tpu.memory_space<hbm>> -> memref<10240x128xf32, #tpu.memory_space<hbm>>
        tpu.enqueue_indirect_dma source(%dma_start3A_325 : memref<10240x128xf32, #tpu.memory_space<hbm>>) target(%arg11 : memref<128x128xf32, #tpu.memory_space<vmem>>) offsets(%dma_start3A_322 : memref<128xi32, #tpu.memory_space<vmem>>) semaphore(%arg14 : memref<!tpu.dma_semaphore, #tpu.memory_space<semaphore_mem>>)
        %dma_start3A_326 = arith.constant 10 : i32
        %dma_start3A_327 = arith.constant 0 : i32
        %dma_start3A_328 = tpu.memref_slice %arg9[%dma_start3A_326, %dma_start3A_327] : memref<16x128xi32, #tpu.memory_space<vmem>> -> memref<1x128xi32, #tpu.memory_space<vmem>>
        %dma_start3A_329 = tpu.memref_squeeze %dma_start3A_328 : memref<1x128xi32, #tpu.memory_space<vmem>> -> memref<128xi32, #tpu.memory_space<vmem>>
        %dma_start3A_330 = arith.constant 0 : i32
        %dma_start3A_331 = arith.constant 0 : i32
        %dma_start3A_332 = tpu.memref_slice %arg12[%dma_start3A_330, %dma_start3A_331] : memref<10112x128xf32, #tpu.memory_space<vmem_shared>> -> memref<10112x128xf32, #tpu.memory_space<vmem_shared>>
        tpu.enqueue_indirect_dma source(%arg10 : memref<128x128xf32, #tpu.memory_space<vmem>>) target(%dma_start3A_332 : memref<10112x128xf32, #tpu.memory_space<vmem_shared>>) offsets(%dma_start3A_329 : memref<128xi32, #tpu.memory_space<vmem>>) semaphore(%arg15 : memref<!tpu.dma_semaphore, #tpu.memory_space<semaphore_mem>>) {add = true}
        %dma_wait3A_333 = arith.constant 11 : i32
        %dma_wait3A_334 = arith.constant 0 : i32
        %dma_wait3A_335 = tpu.memref_slice %arg8[%dma_wait3A_333, %dma_wait3A_334] : memref<16x128xi32, #tpu.memory_space<vmem>> -> memref<1x128xi32, #tpu.memory_space<vmem>>
        %dma_wait3A_336 = tpu.memref_squeeze %dma_wait3A_335 : memref<1x128xi32, #tpu.memory_space<vmem>> -> memref<128xi32, #tpu.memory_space<vmem>>
        %dma_wait3A_337 = arith.constant 0 : i32
        %dma_wait3A_338 = arith.constant 0 : i32
        %dma_wait3A_339 = tpu.memref_slice %arg4[%dma_wait3A_337, %dma_wait3A_338] : memref<10240x128xf32, #tpu.memory_space<hbm>> -> memref<10240x128xf32, #tpu.memory_space<hbm>>
        tpu.wait_indirect_dma semaphore(%arg14 : memref<!tpu.dma_semaphore, #tpu.memory_space<semaphore_mem>>) src(%dma_wait3A_339 : memref<10240x128xf32, #tpu.memory_space<hbm>>) dst(%arg11 : memref<128x128xf32, #tpu.memory_space<vmem>>)
        %dma_wait3A_340 = arith.constant 10 : i32
        %dma_wait3A_341 = arith.constant 0 : i32
        %dma_wait3A_342 = tpu.memref_slice %arg9[%dma_wait3A_340, %dma_wait3A_341] : memref<16x128xi32, #tpu.memory_space<vmem>> -> memref<1x128xi32, #tpu.memory_space<vmem>>
        %dma_wait3A_343 = tpu.memref_squeeze %dma_wait3A_342 : memref<1x128xi32, #tpu.memory_space<vmem>> -> memref<128xi32, #tpu.memory_space<vmem>>
        %dma_wait3A_344 = arith.constant 0 : i32
        %dma_wait3A_345 = arith.constant 0 : i32
        %dma_wait3A_346 = tpu.memref_slice %arg12[%dma_wait3A_344, %dma_wait3A_345] : memref<10112x128xf32, #tpu.memory_space<vmem_shared>> -> memref<10112x128xf32, #tpu.memory_space<vmem_shared>>
        tpu.wait_indirect_dma semaphore(%arg15 : memref<!tpu.dma_semaphore, #tpu.memory_space<semaphore_mem>>) src(%arg10 : memref<128x128xf32, #tpu.memory_space<vmem>>) dst(%dma_wait3A_346 : memref<10112x128xf32, #tpu.memory_space<vmem_shared>>)
        %dma_start3A_347 = arith.constant 12 : i32
        %dma_start3A_348 = arith.constant 0 : i32
        %dma_start3A_349 = tpu.memref_slice %arg8[%dma_start3A_347, %dma_start3A_348] : memref<16x128xi32, #tpu.memory_space<vmem>> -> memref<1x128xi32, #tpu.memory_space<vmem>>
        %dma_start3A_350 = tpu.memref_squeeze %dma_start3A_349 : memref<1x128xi32, #tpu.memory_space<vmem>> -> memref<128xi32, #tpu.memory_space<vmem>>
        %dma_start3A_351 = arith.constant 0 : i32
        %dma_start3A_352 = arith.constant 0 : i32
        %dma_start3A_353 = tpu.memref_slice %arg4[%dma_start3A_351, %dma_start3A_352] : memref<10240x128xf32, #tpu.memory_space<hbm>> -> memref<10240x128xf32, #tpu.memory_space<hbm>>
        tpu.enqueue_indirect_dma source(%dma_start3A_353 : memref<10240x128xf32, #tpu.memory_space<hbm>>) target(%arg10 : memref<128x128xf32, #tpu.memory_space<vmem>>) offsets(%dma_start3A_350 : memref<128xi32, #tpu.memory_space<vmem>>) semaphore(%arg13 : memref<!tpu.dma_semaphore, #tpu.memory_space<semaphore_mem>>)
        %dma_start3A_354 = arith.constant 11 : i32
        %dma_start3A_355 = arith.constant 0 : i32
        %dma_start3A_356 = tpu.memref_slice %arg9[%dma_start3A_354, %dma_start3A_355] : memref<16x128xi32, #tpu.memory_space<vmem>> -> memref<1x128xi32, #tpu.memory_space<vmem>>
        %dma_start3A_357 = tpu.memref_squeeze %dma_start3A_356 : memref<1x128xi32, #tpu.memory_space<vmem>> -> memref<128xi32, #tpu.memory_space<vmem>>
        %dma_start3A_358 = arith.constant 0 : i32
        %dma_start3A_359 = arith.constant 0 : i32
        %dma_start3A_360 = tpu.memref_slice %arg12[%dma_start3A_358, %dma_start3A_359] : memref<10112x128xf32, #tpu.memory_space<vmem_shared>> -> memref<10112x128xf32, #tpu.memory_space<vmem_shared>>
        tpu.enqueue_indirect_dma source(%arg11 : memref<128x128xf32, #tpu.memory_space<vmem>>) target(%dma_start3A_360 : memref<10112x128xf32, #tpu.memory_space<vmem_shared>>) offsets(%dma_start3A_357 : memref<128xi32, #tpu.memory_space<vmem>>) semaphore(%arg16 : memref<!tpu.dma_semaphore, #tpu.memory_space<semaphore_mem>>) {add = true}
        %dma_wait3A_361 = arith.constant 12 : i32
        %dma_wait3A_362 = arith.constant 0 : i32
        %dma_wait3A_363 = tpu.memref_slice %arg8[%dma_wait3A_361, %dma_wait3A_362] : memref<16x128xi32, #tpu.memory_space<vmem>> -> memref<1x128xi32, #tpu.memory_space<vmem>>
        %dma_wait3A_364 = tpu.memref_squeeze %dma_wait3A_363 : memref<1x128xi32, #tpu.memory_space<vmem>> -> memref<128xi32, #tpu.memory_space<vmem>>
        %dma_wait3A_365 = arith.constant 0 : i32
        %dma_wait3A_366 = arith.constant 0 : i32
        %dma_wait3A_367 = tpu.memref_slice %arg4[%dma_wait3A_365, %dma_wait3A_366] : memref<10240x128xf32, #tpu.memory_space<hbm>> -> memref<10240x128xf32, #tpu.memory_space<hbm>>
        tpu.wait_indirect_dma semaphore(%arg13 : memref<!tpu.dma_semaphore, #tpu.memory_space<semaphore_mem>>) src(%dma_wait3A_367 : memref<10240x128xf32, #tpu.memory_space<hbm>>) dst(%arg10 : memref<128x128xf32, #tpu.memory_space<vmem>>)
        %dma_wait3A_368 = arith.constant 11 : i32
        %dma_wait3A_369 = arith.constant 0 : i32
        %dma_wait3A_370 = tpu.memref_slice %arg9[%dma_wait3A_368, %dma_wait3A_369] : memref<16x128xi32, #tpu.memory_space<vmem>> -> memref<1x128xi32, #tpu.memory_space<vmem>>
        %dma_wait3A_371 = tpu.memref_squeeze %dma_wait3A_370 : memref<1x128xi32, #tpu.memory_space<vmem>> -> memref<128xi32, #tpu.memory_space<vmem>>
        %dma_wait3A_372 = arith.constant 0 : i32
        %dma_wait3A_373 = arith.constant 0 : i32
        %dma_wait3A_374 = tpu.memref_slice %arg12[%dma_wait3A_372, %dma_wait3A_373] : memref<10112x128xf32, #tpu.memory_space<vmem_shared>> -> memref<10112x128xf32, #tpu.memory_space<vmem_shared>>
        tpu.wait_indirect_dma semaphore(%arg16 : memref<!tpu.dma_semaphore, #tpu.memory_space<semaphore_mem>>) src(%arg11 : memref<128x128xf32, #tpu.memory_space<vmem>>) dst(%dma_wait3A_374 : memref<10112x128xf32, #tpu.memory_space<vmem_shared>>)
        %dma_start3A_375 = arith.constant 13 : i32
        %dma_start3A_376 = arith.constant 0 : i32
        %dma_start3A_377 = tpu.memref_slice %arg8[%dma_start3A_375, %dma_start3A_376] : memref<16x128xi32, #tpu.memory_space<vmem>> -> memref<1x128xi32, #tpu.memory_space<vmem>>
        %dma_start3A_378 = tpu.memref_squeeze %dma_start3A_377 : memref<1x128xi32, #tpu.memory_space<vmem>> -> memref<128xi32, #tpu.memory_space<vmem>>
        %dma_start3A_379 = arith.constant 0 : i32
        %dma_start3A_380 = arith.constant 0 : i32
        %dma_start3A_381 = tpu.memref_slice %arg4[%dma_start3A_379, %dma_start3A_380] : memref<10240x128xf32, #tpu.memory_space<hbm>> -> memref<10240x128xf32, #tpu.memory_space<hbm>>
        tpu.enqueue_indirect_dma source(%dma_start3A_381 : memref<10240x128xf32, #tpu.memory_space<hbm>>) target(%arg11 : memref<128x128xf32, #tpu.memory_space<vmem>>) offsets(%dma_start3A_378 : memref<128xi32, #tpu.memory_space<vmem>>) semaphore(%arg14 : memref<!tpu.dma_semaphore, #tpu.memory_space<semaphore_mem>>)
        %dma_start3A_382 = arith.constant 12 : i32
        %dma_start3A_383 = arith.constant 0 : i32
        %dma_start3A_384 = tpu.memref_slice %arg9[%dma_start3A_382, %dma_start3A_383] : memref<16x128xi32, #tpu.memory_space<vmem>> -> memref<1x128xi32, #tpu.memory_space<vmem>>
        %dma_start3A_385 = tpu.memref_squeeze %dma_start3A_384 : memref<1x128xi32, #tpu.memory_space<vmem>> -> memref<128xi32, #tpu.memory_space<vmem>>
        %dma_start3A_386 = arith.constant 0 : i32
        %dma_start3A_387 = arith.constant 0 : i32
        %dma_start3A_388 = tpu.memref_slice %arg12[%dma_start3A_386, %dma_start3A_387] : memref<10112x128xf32, #tpu.memory_space<vmem_shared>> -> memref<10112x128xf32, #tpu.memory_space<vmem_shared>>
        tpu.enqueue_indirect_dma source(%arg10 : memref<128x128xf32, #tpu.memory_space<vmem>>) target(%dma_start3A_388 : memref<10112x128xf32, #tpu.memory_space<vmem_shared>>) offsets(%dma_start3A_385 : memref<128xi32, #tpu.memory_space<vmem>>) semaphore(%arg15 : memref<!tpu.dma_semaphore, #tpu.memory_space<semaphore_mem>>) {add = true}
        %dma_wait3A_389 = arith.constant 13 : i32
        %dma_wait3A_390 = arith.constant 0 : i32
        %dma_wait3A_391 = tpu.memref_slice %arg8[%dma_wait3A_389, %dma_wait3A_390] : memref<16x128xi32, #tpu.memory_space<vmem>> -> memref<1x128xi32, #tpu.memory_space<vmem>>
        %dma_wait3A_392 = tpu.memref_squeeze %dma_wait3A_391 : memref<1x128xi32, #tpu.memory_space<vmem>> -> memref<128xi32, #tpu.memory_space<vmem>>
        %dma_wait3A_393 = arith.constant 0 : i32
        %dma_wait3A_394 = arith.constant 0 : i32
        %dma_wait3A_395 = tpu.memref_slice %arg4[%dma_wait3A_393, %dma_wait3A_394] : memref<10240x128xf32, #tpu.memory_space<hbm>> -> memref<10240x128xf32, #tpu.memory_space<hbm>>
        tpu.wait_indirect_dma semaphore(%arg14 : memref<!tpu.dma_semaphore, #tpu.memory_space<semaphore_mem>>) src(%dma_wait3A_395 : memref<10240x128xf32, #tpu.memory_space<hbm>>) dst(%arg11 : memref<128x128xf32, #tpu.memory_space<vmem>>)
        %dma_wait3A_396 = arith.constant 12 : i32
        %dma_wait3A_397 = arith.constant 0 : i32
        %dma_wait3A_398 = tpu.memref_slice %arg9[%dma_wait3A_396, %dma_wait3A_397] : memref<16x128xi32, #tpu.memory_space<vmem>> -> memref<1x128xi32, #tpu.memory_space<vmem>>
        %dma_wait3A_399 = tpu.memref_squeeze %dma_wait3A_398 : memref<1x128xi32, #tpu.memory_space<vmem>> -> memref<128xi32, #tpu.memory_space<vmem>>
        %dma_wait3A_400 = arith.constant 0 : i32
        %dma_wait3A_401 = arith.constant 0 : i32
        %dma_wait3A_402 = tpu.memref_slice %arg12[%dma_wait3A_400, %dma_wait3A_401] : memref<10112x128xf32, #tpu.memory_space<vmem_shared>> -> memref<10112x128xf32, #tpu.memory_space<vmem_shared>>
        tpu.wait_indirect_dma semaphore(%arg15 : memref<!tpu.dma_semaphore, #tpu.memory_space<semaphore_mem>>) src(%arg10 : memref<128x128xf32, #tpu.memory_space<vmem>>) dst(%dma_wait3A_402 : memref<10112x128xf32, #tpu.memory_space<vmem_shared>>)
        %dma_start3A_403 = arith.constant 14 : i32
        %dma_start3A_404 = arith.constant 0 : i32
        %dma_start3A_405 = tpu.memref_slice %arg8[%dma_start3A_403, %dma_start3A_404] : memref<16x128xi32, #tpu.memory_space<vmem>> -> memref<1x128xi32, #tpu.memory_space<vmem>>
        %dma_start3A_406 = tpu.memref_squeeze %dma_start3A_405 : memref<1x128xi32, #tpu.memory_space<vmem>> -> memref<128xi32, #tpu.memory_space<vmem>>
        %dma_start3A_407 = arith.constant 0 : i32
        %dma_start3A_408 = arith.constant 0 : i32
        %dma_start3A_409 = tpu.memref_slice %arg4[%dma_start3A_407, %dma_start3A_408] : memref<10240x128xf32, #tpu.memory_space<hbm>> -> memref<10240x128xf32, #tpu.memory_space<hbm>>
        tpu.enqueue_indirect_dma source(%dma_start3A_409 : memref<10240x128xf32, #tpu.memory_space<hbm>>) target(%arg10 : memref<128x128xf32, #tpu.memory_space<vmem>>) offsets(%dma_start3A_406 : memref<128xi32, #tpu.memory_space<vmem>>) semaphore(%arg13 : memref<!tpu.dma_semaphore, #tpu.memory_space<semaphore_mem>>)
        %dma_start3A_410 = arith.constant 13 : i32
        %dma_start3A_411 = arith.constant 0 : i32
        %dma_start3A_412 = tpu.memref_slice %arg9[%dma_start3A_410, %dma_start3A_411] : memref<16x128xi32, #tpu.memory_space<vmem>> -> memref<1x128xi32, #tpu.memory_space<vmem>>
        %dma_start3A_413 = tpu.memref_squeeze %dma_start3A_412 : memref<1x128xi32, #tpu.memory_space<vmem>> -> memref<128xi32, #tpu.memory_space<vmem>>
        %dma_start3A_414 = arith.constant 0 : i32
        %dma_start3A_415 = arith.constant 0 : i32
        %dma_start3A_416 = tpu.memref_slice %arg12[%dma_start3A_414, %dma_start3A_415] : memref<10112x128xf32, #tpu.memory_space<vmem_shared>> -> memref<10112x128xf32, #tpu.memory_space<vmem_shared>>
        tpu.enqueue_indirect_dma source(%arg11 : memref<128x128xf32, #tpu.memory_space<vmem>>) target(%dma_start3A_416 : memref<10112x128xf32, #tpu.memory_space<vmem_shared>>) offsets(%dma_start3A_413 : memref<128xi32, #tpu.memory_space<vmem>>) semaphore(%arg16 : memref<!tpu.dma_semaphore, #tpu.memory_space<semaphore_mem>>) {add = true}
        %dma_wait3A_417 = arith.constant 14 : i32
        %dma_wait3A_418 = arith.constant 0 : i32
        %dma_wait3A_419 = tpu.memref_slice %arg8[%dma_wait3A_417, %dma_wait3A_418] : memref<16x128xi32, #tpu.memory_space<vmem>> -> memref<1x128xi32, #tpu.memory_space<vmem>>
        %dma_wait3A_420 = tpu.memref_squeeze %dma_wait3A_419 : memref<1x128xi32, #tpu.memory_space<vmem>> -> memref<128xi32, #tpu.memory_space<vmem>>
        %dma_wait3A_421 = arith.constant 0 : i32
        %dma_wait3A_422 = arith.constant 0 : i32
        %dma_wait3A_423 = tpu.memref_slice %arg4[%dma_wait3A_421, %dma_wait3A_422] : memref<10240x128xf32, #tpu.memory_space<hbm>> -> memref<10240x128xf32, #tpu.memory_space<hbm>>
        tpu.wait_indirect_dma semaphore(%arg13 : memref<!tpu.dma_semaphore, #tpu.memory_space<semaphore_mem>>) src(%dma_wait3A_423 : memref<10240x128xf32, #tpu.memory_space<hbm>>) dst(%arg10 : memref<128x128xf32, #tpu.memory_space<vmem>>)
        %dma_wait3A_424 = arith.constant 13 : i32
        %dma_wait3A_425 = arith.constant 0 : i32
        %dma_wait3A_426 = tpu.memref_slice %arg9[%dma_wait3A_424, %dma_wait3A_425] : memref<16x128xi32, #tpu.memory_space<vmem>> -> memref<1x128xi32, #tpu.memory_space<vmem>>
        %dma_wait3A_427 = tpu.memref_squeeze %dma_wait3A_426 : memref<1x128xi32, #tpu.memory_space<vmem>> -> memref<128xi32, #tpu.memory_space<vmem>>
        %dma_wait3A_428 = arith.constant 0 : i32
        %dma_wait3A_429 = arith.constant 0 : i32
        %dma_wait3A_430 = tpu.memref_slice %arg12[%dma_wait3A_428, %dma_wait3A_429] : memref<10112x128xf32, #tpu.memory_space<vmem_shared>> -> memref<10112x128xf32, #tpu.memory_space<vmem_shared>>
        tpu.wait_indirect_dma semaphore(%arg16 : memref<!tpu.dma_semaphore, #tpu.memory_space<semaphore_mem>>) src(%arg11 : memref<128x128xf32, #tpu.memory_space<vmem>>) dst(%dma_wait3A_430 : memref<10112x128xf32, #tpu.memory_space<vmem_shared>>)
        %dma_start3A_431 = arith.constant 15 : i32
        %dma_start3A_432 = arith.constant 0 : i32
        %dma_start3A_433 = tpu.memref_slice %arg8[%dma_start3A_431, %dma_start3A_432] : memref<16x128xi32, #tpu.memory_space<vmem>> -> memref<1x128xi32, #tpu.memory_space<vmem>>
        %dma_start3A_434 = tpu.memref_squeeze %dma_start3A_433 : memref<1x128xi32, #tpu.memory_space<vmem>> -> memref<128xi32, #tpu.memory_space<vmem>>
        %dma_start3A_435 = arith.constant 0 : i32
        %dma_start3A_436 = arith.constant 0 : i32
        %dma_start3A_437 = tpu.memref_slice %arg4[%dma_start3A_435, %dma_start3A_436] : memref<10240x128xf32, #tpu.memory_space<hbm>> -> memref<10240x128xf32, #tpu.memory_space<hbm>>
        tpu.enqueue_indirect_dma source(%dma_start3A_437 : memref<10240x128xf32, #tpu.memory_space<hbm>>) target(%arg11 : memref<128x128xf32, #tpu.memory_space<vmem>>) offsets(%dma_start3A_434 : memref<128xi32, #tpu.memory_space<vmem>>) semaphore(%arg14 : memref<!tpu.dma_semaphore, #tpu.memory_space<semaphore_mem>>)
        %dma_start3A_438 = arith.constant 14 : i32
        %dma_start3A_439 = arith.constant 0 : i32
        %dma_start3A_440 = tpu.memref_slice %arg9[%dma_start3A_438, %dma_start3A_439] : memref<16x128xi32, #tpu.memory_space<vmem>> -> memref<1x128xi32, #tpu.memory_space<vmem>>
        %dma_start3A_441 = tpu.memref_squeeze %dma_start3A_440 : memref<1x128xi32, #tpu.memory_space<vmem>> -> memref<128xi32, #tpu.memory_space<vmem>>
        %dma_start3A_442 = arith.constant 0 : i32
        %dma_start3A_443 = arith.constant 0 : i32
        %dma_start3A_444 = tpu.memref_slice %arg12[%dma_start3A_442, %dma_start3A_443] : memref<10112x128xf32, #tpu.memory_space<vmem_shared>> -> memref<10112x128xf32, #tpu.memory_space<vmem_shared>>
        tpu.enqueue_indirect_dma source(%arg10 : memref<128x128xf32, #tpu.memory_space<vmem>>) target(%dma_start3A_444 : memref<10112x128xf32, #tpu.memory_space<vmem_shared>>) offsets(%dma_start3A_441 : memref<128xi32, #tpu.memory_space<vmem>>) semaphore(%arg15 : memref<!tpu.dma_semaphore, #tpu.memory_space<semaphore_mem>>) {add = true}
        %dma_wait3A_445 = arith.constant 15 : i32
        %dma_wait3A_446 = arith.constant 0 : i32
        %dma_wait3A_447 = tpu.memref_slice %arg8[%dma_wait3A_445, %dma_wait3A_446] : memref<16x128xi32, #tpu.memory_space<vmem>> -> memref<1x128xi32, #tpu.memory_space<vmem>>
        %dma_wait3A_448 = tpu.memref_squeeze %dma_wait3A_447 : memref<1x128xi32, #tpu.memory_space<vmem>> -> memref<128xi32, #tpu.memory_space<vmem>>
        %dma_wait3A_449 = arith.constant 0 : i32
        %dma_wait3A_450 = arith.constant 0 : i32
        %dma_wait3A_451 = tpu.memref_slice %arg4[%dma_wait3A_449, %dma_wait3A_450] : memref<10240x128xf32, #tpu.memory_space<hbm>> -> memref<10240x128xf32, #tpu.memory_space<hbm>>
        tpu.wait_indirect_dma semaphore(%arg14 : memref<!tpu.dma_semaphore, #tpu.memory_space<semaphore_mem>>) src(%dma_wait3A_451 : memref<10240x128xf32, #tpu.memory_space<hbm>>) dst(%arg11 : memref<128x128xf32, #tpu.memory_space<vmem>>)
        %dma_start3A_452 = arith.constant 15 : i32
        %dma_start3A_453 = arith.constant 0 : i32
        %dma_start3A_454 = tpu.memref_slice %arg9[%dma_start3A_452, %dma_start3A_453] : memref<16x128xi32, #tpu.memory_space<vmem>> -> memref<1x128xi32, #tpu.memory_space<vmem>>
        %dma_start3A_455 = tpu.memref_squeeze %dma_start3A_454 : memref<1x128xi32, #tpu.memory_space<vmem>> -> memref<128xi32, #tpu.memory_space<vmem>>
        %dma_start3A_456 = arith.constant 0 : i32
        %dma_start3A_457 = arith.constant 0 : i32
        %dma_start3A_458 = tpu.memref_slice %arg12[%dma_start3A_456, %dma_start3A_457] : memref<10112x128xf32, #tpu.memory_space<vmem_shared>> -> memref<10112x128xf32, #tpu.memory_space<vmem_shared>>
        tpu.enqueue_indirect_dma source(%arg11 : memref<128x128xf32, #tpu.memory_space<vmem>>) target(%dma_start3A_458 : memref<10112x128xf32, #tpu.memory_space<vmem_shared>>) offsets(%dma_start3A_455 : memref<128xi32, #tpu.memory_space<vmem>>) semaphore(%arg16 : memref<!tpu.dma_semaphore, #tpu.memory_space<semaphore_mem>>) {add = true}
        %dma_wait3A_459 = arith.constant 14 : i32
        %dma_wait3A_460 = arith.constant 0 : i32
        %dma_wait3A_461 = tpu.memref_slice %arg9[%dma_wait3A_459, %dma_wait3A_460] : memref<16x128xi32, #tpu.memory_space<vmem>> -> memref<1x128xi32, #tpu.memory_space<vmem>>
        %dma_wait3A_462 = tpu.memref_squeeze %dma_wait3A_461 : memref<1x128xi32, #tpu.memory_space<vmem>> -> memref<128xi32, #tpu.memory_space<vmem>>
        %dma_wait3A_463 = arith.constant 0 : i32
        %dma_wait3A_464 = arith.constant 0 : i32
        %dma_wait3A_465 = tpu.memref_slice %arg12[%dma_wait3A_463, %dma_wait3A_464] : memref<10112x128xf32, #tpu.memory_space<vmem_shared>> -> memref<10112x128xf32, #tpu.memory_space<vmem_shared>>
        tpu.wait_indirect_dma semaphore(%arg15 : memref<!tpu.dma_semaphore, #tpu.memory_space<semaphore_mem>>) src(%arg10 : memref<128x128xf32, #tpu.memory_space<vmem>>) dst(%dma_wait3A_465 : memref<10112x128xf32, #tpu.memory_space<vmem_shared>>)
        %dma_wait3A_466 = arith.constant 15 : i32
        %dma_wait3A_467 = arith.constant 0 : i32
        %dma_wait3A_468 = tpu.memref_slice %arg9[%dma_wait3A_466, %dma_wait3A_467] : memref<16x128xi32, #tpu.memory_space<vmem>> -> memref<1x128xi32, #tpu.memory_space<vmem>>
        %dma_wait3A_469 = tpu.memref_squeeze %dma_wait3A_468 : memref<1x128xi32, #tpu.memory_space<vmem>> -> memref<128xi32, #tpu.memory_space<vmem>>
        %dma_wait3A_470 = arith.constant 0 : i32
        %dma_wait3A_471 = arith.constant 0 : i32
        %dma_wait3A_472 = tpu.memref_slice %arg12[%dma_wait3A_470, %dma_wait3A_471] : memref<10112x128xf32, #tpu.memory_space<vmem_shared>> -> memref<10112x128xf32, #tpu.memory_space<vmem_shared>>
        tpu.wait_indirect_dma semaphore(%arg16 : memref<!tpu.dma_semaphore, #tpu.memory_space<semaphore_mem>>) src(%arg11 : memref<128x128xf32, #tpu.memory_space<vmem>>) dst(%dma_wait3A_472 : memref<10112x128xf32, #tpu.memory_space<vmem_shared>>)
        %scan3A_473 = arith.constant 0 : i32
        scf.yield %scan3A_473 : i32
      }
      %scan3A_15 = arith.constant 10 : i32
      %barrier3A_16 = arith.constant 0 : index
      tpu.barrier barrier_id(%barrier3A_16)
      %mul3A_17 = arith.constant 632 : i32
      %mul3A_18 = arith.muli %arg1, %mul3A_17 : i32
      %mul3A_19 = arith.constant 632 : i32
      %mul3A_20 = arith.muli %arg1, %mul3A_19 : i32
      "tpu.region"() ({
        %run_scoped3A = tpu.sem_alloc : memref<!tpu.dma_semaphore, #tpu.memory_space<semaphore_mem>>
        %dma_start3A = arith.constant 0 : i32
        %dma_start3A_21 = tpu.memref_slice %arg6[%mul3A_20, %dma_start3A] : memref<10112x128xf32, #tpu.memory_space<hbm>> -> memref<632x128xf32, #tpu.memory_space<hbm>>
        %dma_start3A_22 = arith.constant 0 : i32
        %dma_start3A_23 = tpu.memref_slice %arg12[%mul3A_18, %dma_start3A_22] : memref<10112x128xf32, #tpu.memory_space<vmem_shared>> -> memref<632x128xf32, #tpu.memory_space<vmem_shared>>
        tpu.enqueue_dma source(%dma_start3A_23 : memref<632x128xf32, #tpu.memory_space<vmem_shared>>) target(%dma_start3A_21 : memref<632x128xf32, #tpu.memory_space<hbm>>) target_semaphore(%run_scoped3A : memref<!tpu.dma_semaphore, #tpu.memory_space<semaphore_mem>>)
        %dma_wait3A = arith.constant 0 : i32
        %dma_wait3A_24 = tpu.memref_slice %arg6[%mul3A_20, %dma_wait3A] : memref<10112x128xf32, #tpu.memory_space<hbm>> -> memref<632x128xf32, #tpu.memory_space<hbm>>
        %dma_wait3A_25 = arith.constant 0 : i32
        %dma_wait3A_26 = tpu.memref_slice %arg12[%mul3A_18, %dma_wait3A_25] : memref<10112x128xf32, #tpu.memory_space<vmem_shared>> -> memref<632x128xf32, #tpu.memory_space<vmem_shared>>
        tpu.wait_dma2 semaphore(%run_scoped3A : memref<!tpu.dma_semaphore, #tpu.memory_space<semaphore_mem>>) src(%dma_wait3A_26 : memref<632x128xf32, #tpu.memory_space<vmem_shared>>) dst(%dma_wait3A_24 : memref<632x128xf32, #tpu.memory_space<hbm>>)
        tpu.yield
      }) : () -> ()
    } else {
    }
    %eq3A_2 = arith.constant 1 : i32
    %eq3A_3 = arith.cmpi eq, %arg0, %eq3A_2 : i32
    %convert_element_type3A_4 = arith.extui %eq3A_3 : i1 to i32
    %cond3A_5 = arith.constant 0 : i32
    %cond3A_6 = arith.cmpi ne, %convert_element_type3A_4, %cond3A_5 : i32
    scf.if %cond3A_6 {
      %mul3A = arith.constant 632 : i32
      %mul3A_7 = arith.muli %arg1, %mul3A : i32
      %mul3A_8 = arith.constant 632 : i32
      %mul3A_9 = arith.muli %arg1, %mul3A_8 : i32
      "tpu.region"() ({
        %run_scoped3A = tpu.sem_alloc : memref<!tpu.dma_semaphore, #tpu.memory_space<semaphore_mem>>
        %dma_start3A = arith.constant 0 : i32
        %dma_start3A_21 = tpu.memref_slice %arg12[%mul3A_9, %dma_start3A] : memref<10112x128xf32, #tpu.memory_space<vmem_shared>> -> memref<632x128xf32, #tpu.memory_space<vmem_shared>>
        %dma_start3A_22 = arith.constant 0 : i32
        %dma_start3A_23 = tpu.memref_slice %arg5[%mul3A_7, %dma_start3A_22] : memref<10240x128xf32, #tpu.memory_space<hbm>> -> memref<632x128xf32, #tpu.memory_space<hbm>>
        tpu.enqueue_dma source(%dma_start3A_23 : memref<632x128xf32, #tpu.memory_space<hbm>>) target(%dma_start3A_21 : memref<632x128xf32, #tpu.memory_space<vmem_shared>>) target_semaphore(%run_scoped3A : memref<!tpu.dma_semaphore, #tpu.memory_space<semaphore_mem>>)
        %dma_wait3A = arith.constant 0 : i32
        %dma_wait3A_24 = tpu.memref_slice %arg12[%mul3A_9, %dma_wait3A] : memref<10112x128xf32, #tpu.memory_space<vmem_shared>> -> memref<632x128xf32, #tpu.memory_space<vmem_shared>>
        %dma_wait3A_25 = arith.constant 0 : i32
        %dma_wait3A_26 = tpu.memref_slice %arg5[%mul3A_7, %dma_wait3A_25] : memref<10240x128xf32, #tpu.memory_space<hbm>> -> memref<632x128xf32, #tpu.memory_space<hbm>>
        tpu.wait_dma2 semaphore(%run_scoped3A : memref<!tpu.dma_semaphore, #tpu.memory_space<semaphore_mem>>) src(%dma_wait3A_26 : memref<632x128xf32, #tpu.memory_space<hbm>>) dst(%dma_wait3A_24 : memref<632x128xf32, #tpu.memory_space<vmem_shared>>)
        tpu.yield
      }) : () -> ()
      %barrier3A = arith.constant 0 : index
      tpu.barrier barrier_id(%barrier3A)
      %scan3A = arith.constant 0 : i32
      %scan3A_10 = arith.constant 0 : i32
      %scan3A_11 = arith.constant 10 : i32
      %scan3A_12 = arith.addi %scan3A_10, %scan3A_11 : i32
      %scan3A_13 = arith.constant 1 : i32
      %scan3A_14 = scf.for %scan3A_21 = %scan3A_10 to %scan3A_12 step %scan3A_13 iter_args(%scan3A_22 = %scan3A) -> (i32)  : i32 {
        %mul3A_23 = arith.constant 160 : i32
        %mul3A_24 = arith.muli %arg1, %mul3A_23 : i32
        %mul3A_25 = arith.constant 16 : i32
        %mul3A_26 = arith.muli %scan3A_21, %mul3A_25 : i32
        %add3A = arith.addi %mul3A_24, %mul3A_26 : i32
        "tpu.region"() ({
          %run_scoped3A = tpu.sem_alloc : memref<!tpu.dma_semaphore, #tpu.memory_space<semaphore_mem>>
          %dma_start3A_474 = arith.constant 0 : i32
          %dma_start3A_475 = tpu.memref_slice %arg2[%add3A, %dma_start3A_474] : memref<2560x128xi32, #tpu.memory_space<hbm>> -> memref<16x128xi32, #tpu.memory_space<hbm>>
          %dma_start3A_476 = arith.constant 0 : i32
          %dma_start3A_477 = tpu.memref_slice %arg2[%add3A, %dma_start3A_476] : memref<2560x128xi32, #tpu.memory_space<hbm>> -> memref<16x128xi32, #tpu.memory_space<hbm>>
          tpu.enqueue_dma source(%dma_start3A_477 : memref<16x128xi32, #tpu.memory_space<hbm>>) target(%arg8 : memref<16x128xi32, #tpu.memory_space<vmem>>) target_semaphore(%run_scoped3A : memref<!tpu.dma_semaphore, #tpu.memory_space<semaphore_mem>>)
          %dma_wait3A_478 = arith.constant 0 : i32
          %dma_wait3A_479 = tpu.memref_slice %arg2[%add3A, %dma_wait3A_478] : memref<2560x128xi32, #tpu.memory_space<hbm>> -> memref<16x128xi32, #tpu.memory_space<hbm>>
          %dma_wait3A_480 = arith.constant 0 : i32
          %dma_wait3A_481 = tpu.memref_slice %arg2[%add3A, %dma_wait3A_480] : memref<2560x128xi32, #tpu.memory_space<hbm>> -> memref<16x128xi32, #tpu.memory_space<hbm>>
          tpu.wait_dma2 semaphore(%run_scoped3A : memref<!tpu.dma_semaphore, #tpu.memory_space<semaphore_mem>>) src(%dma_wait3A_481 : memref<16x128xi32, #tpu.memory_space<hbm>>) dst(%arg8 : memref<16x128xi32, #tpu.memory_space<vmem>>)
          tpu.yield
        }) : () -> ()
        "tpu.region"() ({
          %run_scoped3A = tpu.sem_alloc : memref<!tpu.dma_semaphore, #tpu.memory_space<semaphore_mem>>
          %dma_start3A_474 = arith.constant 0 : i32
          %dma_start3A_475 = tpu.memref_slice %arg3[%add3A, %dma_start3A_474] : memref<2560x128xi32, #tpu.memory_space<hbm>> -> memref<16x128xi32, #tpu.memory_space<hbm>>
          %dma_start3A_476 = arith.constant 0 : i32
          %dma_start3A_477 = tpu.memref_slice %arg3[%add3A, %dma_start3A_476] : memref<2560x128xi32, #tpu.memory_space<hbm>> -> memref<16x128xi32, #tpu.memory_space<hbm>>
          tpu.enqueue_dma source(%dma_start3A_477 : memref<16x128xi32, #tpu.memory_space<hbm>>) target(%arg9 : memref<16x128xi32, #tpu.memory_space<vmem>>) target_semaphore(%run_scoped3A : memref<!tpu.dma_semaphore, #tpu.memory_space<semaphore_mem>>)
          %dma_wait3A_478 = arith.constant 0 : i32
          %dma_wait3A_479 = tpu.memref_slice %arg3[%add3A, %dma_wait3A_478] : memref<2560x128xi32, #tpu.memory_space<hbm>> -> memref<16x128xi32, #tpu.memory_space<hbm>>
          %dma_wait3A_480 = arith.constant 0 : i32
          %dma_wait3A_481 = tpu.memref_slice %arg3[%add3A, %dma_wait3A_480] : memref<2560x128xi32, #tpu.memory_space<hbm>> -> memref<16x128xi32, #tpu.memory_space<hbm>>
          tpu.wait_dma2 semaphore(%run_scoped3A : memref<!tpu.dma_semaphore, #tpu.memory_space<semaphore_mem>>) src(%dma_wait3A_481 : memref<16x128xi32, #tpu.memory_space<hbm>>) dst(%arg9 : memref<16x128xi32, #tpu.memory_space<vmem>>)
          tpu.yield
        }) : () -> ()
        %dma_start3A = arith.constant 0 : i32
        %dma_start3A_27 = arith.constant 0 : i32
        %dma_start3A_28 = tpu.memref_slice %arg8[%dma_start3A, %dma_start3A_27] : memref<16x128xi32, #tpu.memory_space<vmem>> -> memref<1x128xi32, #tpu.memory_space<vmem>>
        %dma_start3A_29 = tpu.memref_squeeze %dma_start3A_28 : memref<1x128xi32, #tpu.memory_space<vmem>> -> memref<128xi32, #tpu.memory_space<vmem>>
        %dma_start3A_30 = arith.constant 0 : i32
        %dma_start3A_31 = arith.constant 0 : i32
        %dma_start3A_32 = tpu.memref_slice %arg5[%dma_start3A_30, %dma_start3A_31] : memref<10240x128xf32, #tpu.memory_space<hbm>> -> memref<10240x128xf32, #tpu.memory_space<hbm>>
        tpu.enqueue_indirect_dma source(%dma_start3A_32 : memref<10240x128xf32, #tpu.memory_space<hbm>>) target(%arg10 : memref<128x128xf32, #tpu.memory_space<vmem>>) offsets(%dma_start3A_29 : memref<128xi32, #tpu.memory_space<vmem>>) semaphore(%arg13 : memref<!tpu.dma_semaphore, #tpu.memory_space<semaphore_mem>>)
        %dma_wait3A = arith.constant 0 : i32
        %dma_wait3A_33 = arith.constant 0 : i32
        %dma_wait3A_34 = tpu.memref_slice %arg8[%dma_wait3A, %dma_wait3A_33] : memref<16x128xi32, #tpu.memory_space<vmem>> -> memref<1x128xi32, #tpu.memory_space<vmem>>
        %dma_wait3A_35 = tpu.memref_squeeze %dma_wait3A_34 : memref<1x128xi32, #tpu.memory_space<vmem>> -> memref<128xi32, #tpu.memory_space<vmem>>
        %dma_wait3A_36 = arith.constant 0 : i32
        %dma_wait3A_37 = arith.constant 0 : i32
        %dma_wait3A_38 = tpu.memref_slice %arg5[%dma_wait3A_36, %dma_wait3A_37] : memref<10240x128xf32, #tpu.memory_space<hbm>> -> memref<10240x128xf32, #tpu.memory_space<hbm>>
        tpu.wait_indirect_dma semaphore(%arg13 : memref<!tpu.dma_semaphore, #tpu.memory_space<semaphore_mem>>) src(%dma_wait3A_38 : memref<10240x128xf32, #tpu.memory_space<hbm>>) dst(%arg10 : memref<128x128xf32, #tpu.memory_space<vmem>>)
        %dma_start3A_39 = arith.constant 1 : i32
        %dma_start3A_40 = arith.constant 0 : i32
        %dma_start3A_41 = tpu.memref_slice %arg8[%dma_start3A_39, %dma_start3A_40] : memref<16x128xi32, #tpu.memory_space<vmem>> -> memref<1x128xi32, #tpu.memory_space<vmem>>
        %dma_start3A_42 = tpu.memref_squeeze %dma_start3A_41 : memref<1x128xi32, #tpu.memory_space<vmem>> -> memref<128xi32, #tpu.memory_space<vmem>>
        %dma_start3A_43 = arith.constant 0 : i32
        %dma_start3A_44 = arith.constant 0 : i32
        %dma_start3A_45 = tpu.memref_slice %arg5[%dma_start3A_43, %dma_start3A_44] : memref<10240x128xf32, #tpu.memory_space<hbm>> -> memref<10240x128xf32, #tpu.memory_space<hbm>>
        tpu.enqueue_indirect_dma source(%dma_start3A_45 : memref<10240x128xf32, #tpu.memory_space<hbm>>) target(%arg11 : memref<128x128xf32, #tpu.memory_space<vmem>>) offsets(%dma_start3A_42 : memref<128xi32, #tpu.memory_space<vmem>>) semaphore(%arg14 : memref<!tpu.dma_semaphore, #tpu.memory_space<semaphore_mem>>)
        %dma_start3A_46 = arith.constant 0 : i32
        %dma_start3A_47 = arith.constant 0 : i32
        %dma_start3A_48 = tpu.memref_slice %arg9[%dma_start3A_46, %dma_start3A_47] : memref<16x128xi32, #tpu.memory_space<vmem>> -> memref<1x128xi32, #tpu.memory_space<vmem>>
        %dma_start3A_49 = tpu.memref_squeeze %dma_start3A_48 : memref<1x128xi32, #tpu.memory_space<vmem>> -> memref<128xi32, #tpu.memory_space<vmem>>
        %dma_start3A_50 = arith.constant 0 : i32
        %dma_start3A_51 = arith.constant 0 : i32
        %dma_start3A_52 = tpu.memref_slice %arg12[%dma_start3A_50, %dma_start3A_51] : memref<10112x128xf32, #tpu.memory_space<vmem_shared>> -> memref<10112x128xf32, #tpu.memory_space<vmem_shared>>
        tpu.enqueue_indirect_dma source(%arg10 : memref<128x128xf32, #tpu.memory_space<vmem>>) target(%dma_start3A_52 : memref<10112x128xf32, #tpu.memory_space<vmem_shared>>) offsets(%dma_start3A_49 : memref<128xi32, #tpu.memory_space<vmem>>) semaphore(%arg15 : memref<!tpu.dma_semaphore, #tpu.memory_space<semaphore_mem>>) {add = true}
        %dma_wait3A_53 = arith.constant 1 : i32
        %dma_wait3A_54 = arith.constant 0 : i32
        %dma_wait3A_55 = tpu.memref_slice %arg8[%dma_wait3A_53, %dma_wait3A_54] : memref<16x128xi32, #tpu.memory_space<vmem>> -> memref<1x128xi32, #tpu.memory_space<vmem>>
        %dma_wait3A_56 = tpu.memref_squeeze %dma_wait3A_55 : memref<1x128xi32, #tpu.memory_space<vmem>> -> memref<128xi32, #tpu.memory_space<vmem>>
        %dma_wait3A_57 = arith.constant 0 : i32
        %dma_wait3A_58 = arith.constant 0 : i32
        %dma_wait3A_59 = tpu.memref_slice %arg5[%dma_wait3A_57, %dma_wait3A_58] : memref<10240x128xf32, #tpu.memory_space<hbm>> -> memref<10240x128xf32, #tpu.memory_space<hbm>>
        tpu.wait_indirect_dma semaphore(%arg14 : memref<!tpu.dma_semaphore, #tpu.memory_space<semaphore_mem>>) src(%dma_wait3A_59 : memref<10240x128xf32, #tpu.memory_space<hbm>>) dst(%arg11 : memref<128x128xf32, #tpu.memory_space<vmem>>)
        %dma_wait3A_60 = arith.constant 0 : i32
        %dma_wait3A_61 = arith.constant 0 : i32
        %dma_wait3A_62 = tpu.memref_slice %arg9[%dma_wait3A_60, %dma_wait3A_61] : memref<16x128xi32, #tpu.memory_space<vmem>> -> memref<1x128xi32, #tpu.memory_space<vmem>>
        %dma_wait3A_63 = tpu.memref_squeeze %dma_wait3A_62 : memref<1x128xi32, #tpu.memory_space<vmem>> -> memref<128xi32, #tpu.memory_space<vmem>>
        %dma_wait3A_64 = arith.constant 0 : i32
        %dma_wait3A_65 = arith.constant 0 : i32
        %dma_wait3A_66 = tpu.memref_slice %arg12[%dma_wait3A_64, %dma_wait3A_65] : memref<10112x128xf32, #tpu.memory_space<vmem_shared>> -> memref<10112x128xf32, #tpu.memory_space<vmem_shared>>
        tpu.wait_indirect_dma semaphore(%arg15 : memref<!tpu.dma_semaphore, #tpu.memory_space<semaphore_mem>>) src(%arg10 : memref<128x128xf32, #tpu.memory_space<vmem>>) dst(%dma_wait3A_66 : memref<10112x128xf32, #tpu.memory_space<vmem_shared>>)
        %dma_start3A_67 = arith.constant 2 : i32
        %dma_start3A_68 = arith.constant 0 : i32
        %dma_start3A_69 = tpu.memref_slice %arg8[%dma_start3A_67, %dma_start3A_68] : memref<16x128xi32, #tpu.memory_space<vmem>> -> memref<1x128xi32, #tpu.memory_space<vmem>>
        %dma_start3A_70 = tpu.memref_squeeze %dma_start3A_69 : memref<1x128xi32, #tpu.memory_space<vmem>> -> memref<128xi32, #tpu.memory_space<vmem>>
        %dma_start3A_71 = arith.constant 0 : i32
        %dma_start3A_72 = arith.constant 0 : i32
        %dma_start3A_73 = tpu.memref_slice %arg5[%dma_start3A_71, %dma_start3A_72] : memref<10240x128xf32, #tpu.memory_space<hbm>> -> memref<10240x128xf32, #tpu.memory_space<hbm>>
        tpu.enqueue_indirect_dma source(%dma_start3A_73 : memref<10240x128xf32, #tpu.memory_space<hbm>>) target(%arg10 : memref<128x128xf32, #tpu.memory_space<vmem>>) offsets(%dma_start3A_70 : memref<128xi32, #tpu.memory_space<vmem>>) semaphore(%arg13 : memref<!tpu.dma_semaphore, #tpu.memory_space<semaphore_mem>>)
        %dma_start3A_74 = arith.constant 1 : i32
        %dma_start3A_75 = arith.constant 0 : i32
        %dma_start3A_76 = tpu.memref_slice %arg9[%dma_start3A_74, %dma_start3A_75] : memref<16x128xi32, #tpu.memory_space<vmem>> -> memref<1x128xi32, #tpu.memory_space<vmem>>
        %dma_start3A_77 = tpu.memref_squeeze %dma_start3A_76 : memref<1x128xi32, #tpu.memory_space<vmem>> -> memref<128xi32, #tpu.memory_space<vmem>>
        %dma_start3A_78 = arith.constant 0 : i32
        %dma_start3A_79 = arith.constant 0 : i32
        %dma_start3A_80 = tpu.memref_slice %arg12[%dma_start3A_78, %dma_start3A_79] : memref<10112x128xf32, #tpu.memory_space<vmem_shared>> -> memref<10112x128xf32, #tpu.memory_space<vmem_shared>>
        tpu.enqueue_indirect_dma source(%arg11 : memref<128x128xf32, #tpu.memory_space<vmem>>) target(%dma_start3A_80 : memref<10112x128xf32, #tpu.memory_space<vmem_shared>>) offsets(%dma_start3A_77 : memref<128xi32, #tpu.memory_space<vmem>>) semaphore(%arg16 : memref<!tpu.dma_semaphore, #tpu.memory_space<semaphore_mem>>) {add = true}
        %dma_wait3A_81 = arith.constant 2 : i32
        %dma_wait3A_82 = arith.constant 0 : i32
        %dma_wait3A_83 = tpu.memref_slice %arg8[%dma_wait3A_81, %dma_wait3A_82] : memref<16x128xi32, #tpu.memory_space<vmem>> -> memref<1x128xi32, #tpu.memory_space<vmem>>
        %dma_wait3A_84 = tpu.memref_squeeze %dma_wait3A_83 : memref<1x128xi32, #tpu.memory_space<vmem>> -> memref<128xi32, #tpu.memory_space<vmem>>
        %dma_wait3A_85 = arith.constant 0 : i32
        %dma_wait3A_86 = arith.constant 0 : i32
        %dma_wait3A_87 = tpu.memref_slice %arg5[%dma_wait3A_85, %dma_wait3A_86] : memref<10240x128xf32, #tpu.memory_space<hbm>> -> memref<10240x128xf32, #tpu.memory_space<hbm>>
        tpu.wait_indirect_dma semaphore(%arg13 : memref<!tpu.dma_semaphore, #tpu.memory_space<semaphore_mem>>) src(%dma_wait3A_87 : memref<10240x128xf32, #tpu.memory_space<hbm>>) dst(%arg10 : memref<128x128xf32, #tpu.memory_space<vmem>>)
        %dma_wait3A_88 = arith.constant 1 : i32
        %dma_wait3A_89 = arith.constant 0 : i32
        %dma_wait3A_90 = tpu.memref_slice %arg9[%dma_wait3A_88, %dma_wait3A_89] : memref<16x128xi32, #tpu.memory_space<vmem>> -> memref<1x128xi32, #tpu.memory_space<vmem>>
        %dma_wait3A_91 = tpu.memref_squeeze %dma_wait3A_90 : memref<1x128xi32, #tpu.memory_space<vmem>> -> memref<128xi32, #tpu.memory_space<vmem>>
        %dma_wait3A_92 = arith.constant 0 : i32
        %dma_wait3A_93 = arith.constant 0 : i32
        %dma_wait3A_94 = tpu.memref_slice %arg12[%dma_wait3A_92, %dma_wait3A_93] : memref<10112x128xf32, #tpu.memory_space<vmem_shared>> -> memref<10112x128xf32, #tpu.memory_space<vmem_shared>>
        tpu.wait_indirect_dma semaphore(%arg16 : memref<!tpu.dma_semaphore, #tpu.memory_space<semaphore_mem>>) src(%arg11 : memref<128x128xf32, #tpu.memory_space<vmem>>) dst(%dma_wait3A_94 : memref<10112x128xf32, #tpu.memory_space<vmem_shared>>)
        %dma_start3A_95 = arith.constant 3 : i32
        %dma_start3A_96 = arith.constant 0 : i32
        %dma_start3A_97 = tpu.memref_slice %arg8[%dma_start3A_95, %dma_start3A_96] : memref<16x128xi32, #tpu.memory_space<vmem>> -> memref<1x128xi32, #tpu.memory_space<vmem>>
        %dma_start3A_98 = tpu.memref_squeeze %dma_start3A_97 : memref<1x128xi32, #tpu.memory_space<vmem>> -> memref<128xi32, #tpu.memory_space<vmem>>
        %dma_start3A_99 = arith.constant 0 : i32
        %dma_start3A_100 = arith.constant 0 : i32
        %dma_start3A_101 = tpu.memref_slice %arg5[%dma_start3A_99, %dma_start3A_100] : memref<10240x128xf32, #tpu.memory_space<hbm>> -> memref<10240x128xf32, #tpu.memory_space<hbm>>
        tpu.enqueue_indirect_dma source(%dma_start3A_101 : memref<10240x128xf32, #tpu.memory_space<hbm>>) target(%arg11 : memref<128x128xf32, #tpu.memory_space<vmem>>) offsets(%dma_start3A_98 : memref<128xi32, #tpu.memory_space<vmem>>) semaphore(%arg14 : memref<!tpu.dma_semaphore, #tpu.memory_space<semaphore_mem>>)
        %dma_start3A_102 = arith.constant 2 : i32
        %dma_start3A_103 = arith.constant 0 : i32
        %dma_start3A_104 = tpu.memref_slice %arg9[%dma_start3A_102, %dma_start3A_103] : memref<16x128xi32, #tpu.memory_space<vmem>> -> memref<1x128xi32, #tpu.memory_space<vmem>>
        %dma_start3A_105 = tpu.memref_squeeze %dma_start3A_104 : memref<1x128xi32, #tpu.memory_space<vmem>> -> memref<128xi32, #tpu.memory_space<vmem>>
        %dma_start3A_106 = arith.constant 0 : i32
        %dma_start3A_107 = arith.constant 0 : i32
        %dma_start3A_108 = tpu.memref_slice %arg12[%dma_start3A_106, %dma_start3A_107] : memref<10112x128xf32, #tpu.memory_space<vmem_shared>> -> memref<10112x128xf32, #tpu.memory_space<vmem_shared>>
        tpu.enqueue_indirect_dma source(%arg10 : memref<128x128xf32, #tpu.memory_space<vmem>>) target(%dma_start3A_108 : memref<10112x128xf32, #tpu.memory_space<vmem_shared>>) offsets(%dma_start3A_105 : memref<128xi32, #tpu.memory_space<vmem>>) semaphore(%arg15 : memref<!tpu.dma_semaphore, #tpu.memory_space<semaphore_mem>>) {add = true}
        %dma_wait3A_109 = arith.constant 3 : i32
        %dma_wait3A_110 = arith.constant 0 : i32
        %dma_wait3A_111 = tpu.memref_slice %arg8[%dma_wait3A_109, %dma_wait3A_110] : memref<16x128xi32, #tpu.memory_space<vmem>> -> memref<1x128xi32, #tpu.memory_space<vmem>>
        %dma_wait3A_112 = tpu.memref_squeeze %dma_wait3A_111 : memref<1x128xi32, #tpu.memory_space<vmem>> -> memref<128xi32, #tpu.memory_space<vmem>>
        %dma_wait3A_113 = arith.constant 0 : i32
        %dma_wait3A_114 = arith.constant 0 : i32
        %dma_wait3A_115 = tpu.memref_slice %arg5[%dma_wait3A_113, %dma_wait3A_114] : memref<10240x128xf32, #tpu.memory_space<hbm>> -> memref<10240x128xf32, #tpu.memory_space<hbm>>
        tpu.wait_indirect_dma semaphore(%arg14 : memref<!tpu.dma_semaphore, #tpu.memory_space<semaphore_mem>>) src(%dma_wait3A_115 : memref<10240x128xf32, #tpu.memory_space<hbm>>) dst(%arg11 : memref<128x128xf32, #tpu.memory_space<vmem>>)
        %dma_wait3A_116 = arith.constant 2 : i32
        %dma_wait3A_117 = arith.constant 0 : i32
        %dma_wait3A_118 = tpu.memref_slice %arg9[%dma_wait3A_116, %dma_wait3A_117] : memref<16x128xi32, #tpu.memory_space<vmem>> -> memref<1x128xi32, #tpu.memory_space<vmem>>
        %dma_wait3A_119 = tpu.memref_squeeze %dma_wait3A_118 : memref<1x128xi32, #tpu.memory_space<vmem>> -> memref<128xi32, #tpu.memory_space<vmem>>
        %dma_wait3A_120 = arith.constant 0 : i32
        %dma_wait3A_121 = arith.constant 0 : i32
        %dma_wait3A_122 = tpu.memref_slice %arg12[%dma_wait3A_120, %dma_wait3A_121] : memref<10112x128xf32, #tpu.memory_space<vmem_shared>> -> memref<10112x128xf32, #tpu.memory_space<vmem_shared>>
        tpu.wait_indirect_dma semaphore(%arg15 : memref<!tpu.dma_semaphore, #tpu.memory_space<semaphore_mem>>) src(%arg10 : memref<128x128xf32, #tpu.memory_space<vmem>>) dst(%dma_wait3A_122 : memref<10112x128xf32, #tpu.memory_space<vmem_shared>>)
        %dma_start3A_123 = arith.constant 4 : i32
        %dma_start3A_124 = arith.constant 0 : i32
        %dma_start3A_125 = tpu.memref_slice %arg8[%dma_start3A_123, %dma_start3A_124] : memref<16x128xi32, #tpu.memory_space<vmem>> -> memref<1x128xi32, #tpu.memory_space<vmem>>
        %dma_start3A_126 = tpu.memref_squeeze %dma_start3A_125 : memref<1x128xi32, #tpu.memory_space<vmem>> -> memref<128xi32, #tpu.memory_space<vmem>>
        %dma_start3A_127 = arith.constant 0 : i32
        %dma_start3A_128 = arith.constant 0 : i32
        %dma_start3A_129 = tpu.memref_slice %arg5[%dma_start3A_127, %dma_start3A_128] : memref<10240x128xf32, #tpu.memory_space<hbm>> -> memref<10240x128xf32, #tpu.memory_space<hbm>>
        tpu.enqueue_indirect_dma source(%dma_start3A_129 : memref<10240x128xf32, #tpu.memory_space<hbm>>) target(%arg10 : memref<128x128xf32, #tpu.memory_space<vmem>>) offsets(%dma_start3A_126 : memref<128xi32, #tpu.memory_space<vmem>>) semaphore(%arg13 : memref<!tpu.dma_semaphore, #tpu.memory_space<semaphore_mem>>)
        %dma_start3A_130 = arith.constant 3 : i32
        %dma_start3A_131 = arith.constant 0 : i32
        %dma_start3A_132 = tpu.memref_slice %arg9[%dma_start3A_130, %dma_start3A_131] : memref<16x128xi32, #tpu.memory_space<vmem>> -> memref<1x128xi32, #tpu.memory_space<vmem>>
        %dma_start3A_133 = tpu.memref_squeeze %dma_start3A_132 : memref<1x128xi32, #tpu.memory_space<vmem>> -> memref<128xi32, #tpu.memory_space<vmem>>
        %dma_start3A_134 = arith.constant 0 : i32
        %dma_start3A_135 = arith.constant 0 : i32
        %dma_start3A_136 = tpu.memref_slice %arg12[%dma_start3A_134, %dma_start3A_135] : memref<10112x128xf32, #tpu.memory_space<vmem_shared>> -> memref<10112x128xf32, #tpu.memory_space<vmem_shared>>
        tpu.enqueue_indirect_dma source(%arg11 : memref<128x128xf32, #tpu.memory_space<vmem>>) target(%dma_start3A_136 : memref<10112x128xf32, #tpu.memory_space<vmem_shared>>) offsets(%dma_start3A_133 : memref<128xi32, #tpu.memory_space<vmem>>) semaphore(%arg16 : memref<!tpu.dma_semaphore, #tpu.memory_space<semaphore_mem>>) {add = true}
        %dma_wait3A_137 = arith.constant 4 : i32
        %dma_wait3A_138 = arith.constant 0 : i32
        %dma_wait3A_139 = tpu.memref_slice %arg8[%dma_wait3A_137, %dma_wait3A_138] : memref<16x128xi32, #tpu.memory_space<vmem>> -> memref<1x128xi32, #tpu.memory_space<vmem>>
        %dma_wait3A_140 = tpu.memref_squeeze %dma_wait3A_139 : memref<1x128xi32, #tpu.memory_space<vmem>> -> memref<128xi32, #tpu.memory_space<vmem>>
        %dma_wait3A_141 = arith.constant 0 : i32
        %dma_wait3A_142 = arith.constant 0 : i32
        %dma_wait3A_143 = tpu.memref_slice %arg5[%dma_wait3A_141, %dma_wait3A_142] : memref<10240x128xf32, #tpu.memory_space<hbm>> -> memref<10240x128xf32, #tpu.memory_space<hbm>>
        tpu.wait_indirect_dma semaphore(%arg13 : memref<!tpu.dma_semaphore, #tpu.memory_space<semaphore_mem>>) src(%dma_wait3A_143 : memref<10240x128xf32, #tpu.memory_space<hbm>>) dst(%arg10 : memref<128x128xf32, #tpu.memory_space<vmem>>)
        %dma_wait3A_144 = arith.constant 3 : i32
        %dma_wait3A_145 = arith.constant 0 : i32
        %dma_wait3A_146 = tpu.memref_slice %arg9[%dma_wait3A_144, %dma_wait3A_145] : memref<16x128xi32, #tpu.memory_space<vmem>> -> memref<1x128xi32, #tpu.memory_space<vmem>>
        %dma_wait3A_147 = tpu.memref_squeeze %dma_wait3A_146 : memref<1x128xi32, #tpu.memory_space<vmem>> -> memref<128xi32, #tpu.memory_space<vmem>>
        %dma_wait3A_148 = arith.constant 0 : i32
        %dma_wait3A_149 = arith.constant 0 : i32
        %dma_wait3A_150 = tpu.memref_slice %arg12[%dma_wait3A_148, %dma_wait3A_149] : memref<10112x128xf32, #tpu.memory_space<vmem_shared>> -> memref<10112x128xf32, #tpu.memory_space<vmem_shared>>
        tpu.wait_indirect_dma semaphore(%arg16 : memref<!tpu.dma_semaphore, #tpu.memory_space<semaphore_mem>>) src(%arg11 : memref<128x128xf32, #tpu.memory_space<vmem>>) dst(%dma_wait3A_150 : memref<10112x128xf32, #tpu.memory_space<vmem_shared>>)
        %dma_start3A_151 = arith.constant 5 : i32
        %dma_start3A_152 = arith.constant 0 : i32
        %dma_start3A_153 = tpu.memref_slice %arg8[%dma_start3A_151, %dma_start3A_152] : memref<16x128xi32, #tpu.memory_space<vmem>> -> memref<1x128xi32, #tpu.memory_space<vmem>>
        %dma_start3A_154 = tpu.memref_squeeze %dma_start3A_153 : memref<1x128xi32, #tpu.memory_space<vmem>> -> memref<128xi32, #tpu.memory_space<vmem>>
        %dma_start3A_155 = arith.constant 0 : i32
        %dma_start3A_156 = arith.constant 0 : i32
        %dma_start3A_157 = tpu.memref_slice %arg5[%dma_start3A_155, %dma_start3A_156] : memref<10240x128xf32, #tpu.memory_space<hbm>> -> memref<10240x128xf32, #tpu.memory_space<hbm>>
        tpu.enqueue_indirect_dma source(%dma_start3A_157 : memref<10240x128xf32, #tpu.memory_space<hbm>>) target(%arg11 : memref<128x128xf32, #tpu.memory_space<vmem>>) offsets(%dma_start3A_154 : memref<128xi32, #tpu.memory_space<vmem>>) semaphore(%arg14 : memref<!tpu.dma_semaphore, #tpu.memory_space<semaphore_mem>>)
        %dma_start3A_158 = arith.constant 4 : i32
        %dma_start3A_159 = arith.constant 0 : i32
        %dma_start3A_160 = tpu.memref_slice %arg9[%dma_start3A_158, %dma_start3A_159] : memref<16x128xi32, #tpu.memory_space<vmem>> -> memref<1x128xi32, #tpu.memory_space<vmem>>
        %dma_start3A_161 = tpu.memref_squeeze %dma_start3A_160 : memref<1x128xi32, #tpu.memory_space<vmem>> -> memref<128xi32, #tpu.memory_space<vmem>>
        %dma_start3A_162 = arith.constant 0 : i32
        %dma_start3A_163 = arith.constant 0 : i32
        %dma_start3A_164 = tpu.memref_slice %arg12[%dma_start3A_162, %dma_start3A_163] : memref<10112x128xf32, #tpu.memory_space<vmem_shared>> -> memref<10112x128xf32, #tpu.memory_space<vmem_shared>>
        tpu.enqueue_indirect_dma source(%arg10 : memref<128x128xf32, #tpu.memory_space<vmem>>) target(%dma_start3A_164 : memref<10112x128xf32, #tpu.memory_space<vmem_shared>>) offsets(%dma_start3A_161 : memref<128xi32, #tpu.memory_space<vmem>>) semaphore(%arg15 : memref<!tpu.dma_semaphore, #tpu.memory_space<semaphore_mem>>) {add = true}
        %dma_wait3A_165 = arith.constant 5 : i32
        %dma_wait3A_166 = arith.constant 0 : i32
        %dma_wait3A_167 = tpu.memref_slice %arg8[%dma_wait3A_165, %dma_wait3A_166] : memref<16x128xi32, #tpu.memory_space<vmem>> -> memref<1x128xi32, #tpu.memory_space<vmem>>
        %dma_wait3A_168 = tpu.memref_squeeze %dma_wait3A_167 : memref<1x128xi32, #tpu.memory_space<vmem>> -> memref<128xi32, #tpu.memory_space<vmem>>
        %dma_wait3A_169 = arith.constant 0 : i32
        %dma_wait3A_170 = arith.constant 0 : i32
        %dma_wait3A_171 = tpu.memref_slice %arg5[%dma_wait3A_169, %dma_wait3A_170] : memref<10240x128xf32, #tpu.memory_space<hbm>> -> memref<10240x128xf32, #tpu.memory_space<hbm>>
        tpu.wait_indirect_dma semaphore(%arg14 : memref<!tpu.dma_semaphore, #tpu.memory_space<semaphore_mem>>) src(%dma_wait3A_171 : memref<10240x128xf32, #tpu.memory_space<hbm>>) dst(%arg11 : memref<128x128xf32, #tpu.memory_space<vmem>>)
        %dma_wait3A_172 = arith.constant 4 : i32
        %dma_wait3A_173 = arith.constant 0 : i32
        %dma_wait3A_174 = tpu.memref_slice %arg9[%dma_wait3A_172, %dma_wait3A_173] : memref<16x128xi32, #tpu.memory_space<vmem>> -> memref<1x128xi32, #tpu.memory_space<vmem>>
        %dma_wait3A_175 = tpu.memref_squeeze %dma_wait3A_174 : memref<1x128xi32, #tpu.memory_space<vmem>> -> memref<128xi32, #tpu.memory_space<vmem>>
        %dma_wait3A_176 = arith.constant 0 : i32
        %dma_wait3A_177 = arith.constant 0 : i32
        %dma_wait3A_178 = tpu.memref_slice %arg12[%dma_wait3A_176, %dma_wait3A_177] : memref<10112x128xf32, #tpu.memory_space<vmem_shared>> -> memref<10112x128xf32, #tpu.memory_space<vmem_shared>>
        tpu.wait_indirect_dma semaphore(%arg15 : memref<!tpu.dma_semaphore, #tpu.memory_space<semaphore_mem>>) src(%arg10 : memref<128x128xf32, #tpu.memory_space<vmem>>) dst(%dma_wait3A_178 : memref<10112x128xf32, #tpu.memory_space<vmem_shared>>)
        %dma_start3A_179 = arith.constant 6 : i32
        %dma_start3A_180 = arith.constant 0 : i32
        %dma_start3A_181 = tpu.memref_slice %arg8[%dma_start3A_179, %dma_start3A_180] : memref<16x128xi32, #tpu.memory_space<vmem>> -> memref<1x128xi32, #tpu.memory_space<vmem>>
        %dma_start3A_182 = tpu.memref_squeeze %dma_start3A_181 : memref<1x128xi32, #tpu.memory_space<vmem>> -> memref<128xi32, #tpu.memory_space<vmem>>
        %dma_start3A_183 = arith.constant 0 : i32
        %dma_start3A_184 = arith.constant 0 : i32
        %dma_start3A_185 = tpu.memref_slice %arg5[%dma_start3A_183, %dma_start3A_184] : memref<10240x128xf32, #tpu.memory_space<hbm>> -> memref<10240x128xf32, #tpu.memory_space<hbm>>
        tpu.enqueue_indirect_dma source(%dma_start3A_185 : memref<10240x128xf32, #tpu.memory_space<hbm>>) target(%arg10 : memref<128x128xf32, #tpu.memory_space<vmem>>) offsets(%dma_start3A_182 : memref<128xi32, #tpu.memory_space<vmem>>) semaphore(%arg13 : memref<!tpu.dma_semaphore, #tpu.memory_space<semaphore_mem>>)
        %dma_start3A_186 = arith.constant 5 : i32
        %dma_start3A_187 = arith.constant 0 : i32
        %dma_start3A_188 = tpu.memref_slice %arg9[%dma_start3A_186, %dma_start3A_187] : memref<16x128xi32, #tpu.memory_space<vmem>> -> memref<1x128xi32, #tpu.memory_space<vmem>>
        %dma_start3A_189 = tpu.memref_squeeze %dma_start3A_188 : memref<1x128xi32, #tpu.memory_space<vmem>> -> memref<128xi32, #tpu.memory_space<vmem>>
        %dma_start3A_190 = arith.constant 0 : i32
        %dma_start3A_191 = arith.constant 0 : i32
        %dma_start3A_192 = tpu.memref_slice %arg12[%dma_start3A_190, %dma_start3A_191] : memref<10112x128xf32, #tpu.memory_space<vmem_shared>> -> memref<10112x128xf32, #tpu.memory_space<vmem_shared>>
        tpu.enqueue_indirect_dma source(%arg11 : memref<128x128xf32, #tpu.memory_space<vmem>>) target(%dma_start3A_192 : memref<10112x128xf32, #tpu.memory_space<vmem_shared>>) offsets(%dma_start3A_189 : memref<128xi32, #tpu.memory_space<vmem>>) semaphore(%arg16 : memref<!tpu.dma_semaphore, #tpu.memory_space<semaphore_mem>>) {add = true}
        %dma_wait3A_193 = arith.constant 6 : i32
        %dma_wait3A_194 = arith.constant 0 : i32
        %dma_wait3A_195 = tpu.memref_slice %arg8[%dma_wait3A_193, %dma_wait3A_194] : memref<16x128xi32, #tpu.memory_space<vmem>> -> memref<1x128xi32, #tpu.memory_space<vmem>>
        %dma_wait3A_196 = tpu.memref_squeeze %dma_wait3A_195 : memref<1x128xi32, #tpu.memory_space<vmem>> -> memref<128xi32, #tpu.memory_space<vmem>>
        %dma_wait3A_197 = arith.constant 0 : i32
        %dma_wait3A_198 = arith.constant 0 : i32
        %dma_wait3A_199 = tpu.memref_slice %arg5[%dma_wait3A_197, %dma_wait3A_198] : memref<10240x128xf32, #tpu.memory_space<hbm>> -> memref<10240x128xf32, #tpu.memory_space<hbm>>
        tpu.wait_indirect_dma semaphore(%arg13 : memref<!tpu.dma_semaphore, #tpu.memory_space<semaphore_mem>>) src(%dma_wait3A_199 : memref<10240x128xf32, #tpu.memory_space<hbm>>) dst(%arg10 : memref<128x128xf32, #tpu.memory_space<vmem>>)
        %dma_wait3A_200 = arith.constant 5 : i32
        %dma_wait3A_201 = arith.constant 0 : i32
        %dma_wait3A_202 = tpu.memref_slice %arg9[%dma_wait3A_200, %dma_wait3A_201] : memref<16x128xi32, #tpu.memory_space<vmem>> -> memref<1x128xi32, #tpu.memory_space<vmem>>
        %dma_wait3A_203 = tpu.memref_squeeze %dma_wait3A_202 : memref<1x128xi32, #tpu.memory_space<vmem>> -> memref<128xi32, #tpu.memory_space<vmem>>
        %dma_wait3A_204 = arith.constant 0 : i32
        %dma_wait3A_205 = arith.constant 0 : i32
        %dma_wait3A_206 = tpu.memref_slice %arg12[%dma_wait3A_204, %dma_wait3A_205] : memref<10112x128xf32, #tpu.memory_space<vmem_shared>> -> memref<10112x128xf32, #tpu.memory_space<vmem_shared>>
        tpu.wait_indirect_dma semaphore(%arg16 : memref<!tpu.dma_semaphore, #tpu.memory_space<semaphore_mem>>) src(%arg11 : memref<128x128xf32, #tpu.memory_space<vmem>>) dst(%dma_wait3A_206 : memref<10112x128xf32, #tpu.memory_space<vmem_shared>>)
        %dma_start3A_207 = arith.constant 7 : i32
        %dma_start3A_208 = arith.constant 0 : i32
        %dma_start3A_209 = tpu.memref_slice %arg8[%dma_start3A_207, %dma_start3A_208] : memref<16x128xi32, #tpu.memory_space<vmem>> -> memref<1x128xi32, #tpu.memory_space<vmem>>
        %dma_start3A_210 = tpu.memref_squeeze %dma_start3A_209 : memref<1x128xi32, #tpu.memory_space<vmem>> -> memref<128xi32, #tpu.memory_space<vmem>>
        %dma_start3A_211 = arith.constant 0 : i32
        %dma_start3A_212 = arith.constant 0 : i32
        %dma_start3A_213 = tpu.memref_slice %arg5[%dma_start3A_211, %dma_start3A_212] : memref<10240x128xf32, #tpu.memory_space<hbm>> -> memref<10240x128xf32, #tpu.memory_space<hbm>>
        tpu.enqueue_indirect_dma source(%dma_start3A_213 : memref<10240x128xf32, #tpu.memory_space<hbm>>) target(%arg11 : memref<128x128xf32, #tpu.memory_space<vmem>>) offsets(%dma_start3A_210 : memref<128xi32, #tpu.memory_space<vmem>>) semaphore(%arg14 : memref<!tpu.dma_semaphore, #tpu.memory_space<semaphore_mem>>)
        %dma_start3A_214 = arith.constant 6 : i32
        %dma_start3A_215 = arith.constant 0 : i32
        %dma_start3A_216 = tpu.memref_slice %arg9[%dma_start3A_214, %dma_start3A_215] : memref<16x128xi32, #tpu.memory_space<vmem>> -> memref<1x128xi32, #tpu.memory_space<vmem>>
        %dma_start3A_217 = tpu.memref_squeeze %dma_start3A_216 : memref<1x128xi32, #tpu.memory_space<vmem>> -> memref<128xi32, #tpu.memory_space<vmem>>
        %dma_start3A_218 = arith.constant 0 : i32
        %dma_start3A_219 = arith.constant 0 : i32
        %dma_start3A_220 = tpu.memref_slice %arg12[%dma_start3A_218, %dma_start3A_219] : memref<10112x128xf32, #tpu.memory_space<vmem_shared>> -> memref<10112x128xf32, #tpu.memory_space<vmem_shared>>
        tpu.enqueue_indirect_dma source(%arg10 : memref<128x128xf32, #tpu.memory_space<vmem>>) target(%dma_start3A_220 : memref<10112x128xf32, #tpu.memory_space<vmem_shared>>) offsets(%dma_start3A_217 : memref<128xi32, #tpu.memory_space<vmem>>) semaphore(%arg15 : memref<!tpu.dma_semaphore, #tpu.memory_space<semaphore_mem>>) {add = true}
        %dma_wait3A_221 = arith.constant 7 : i32
        %dma_wait3A_222 = arith.constant 0 : i32
        %dma_wait3A_223 = tpu.memref_slice %arg8[%dma_wait3A_221, %dma_wait3A_222] : memref<16x128xi32, #tpu.memory_space<vmem>> -> memref<1x128xi32, #tpu.memory_space<vmem>>
        %dma_wait3A_224 = tpu.memref_squeeze %dma_wait3A_223 : memref<1x128xi32, #tpu.memory_space<vmem>> -> memref<128xi32, #tpu.memory_space<vmem>>
        %dma_wait3A_225 = arith.constant 0 : i32
        %dma_wait3A_226 = arith.constant 0 : i32
        %dma_wait3A_227 = tpu.memref_slice %arg5[%dma_wait3A_225, %dma_wait3A_226] : memref<10240x128xf32, #tpu.memory_space<hbm>> -> memref<10240x128xf32, #tpu.memory_space<hbm>>
        tpu.wait_indirect_dma semaphore(%arg14 : memref<!tpu.dma_semaphore, #tpu.memory_space<semaphore_mem>>) src(%dma_wait3A_227 : memref<10240x128xf32, #tpu.memory_space<hbm>>) dst(%arg11 : memref<128x128xf32, #tpu.memory_space<vmem>>)
        %dma_wait3A_228 = arith.constant 6 : i32
        %dma_wait3A_229 = arith.constant 0 : i32
        %dma_wait3A_230 = tpu.memref_slice %arg9[%dma_wait3A_228, %dma_wait3A_229] : memref<16x128xi32, #tpu.memory_space<vmem>> -> memref<1x128xi32, #tpu.memory_space<vmem>>
        %dma_wait3A_231 = tpu.memref_squeeze %dma_wait3A_230 : memref<1x128xi32, #tpu.memory_space<vmem>> -> memref<128xi32, #tpu.memory_space<vmem>>
        %dma_wait3A_232 = arith.constant 0 : i32
        %dma_wait3A_233 = arith.constant 0 : i32
        %dma_wait3A_234 = tpu.memref_slice %arg12[%dma_wait3A_232, %dma_wait3A_233] : memref<10112x128xf32, #tpu.memory_space<vmem_shared>> -> memref<10112x128xf32, #tpu.memory_space<vmem_shared>>
        tpu.wait_indirect_dma semaphore(%arg15 : memref<!tpu.dma_semaphore, #tpu.memory_space<semaphore_mem>>) src(%arg10 : memref<128x128xf32, #tpu.memory_space<vmem>>) dst(%dma_wait3A_234 : memref<10112x128xf32, #tpu.memory_space<vmem_shared>>)
        %dma_start3A_235 = arith.constant 8 : i32
        %dma_start3A_236 = arith.constant 0 : i32
        %dma_start3A_237 = tpu.memref_slice %arg8[%dma_start3A_235, %dma_start3A_236] : memref<16x128xi32, #tpu.memory_space<vmem>> -> memref<1x128xi32, #tpu.memory_space<vmem>>
        %dma_start3A_238 = tpu.memref_squeeze %dma_start3A_237 : memref<1x128xi32, #tpu.memory_space<vmem>> -> memref<128xi32, #tpu.memory_space<vmem>>
        %dma_start3A_239 = arith.constant 0 : i32
        %dma_start3A_240 = arith.constant 0 : i32
        %dma_start3A_241 = tpu.memref_slice %arg5[%dma_start3A_239, %dma_start3A_240] : memref<10240x128xf32, #tpu.memory_space<hbm>> -> memref<10240x128xf32, #tpu.memory_space<hbm>>
        tpu.enqueue_indirect_dma source(%dma_start3A_241 : memref<10240x128xf32, #tpu.memory_space<hbm>>) target(%arg10 : memref<128x128xf32, #tpu.memory_space<vmem>>) offsets(%dma_start3A_238 : memref<128xi32, #tpu.memory_space<vmem>>) semaphore(%arg13 : memref<!tpu.dma_semaphore, #tpu.memory_space<semaphore_mem>>)
        %dma_start3A_242 = arith.constant 7 : i32
        %dma_start3A_243 = arith.constant 0 : i32
        %dma_start3A_244 = tpu.memref_slice %arg9[%dma_start3A_242, %dma_start3A_243] : memref<16x128xi32, #tpu.memory_space<vmem>> -> memref<1x128xi32, #tpu.memory_space<vmem>>
        %dma_start3A_245 = tpu.memref_squeeze %dma_start3A_244 : memref<1x128xi32, #tpu.memory_space<vmem>> -> memref<128xi32, #tpu.memory_space<vmem>>
        %dma_start3A_246 = arith.constant 0 : i32
        %dma_start3A_247 = arith.constant 0 : i32
        %dma_start3A_248 = tpu.memref_slice %arg12[%dma_start3A_246, %dma_start3A_247] : memref<10112x128xf32, #tpu.memory_space<vmem_shared>> -> memref<10112x128xf32, #tpu.memory_space<vmem_shared>>
        tpu.enqueue_indirect_dma source(%arg11 : memref<128x128xf32, #tpu.memory_space<vmem>>) target(%dma_start3A_248 : memref<10112x128xf32, #tpu.memory_space<vmem_shared>>) offsets(%dma_start3A_245 : memref<128xi32, #tpu.memory_space<vmem>>) semaphore(%arg16 : memref<!tpu.dma_semaphore, #tpu.memory_space<semaphore_mem>>) {add = true}
        %dma_wait3A_249 = arith.constant 8 : i32
        %dma_wait3A_250 = arith.constant 0 : i32
        %dma_wait3A_251 = tpu.memref_slice %arg8[%dma_wait3A_249, %dma_wait3A_250] : memref<16x128xi32, #tpu.memory_space<vmem>> -> memref<1x128xi32, #tpu.memory_space<vmem>>
        %dma_wait3A_252 = tpu.memref_squeeze %dma_wait3A_251 : memref<1x128xi32, #tpu.memory_space<vmem>> -> memref<128xi32, #tpu.memory_space<vmem>>
        %dma_wait3A_253 = arith.constant 0 : i32
        %dma_wait3A_254 = arith.constant 0 : i32
        %dma_wait3A_255 = tpu.memref_slice %arg5[%dma_wait3A_253, %dma_wait3A_254] : memref<10240x128xf32, #tpu.memory_space<hbm>> -> memref<10240x128xf32, #tpu.memory_space<hbm>>
        tpu.wait_indirect_dma semaphore(%arg13 : memref<!tpu.dma_semaphore, #tpu.memory_space<semaphore_mem>>) src(%dma_wait3A_255 : memref<10240x128xf32, #tpu.memory_space<hbm>>) dst(%arg10 : memref<128x128xf32, #tpu.memory_space<vmem>>)
        %dma_wait3A_256 = arith.constant 7 : i32
        %dma_wait3A_257 = arith.constant 0 : i32
        %dma_wait3A_258 = tpu.memref_slice %arg9[%dma_wait3A_256, %dma_wait3A_257] : memref<16x128xi32, #tpu.memory_space<vmem>> -> memref<1x128xi32, #tpu.memory_space<vmem>>
        %dma_wait3A_259 = tpu.memref_squeeze %dma_wait3A_258 : memref<1x128xi32, #tpu.memory_space<vmem>> -> memref<128xi32, #tpu.memory_space<vmem>>
        %dma_wait3A_260 = arith.constant 0 : i32
        %dma_wait3A_261 = arith.constant 0 : i32
        %dma_wait3A_262 = tpu.memref_slice %arg12[%dma_wait3A_260, %dma_wait3A_261] : memref<10112x128xf32, #tpu.memory_space<vmem_shared>> -> memref<10112x128xf32, #tpu.memory_space<vmem_shared>>
        tpu.wait_indirect_dma semaphore(%arg16 : memref<!tpu.dma_semaphore, #tpu.memory_space<semaphore_mem>>) src(%arg11 : memref<128x128xf32, #tpu.memory_space<vmem>>) dst(%dma_wait3A_262 : memref<10112x128xf32, #tpu.memory_space<vmem_shared>>)
        %dma_start3A_263 = arith.constant 9 : i32
        %dma_start3A_264 = arith.constant 0 : i32
        %dma_start3A_265 = tpu.memref_slice %arg8[%dma_start3A_263, %dma_start3A_264] : memref<16x128xi32, #tpu.memory_space<vmem>> -> memref<1x128xi32, #tpu.memory_space<vmem>>
        %dma_start3A_266 = tpu.memref_squeeze %dma_start3A_265 : memref<1x128xi32, #tpu.memory_space<vmem>> -> memref<128xi32, #tpu.memory_space<vmem>>
        %dma_start3A_267 = arith.constant 0 : i32
        %dma_start3A_268 = arith.constant 0 : i32
        %dma_start3A_269 = tpu.memref_slice %arg5[%dma_start3A_267, %dma_start3A_268] : memref<10240x128xf32, #tpu.memory_space<hbm>> -> memref<10240x128xf32, #tpu.memory_space<hbm>>
        tpu.enqueue_indirect_dma source(%dma_start3A_269 : memref<10240x128xf32, #tpu.memory_space<hbm>>) target(%arg11 : memref<128x128xf32, #tpu.memory_space<vmem>>) offsets(%dma_start3A_266 : memref<128xi32, #tpu.memory_space<vmem>>) semaphore(%arg14 : memref<!tpu.dma_semaphore, #tpu.memory_space<semaphore_mem>>)
        %dma_start3A_270 = arith.constant 8 : i32
        %dma_start3A_271 = arith.constant 0 : i32
        %dma_start3A_272 = tpu.memref_slice %arg9[%dma_start3A_270, %dma_start3A_271] : memref<16x128xi32, #tpu.memory_space<vmem>> -> memref<1x128xi32, #tpu.memory_space<vmem>>
        %dma_start3A_273 = tpu.memref_squeeze %dma_start3A_272 : memref<1x128xi32, #tpu.memory_space<vmem>> -> memref<128xi32, #tpu.memory_space<vmem>>
        %dma_start3A_274 = arith.constant 0 : i32
        %dma_start3A_275 = arith.constant 0 : i32
        %dma_start3A_276 = tpu.memref_slice %arg12[%dma_start3A_274, %dma_start3A_275] : memref<10112x128xf32, #tpu.memory_space<vmem_shared>> -> memref<10112x128xf32, #tpu.memory_space<vmem_shared>>
        tpu.enqueue_indirect_dma source(%arg10 : memref<128x128xf32, #tpu.memory_space<vmem>>) target(%dma_start3A_276 : memref<10112x128xf32, #tpu.memory_space<vmem_shared>>) offsets(%dma_start3A_273 : memref<128xi32, #tpu.memory_space<vmem>>) semaphore(%arg15 : memref<!tpu.dma_semaphore, #tpu.memory_space<semaphore_mem>>) {add = true}
        %dma_wait3A_277 = arith.constant 9 : i32
        %dma_wait3A_278 = arith.constant 0 : i32
        %dma_wait3A_279 = tpu.memref_slice %arg8[%dma_wait3A_277, %dma_wait3A_278] : memref<16x128xi32, #tpu.memory_space<vmem>> -> memref<1x128xi32, #tpu.memory_space<vmem>>
        %dma_wait3A_280 = tpu.memref_squeeze %dma_wait3A_279 : memref<1x128xi32, #tpu.memory_space<vmem>> -> memref<128xi32, #tpu.memory_space<vmem>>
        %dma_wait3A_281 = arith.constant 0 : i32
        %dma_wait3A_282 = arith.constant 0 : i32
        %dma_wait3A_283 = tpu.memref_slice %arg5[%dma_wait3A_281, %dma_wait3A_282] : memref<10240x128xf32, #tpu.memory_space<hbm>> -> memref<10240x128xf32, #tpu.memory_space<hbm>>
        tpu.wait_indirect_dma semaphore(%arg14 : memref<!tpu.dma_semaphore, #tpu.memory_space<semaphore_mem>>) src(%dma_wait3A_283 : memref<10240x128xf32, #tpu.memory_space<hbm>>) dst(%arg11 : memref<128x128xf32, #tpu.memory_space<vmem>>)
        %dma_wait3A_284 = arith.constant 8 : i32
        %dma_wait3A_285 = arith.constant 0 : i32
        %dma_wait3A_286 = tpu.memref_slice %arg9[%dma_wait3A_284, %dma_wait3A_285] : memref<16x128xi32, #tpu.memory_space<vmem>> -> memref<1x128xi32, #tpu.memory_space<vmem>>
        %dma_wait3A_287 = tpu.memref_squeeze %dma_wait3A_286 : memref<1x128xi32, #tpu.memory_space<vmem>> -> memref<128xi32, #tpu.memory_space<vmem>>
        %dma_wait3A_288 = arith.constant 0 : i32
        %dma_wait3A_289 = arith.constant 0 : i32
        %dma_wait3A_290 = tpu.memref_slice %arg12[%dma_wait3A_288, %dma_wait3A_289] : memref<10112x128xf32, #tpu.memory_space<vmem_shared>> -> memref<10112x128xf32, #tpu.memory_space<vmem_shared>>
        tpu.wait_indirect_dma semaphore(%arg15 : memref<!tpu.dma_semaphore, #tpu.memory_space<semaphore_mem>>) src(%arg10 : memref<128x128xf32, #tpu.memory_space<vmem>>) dst(%dma_wait3A_290 : memref<10112x128xf32, #tpu.memory_space<vmem_shared>>)
        %dma_start3A_291 = arith.constant 10 : i32
        %dma_start3A_292 = arith.constant 0 : i32
        %dma_start3A_293 = tpu.memref_slice %arg8[%dma_start3A_291, %dma_start3A_292] : memref<16x128xi32, #tpu.memory_space<vmem>> -> memref<1x128xi32, #tpu.memory_space<vmem>>
        %dma_start3A_294 = tpu.memref_squeeze %dma_start3A_293 : memref<1x128xi32, #tpu.memory_space<vmem>> -> memref<128xi32, #tpu.memory_space<vmem>>
        %dma_start3A_295 = arith.constant 0 : i32
        %dma_start3A_296 = arith.constant 0 : i32
        %dma_start3A_297 = tpu.memref_slice %arg5[%dma_start3A_295, %dma_start3A_296] : memref<10240x128xf32, #tpu.memory_space<hbm>> -> memref<10240x128xf32, #tpu.memory_space<hbm>>
        tpu.enqueue_indirect_dma source(%dma_start3A_297 : memref<10240x128xf32, #tpu.memory_space<hbm>>) target(%arg10 : memref<128x128xf32, #tpu.memory_space<vmem>>) offsets(%dma_start3A_294 : memref<128xi32, #tpu.memory_space<vmem>>) semaphore(%arg13 : memref<!tpu.dma_semaphore, #tpu.memory_space<semaphore_mem>>)
        %dma_start3A_298 = arith.constant 9 : i32
        %dma_start3A_299 = arith.constant 0 : i32
        %dma_start3A_300 = tpu.memref_slice %arg9[%dma_start3A_298, %dma_start3A_299] : memref<16x128xi32, #tpu.memory_space<vmem>> -> memref<1x128xi32, #tpu.memory_space<vmem>>
        %dma_start3A_301 = tpu.memref_squeeze %dma_start3A_300 : memref<1x128xi32, #tpu.memory_space<vmem>> -> memref<128xi32, #tpu.memory_space<vmem>>
        %dma_start3A_302 = arith.constant 0 : i32
        %dma_start3A_303 = arith.constant 0 : i32
        %dma_start3A_304 = tpu.memref_slice %arg12[%dma_start3A_302, %dma_start3A_303] : memref<10112x128xf32, #tpu.memory_space<vmem_shared>> -> memref<10112x128xf32, #tpu.memory_space<vmem_shared>>
        tpu.enqueue_indirect_dma source(%arg11 : memref<128x128xf32, #tpu.memory_space<vmem>>) target(%dma_start3A_304 : memref<10112x128xf32, #tpu.memory_space<vmem_shared>>) offsets(%dma_start3A_301 : memref<128xi32, #tpu.memory_space<vmem>>) semaphore(%arg16 : memref<!tpu.dma_semaphore, #tpu.memory_space<semaphore_mem>>) {add = true}
        %dma_wait3A_305 = arith.constant 10 : i32
        %dma_wait3A_306 = arith.constant 0 : i32
        %dma_wait3A_307 = tpu.memref_slice %arg8[%dma_wait3A_305, %dma_wait3A_306] : memref<16x128xi32, #tpu.memory_space<vmem>> -> memref<1x128xi32, #tpu.memory_space<vmem>>
        %dma_wait3A_308 = tpu.memref_squeeze %dma_wait3A_307 : memref<1x128xi32, #tpu.memory_space<vmem>> -> memref<128xi32, #tpu.memory_space<vmem>>
        %dma_wait3A_309 = arith.constant 0 : i32
        %dma_wait3A_310 = arith.constant 0 : i32
        %dma_wait3A_311 = tpu.memref_slice %arg5[%dma_wait3A_309, %dma_wait3A_310] : memref<10240x128xf32, #tpu.memory_space<hbm>> -> memref<10240x128xf32, #tpu.memory_space<hbm>>
        tpu.wait_indirect_dma semaphore(%arg13 : memref<!tpu.dma_semaphore, #tpu.memory_space<semaphore_mem>>) src(%dma_wait3A_311 : memref<10240x128xf32, #tpu.memory_space<hbm>>) dst(%arg10 : memref<128x128xf32, #tpu.memory_space<vmem>>)
        %dma_wait3A_312 = arith.constant 9 : i32
        %dma_wait3A_313 = arith.constant 0 : i32
        %dma_wait3A_314 = tpu.memref_slice %arg9[%dma_wait3A_312, %dma_wait3A_313] : memref<16x128xi32, #tpu.memory_space<vmem>> -> memref<1x128xi32, #tpu.memory_space<vmem>>
        %dma_wait3A_315 = tpu.memref_squeeze %dma_wait3A_314 : memref<1x128xi32, #tpu.memory_space<vmem>> -> memref<128xi32, #tpu.memory_space<vmem>>
        %dma_wait3A_316 = arith.constant 0 : i32
        %dma_wait3A_317 = arith.constant 0 : i32
        %dma_wait3A_318 = tpu.memref_slice %arg12[%dma_wait3A_316, %dma_wait3A_317] : memref<10112x128xf32, #tpu.memory_space<vmem_shared>> -> memref<10112x128xf32, #tpu.memory_space<vmem_shared>>
        tpu.wait_indirect_dma semaphore(%arg16 : memref<!tpu.dma_semaphore, #tpu.memory_space<semaphore_mem>>) src(%arg11 : memref<128x128xf32, #tpu.memory_space<vmem>>) dst(%dma_wait3A_318 : memref<10112x128xf32, #tpu.memory_space<vmem_shared>>)
        %dma_start3A_319 = arith.constant 11 : i32
        %dma_start3A_320 = arith.constant 0 : i32
        %dma_start3A_321 = tpu.memref_slice %arg8[%dma_start3A_319, %dma_start3A_320] : memref<16x128xi32, #tpu.memory_space<vmem>> -> memref<1x128xi32, #tpu.memory_space<vmem>>
        %dma_start3A_322 = tpu.memref_squeeze %dma_start3A_321 : memref<1x128xi32, #tpu.memory_space<vmem>> -> memref<128xi32, #tpu.memory_space<vmem>>
        %dma_start3A_323 = arith.constant 0 : i32
        %dma_start3A_324 = arith.constant 0 : i32
        %dma_start3A_325 = tpu.memref_slice %arg5[%dma_start3A_323, %dma_start3A_324] : memref<10240x128xf32, #tpu.memory_space<hbm>> -> memref<10240x128xf32, #tpu.memory_space<hbm>>
        tpu.enqueue_indirect_dma source(%dma_start3A_325 : memref<10240x128xf32, #tpu.memory_space<hbm>>) target(%arg11 : memref<128x128xf32, #tpu.memory_space<vmem>>) offsets(%dma_start3A_322 : memref<128xi32, #tpu.memory_space<vmem>>) semaphore(%arg14 : memref<!tpu.dma_semaphore, #tpu.memory_space<semaphore_mem>>)
        %dma_start3A_326 = arith.constant 10 : i32
        %dma_start3A_327 = arith.constant 0 : i32
        %dma_start3A_328 = tpu.memref_slice %arg9[%dma_start3A_326, %dma_start3A_327] : memref<16x128xi32, #tpu.memory_space<vmem>> -> memref<1x128xi32, #tpu.memory_space<vmem>>
        %dma_start3A_329 = tpu.memref_squeeze %dma_start3A_328 : memref<1x128xi32, #tpu.memory_space<vmem>> -> memref<128xi32, #tpu.memory_space<vmem>>
        %dma_start3A_330 = arith.constant 0 : i32
        %dma_start3A_331 = arith.constant 0 : i32
        %dma_start3A_332 = tpu.memref_slice %arg12[%dma_start3A_330, %dma_start3A_331] : memref<10112x128xf32, #tpu.memory_space<vmem_shared>> -> memref<10112x128xf32, #tpu.memory_space<vmem_shared>>
        tpu.enqueue_indirect_dma source(%arg10 : memref<128x128xf32, #tpu.memory_space<vmem>>) target(%dma_start3A_332 : memref<10112x128xf32, #tpu.memory_space<vmem_shared>>) offsets(%dma_start3A_329 : memref<128xi32, #tpu.memory_space<vmem>>) semaphore(%arg15 : memref<!tpu.dma_semaphore, #tpu.memory_space<semaphore_mem>>) {add = true}
        %dma_wait3A_333 = arith.constant 11 : i32
        %dma_wait3A_334 = arith.constant 0 : i32
        %dma_wait3A_335 = tpu.memref_slice %arg8[%dma_wait3A_333, %dma_wait3A_334] : memref<16x128xi32, #tpu.memory_space<vmem>> -> memref<1x128xi32, #tpu.memory_space<vmem>>
        %dma_wait3A_336 = tpu.memref_squeeze %dma_wait3A_335 : memref<1x128xi32, #tpu.memory_space<vmem>> -> memref<128xi32, #tpu.memory_space<vmem>>
        %dma_wait3A_337 = arith.constant 0 : i32
        %dma_wait3A_338 = arith.constant 0 : i32
        %dma_wait3A_339 = tpu.memref_slice %arg5[%dma_wait3A_337, %dma_wait3A_338] : memref<10240x128xf32, #tpu.memory_space<hbm>> -> memref<10240x128xf32, #tpu.memory_space<hbm>>
        tpu.wait_indirect_dma semaphore(%arg14 : memref<!tpu.dma_semaphore, #tpu.memory_space<semaphore_mem>>) src(%dma_wait3A_339 : memref<10240x128xf32, #tpu.memory_space<hbm>>) dst(%arg11 : memref<128x128xf32, #tpu.memory_space<vmem>>)
        %dma_wait3A_340 = arith.constant 10 : i32
        %dma_wait3A_341 = arith.constant 0 : i32
        %dma_wait3A_342 = tpu.memref_slice %arg9[%dma_wait3A_340, %dma_wait3A_341] : memref<16x128xi32, #tpu.memory_space<vmem>> -> memref<1x128xi32, #tpu.memory_space<vmem>>
        %dma_wait3A_343 = tpu.memref_squeeze %dma_wait3A_342 : memref<1x128xi32, #tpu.memory_space<vmem>> -> memref<128xi32, #tpu.memory_space<vmem>>
        %dma_wait3A_344 = arith.constant 0 : i32
        %dma_wait3A_345 = arith.constant 0 : i32
        %dma_wait3A_346 = tpu.memref_slice %arg12[%dma_wait3A_344, %dma_wait3A_345] : memref<10112x128xf32, #tpu.memory_space<vmem_shared>> -> memref<10112x128xf32, #tpu.memory_space<vmem_shared>>
        tpu.wait_indirect_dma semaphore(%arg15 : memref<!tpu.dma_semaphore, #tpu.memory_space<semaphore_mem>>) src(%arg10 : memref<128x128xf32, #tpu.memory_space<vmem>>) dst(%dma_wait3A_346 : memref<10112x128xf32, #tpu.memory_space<vmem_shared>>)
        %dma_start3A_347 = arith.constant 12 : i32
        %dma_start3A_348 = arith.constant 0 : i32
        %dma_start3A_349 = tpu.memref_slice %arg8[%dma_start3A_347, %dma_start3A_348] : memref<16x128xi32, #tpu.memory_space<vmem>> -> memref<1x128xi32, #tpu.memory_space<vmem>>
        %dma_start3A_350 = tpu.memref_squeeze %dma_start3A_349 : memref<1x128xi32, #tpu.memory_space<vmem>> -> memref<128xi32, #tpu.memory_space<vmem>>
        %dma_start3A_351 = arith.constant 0 : i32
        %dma_start3A_352 = arith.constant 0 : i32
        %dma_start3A_353 = tpu.memref_slice %arg5[%dma_start3A_351, %dma_start3A_352] : memref<10240x128xf32, #tpu.memory_space<hbm>> -> memref<10240x128xf32, #tpu.memory_space<hbm>>
        tpu.enqueue_indirect_dma source(%dma_start3A_353 : memref<10240x128xf32, #tpu.memory_space<hbm>>) target(%arg10 : memref<128x128xf32, #tpu.memory_space<vmem>>) offsets(%dma_start3A_350 : memref<128xi32, #tpu.memory_space<vmem>>) semaphore(%arg13 : memref<!tpu.dma_semaphore, #tpu.memory_space<semaphore_mem>>)
        %dma_start3A_354 = arith.constant 11 : i32
        %dma_start3A_355 = arith.constant 0 : i32
        %dma_start3A_356 = tpu.memref_slice %arg9[%dma_start3A_354, %dma_start3A_355] : memref<16x128xi32, #tpu.memory_space<vmem>> -> memref<1x128xi32, #tpu.memory_space<vmem>>
        %dma_start3A_357 = tpu.memref_squeeze %dma_start3A_356 : memref<1x128xi32, #tpu.memory_space<vmem>> -> memref<128xi32, #tpu.memory_space<vmem>>
        %dma_start3A_358 = arith.constant 0 : i32
        %dma_start3A_359 = arith.constant 0 : i32
        %dma_start3A_360 = tpu.memref_slice %arg12[%dma_start3A_358, %dma_start3A_359] : memref<10112x128xf32, #tpu.memory_space<vmem_shared>> -> memref<10112x128xf32, #tpu.memory_space<vmem_shared>>
        tpu.enqueue_indirect_dma source(%arg11 : memref<128x128xf32, #tpu.memory_space<vmem>>) target(%dma_start3A_360 : memref<10112x128xf32, #tpu.memory_space<vmem_shared>>) offsets(%dma_start3A_357 : memref<128xi32, #tpu.memory_space<vmem>>) semaphore(%arg16 : memref<!tpu.dma_semaphore, #tpu.memory_space<semaphore_mem>>) {add = true}
        %dma_wait3A_361 = arith.constant 12 : i32
        %dma_wait3A_362 = arith.constant 0 : i32
        %dma_wait3A_363 = tpu.memref_slice %arg8[%dma_wait3A_361, %dma_wait3A_362] : memref<16x128xi32, #tpu.memory_space<vmem>> -> memref<1x128xi32, #tpu.memory_space<vmem>>
        %dma_wait3A_364 = tpu.memref_squeeze %dma_wait3A_363 : memref<1x128xi32, #tpu.memory_space<vmem>> -> memref<128xi32, #tpu.memory_space<vmem>>
        %dma_wait3A_365 = arith.constant 0 : i32
        %dma_wait3A_366 = arith.constant 0 : i32
        %dma_wait3A_367 = tpu.memref_slice %arg5[%dma_wait3A_365, %dma_wait3A_366] : memref<10240x128xf32, #tpu.memory_space<hbm>> -> memref<10240x128xf32, #tpu.memory_space<hbm>>
        tpu.wait_indirect_dma semaphore(%arg13 : memref<!tpu.dma_semaphore, #tpu.memory_space<semaphore_mem>>) src(%dma_wait3A_367 : memref<10240x128xf32, #tpu.memory_space<hbm>>) dst(%arg10 : memref<128x128xf32, #tpu.memory_space<vmem>>)
        %dma_wait3A_368 = arith.constant 11 : i32
        %dma_wait3A_369 = arith.constant 0 : i32
        %dma_wait3A_370 = tpu.memref_slice %arg9[%dma_wait3A_368, %dma_wait3A_369] : memref<16x128xi32, #tpu.memory_space<vmem>> -> memref<1x128xi32, #tpu.memory_space<vmem>>
        %dma_wait3A_371 = tpu.memref_squeeze %dma_wait3A_370 : memref<1x128xi32, #tpu.memory_space<vmem>> -> memref<128xi32, #tpu.memory_space<vmem>>
        %dma_wait3A_372 = arith.constant 0 : i32
        %dma_wait3A_373 = arith.constant 0 : i32
        %dma_wait3A_374 = tpu.memref_slice %arg12[%dma_wait3A_372, %dma_wait3A_373] : memref<10112x128xf32, #tpu.memory_space<vmem_shared>> -> memref<10112x128xf32, #tpu.memory_space<vmem_shared>>
        tpu.wait_indirect_dma semaphore(%arg16 : memref<!tpu.dma_semaphore, #tpu.memory_space<semaphore_mem>>) src(%arg11 : memref<128x128xf32, #tpu.memory_space<vmem>>) dst(%dma_wait3A_374 : memref<10112x128xf32, #tpu.memory_space<vmem_shared>>)
        %dma_start3A_375 = arith.constant 13 : i32
        %dma_start3A_376 = arith.constant 0 : i32
        %dma_start3A_377 = tpu.memref_slice %arg8[%dma_start3A_375, %dma_start3A_376] : memref<16x128xi32, #tpu.memory_space<vmem>> -> memref<1x128xi32, #tpu.memory_space<vmem>>
        %dma_start3A_378 = tpu.memref_squeeze %dma_start3A_377 : memref<1x128xi32, #tpu.memory_space<vmem>> -> memref<128xi32, #tpu.memory_space<vmem>>
        %dma_start3A_379 = arith.constant 0 : i32
        %dma_start3A_380 = arith.constant 0 : i32
        %dma_start3A_381 = tpu.memref_slice %arg5[%dma_start3A_379, %dma_start3A_380] : memref<10240x128xf32, #tpu.memory_space<hbm>> -> memref<10240x128xf32, #tpu.memory_space<hbm>>
        tpu.enqueue_indirect_dma source(%dma_start3A_381 : memref<10240x128xf32, #tpu.memory_space<hbm>>) target(%arg11 : memref<128x128xf32, #tpu.memory_space<vmem>>) offsets(%dma_start3A_378 : memref<128xi32, #tpu.memory_space<vmem>>) semaphore(%arg14 : memref<!tpu.dma_semaphore, #tpu.memory_space<semaphore_mem>>)
        %dma_start3A_382 = arith.constant 12 : i32
        %dma_start3A_383 = arith.constant 0 : i32
        %dma_start3A_384 = tpu.memref_slice %arg9[%dma_start3A_382, %dma_start3A_383] : memref<16x128xi32, #tpu.memory_space<vmem>> -> memref<1x128xi32, #tpu.memory_space<vmem>>
        %dma_start3A_385 = tpu.memref_squeeze %dma_start3A_384 : memref<1x128xi32, #tpu.memory_space<vmem>> -> memref<128xi32, #tpu.memory_space<vmem>>
        %dma_start3A_386 = arith.constant 0 : i32
        %dma_start3A_387 = arith.constant 0 : i32
        %dma_start3A_388 = tpu.memref_slice %arg12[%dma_start3A_386, %dma_start3A_387] : memref<10112x128xf32, #tpu.memory_space<vmem_shared>> -> memref<10112x128xf32, #tpu.memory_space<vmem_shared>>
        tpu.enqueue_indirect_dma source(%arg10 : memref<128x128xf32, #tpu.memory_space<vmem>>) target(%dma_start3A_388 : memref<10112x128xf32, #tpu.memory_space<vmem_shared>>) offsets(%dma_start3A_385 : memref<128xi32, #tpu.memory_space<vmem>>) semaphore(%arg15 : memref<!tpu.dma_semaphore, #tpu.memory_space<semaphore_mem>>) {add = true}
        %dma_wait3A_389 = arith.constant 13 : i32
        %dma_wait3A_390 = arith.constant 0 : i32
        %dma_wait3A_391 = tpu.memref_slice %arg8[%dma_wait3A_389, %dma_wait3A_390] : memref<16x128xi32, #tpu.memory_space<vmem>> -> memref<1x128xi32, #tpu.memory_space<vmem>>
        %dma_wait3A_392 = tpu.memref_squeeze %dma_wait3A_391 : memref<1x128xi32, #tpu.memory_space<vmem>> -> memref<128xi32, #tpu.memory_space<vmem>>
        %dma_wait3A_393 = arith.constant 0 : i32
        %dma_wait3A_394 = arith.constant 0 : i32
        %dma_wait3A_395 = tpu.memref_slice %arg5[%dma_wait3A_393, %dma_wait3A_394] : memref<10240x128xf32, #tpu.memory_space<hbm>> -> memref<10240x128xf32, #tpu.memory_space<hbm>>
        tpu.wait_indirect_dma semaphore(%arg14 : memref<!tpu.dma_semaphore, #tpu.memory_space<semaphore_mem>>) src(%dma_wait3A_395 : memref<10240x128xf32, #tpu.memory_space<hbm>>) dst(%arg11 : memref<128x128xf32, #tpu.memory_space<vmem>>)
        %dma_wait3A_396 = arith.constant 12 : i32
        %dma_wait3A_397 = arith.constant 0 : i32
        %dma_wait3A_398 = tpu.memref_slice %arg9[%dma_wait3A_396, %dma_wait3A_397] : memref<16x128xi32, #tpu.memory_space<vmem>> -> memref<1x128xi32, #tpu.memory_space<vmem>>
        %dma_wait3A_399 = tpu.memref_squeeze %dma_wait3A_398 : memref<1x128xi32, #tpu.memory_space<vmem>> -> memref<128xi32, #tpu.memory_space<vmem>>
        %dma_wait3A_400 = arith.constant 0 : i32
        %dma_wait3A_401 = arith.constant 0 : i32
        %dma_wait3A_402 = tpu.memref_slice %arg12[%dma_wait3A_400, %dma_wait3A_401] : memref<10112x128xf32, #tpu.memory_space<vmem_shared>> -> memref<10112x128xf32, #tpu.memory_space<vmem_shared>>
        tpu.wait_indirect_dma semaphore(%arg15 : memref<!tpu.dma_semaphore, #tpu.memory_space<semaphore_mem>>) src(%arg10 : memref<128x128xf32, #tpu.memory_space<vmem>>) dst(%dma_wait3A_402 : memref<10112x128xf32, #tpu.memory_space<vmem_shared>>)
        %dma_start3A_403 = arith.constant 14 : i32
        %dma_start3A_404 = arith.constant 0 : i32
        %dma_start3A_405 = tpu.memref_slice %arg8[%dma_start3A_403, %dma_start3A_404] : memref<16x128xi32, #tpu.memory_space<vmem>> -> memref<1x128xi32, #tpu.memory_space<vmem>>
        %dma_start3A_406 = tpu.memref_squeeze %dma_start3A_405 : memref<1x128xi32, #tpu.memory_space<vmem>> -> memref<128xi32, #tpu.memory_space<vmem>>
        %dma_start3A_407 = arith.constant 0 : i32
        %dma_start3A_408 = arith.constant 0 : i32
        %dma_start3A_409 = tpu.memref_slice %arg5[%dma_start3A_407, %dma_start3A_408] : memref<10240x128xf32, #tpu.memory_space<hbm>> -> memref<10240x128xf32, #tpu.memory_space<hbm>>
        tpu.enqueue_indirect_dma source(%dma_start3A_409 : memref<10240x128xf32, #tpu.memory_space<hbm>>) target(%arg10 : memref<128x128xf32, #tpu.memory_space<vmem>>) offsets(%dma_start3A_406 : memref<128xi32, #tpu.memory_space<vmem>>) semaphore(%arg13 : memref<!tpu.dma_semaphore, #tpu.memory_space<semaphore_mem>>)
        %dma_start3A_410 = arith.constant 13 : i32
        %dma_start3A_411 = arith.constant 0 : i32
        %dma_start3A_412 = tpu.memref_slice %arg9[%dma_start3A_410, %dma_start3A_411] : memref<16x128xi32, #tpu.memory_space<vmem>> -> memref<1x128xi32, #tpu.memory_space<vmem>>
        %dma_start3A_413 = tpu.memref_squeeze %dma_start3A_412 : memref<1x128xi32, #tpu.memory_space<vmem>> -> memref<128xi32, #tpu.memory_space<vmem>>
        %dma_start3A_414 = arith.constant 0 : i32
        %dma_start3A_415 = arith.constant 0 : i32
        %dma_start3A_416 = tpu.memref_slice %arg12[%dma_start3A_414, %dma_start3A_415] : memref<10112x128xf32, #tpu.memory_space<vmem_shared>> -> memref<10112x128xf32, #tpu.memory_space<vmem_shared>>
        tpu.enqueue_indirect_dma source(%arg11 : memref<128x128xf32, #tpu.memory_space<vmem>>) target(%dma_start3A_416 : memref<10112x128xf32, #tpu.memory_space<vmem_shared>>) offsets(%dma_start3A_413 : memref<128xi32, #tpu.memory_space<vmem>>) semaphore(%arg16 : memref<!tpu.dma_semaphore, #tpu.memory_space<semaphore_mem>>) {add = true}
        %dma_wait3A_417 = arith.constant 14 : i32
        %dma_wait3A_418 = arith.constant 0 : i32
        %dma_wait3A_419 = tpu.memref_slice %arg8[%dma_wait3A_417, %dma_wait3A_418] : memref<16x128xi32, #tpu.memory_space<vmem>> -> memref<1x128xi32, #tpu.memory_space<vmem>>
        %dma_wait3A_420 = tpu.memref_squeeze %dma_wait3A_419 : memref<1x128xi32, #tpu.memory_space<vmem>> -> memref<128xi32, #tpu.memory_space<vmem>>
        %dma_wait3A_421 = arith.constant 0 : i32
        %dma_wait3A_422 = arith.constant 0 : i32
        %dma_wait3A_423 = tpu.memref_slice %arg5[%dma_wait3A_421, %dma_wait3A_422] : memref<10240x128xf32, #tpu.memory_space<hbm>> -> memref<10240x128xf32, #tpu.memory_space<hbm>>
        tpu.wait_indirect_dma semaphore(%arg13 : memref<!tpu.dma_semaphore, #tpu.memory_space<semaphore_mem>>) src(%dma_wait3A_423 : memref<10240x128xf32, #tpu.memory_space<hbm>>) dst(%arg10 : memref<128x128xf32, #tpu.memory_space<vmem>>)
        %dma_wait3A_424 = arith.constant 13 : i32
        %dma_wait3A_425 = arith.constant 0 : i32
        %dma_wait3A_426 = tpu.memref_slice %arg9[%dma_wait3A_424, %dma_wait3A_425] : memref<16x128xi32, #tpu.memory_space<vmem>> -> memref<1x128xi32, #tpu.memory_space<vmem>>
        %dma_wait3A_427 = tpu.memref_squeeze %dma_wait3A_426 : memref<1x128xi32, #tpu.memory_space<vmem>> -> memref<128xi32, #tpu.memory_space<vmem>>
        %dma_wait3A_428 = arith.constant 0 : i32
        %dma_wait3A_429 = arith.constant 0 : i32
        %dma_wait3A_430 = tpu.memref_slice %arg12[%dma_wait3A_428, %dma_wait3A_429] : memref<10112x128xf32, #tpu.memory_space<vmem_shared>> -> memref<10112x128xf32, #tpu.memory_space<vmem_shared>>
        tpu.wait_indirect_dma semaphore(%arg16 : memref<!tpu.dma_semaphore, #tpu.memory_space<semaphore_mem>>) src(%arg11 : memref<128x128xf32, #tpu.memory_space<vmem>>) dst(%dma_wait3A_430 : memref<10112x128xf32, #tpu.memory_space<vmem_shared>>)
        %dma_start3A_431 = arith.constant 15 : i32
        %dma_start3A_432 = arith.constant 0 : i32
        %dma_start3A_433 = tpu.memref_slice %arg8[%dma_start3A_431, %dma_start3A_432] : memref<16x128xi32, #tpu.memory_space<vmem>> -> memref<1x128xi32, #tpu.memory_space<vmem>>
        %dma_start3A_434 = tpu.memref_squeeze %dma_start3A_433 : memref<1x128xi32, #tpu.memory_space<vmem>> -> memref<128xi32, #tpu.memory_space<vmem>>
        %dma_start3A_435 = arith.constant 0 : i32
        %dma_start3A_436 = arith.constant 0 : i32
        %dma_start3A_437 = tpu.memref_slice %arg5[%dma_start3A_435, %dma_start3A_436] : memref<10240x128xf32, #tpu.memory_space<hbm>> -> memref<10240x128xf32, #tpu.memory_space<hbm>>
        tpu.enqueue_indirect_dma source(%dma_start3A_437 : memref<10240x128xf32, #tpu.memory_space<hbm>>) target(%arg11 : memref<128x128xf32, #tpu.memory_space<vmem>>) offsets(%dma_start3A_434 : memref<128xi32, #tpu.memory_space<vmem>>) semaphore(%arg14 : memref<!tpu.dma_semaphore, #tpu.memory_space<semaphore_mem>>)
        %dma_start3A_438 = arith.constant 14 : i32
        %dma_start3A_439 = arith.constant 0 : i32
        %dma_start3A_440 = tpu.memref_slice %arg9[%dma_start3A_438, %dma_start3A_439] : memref<16x128xi32, #tpu.memory_space<vmem>> -> memref<1x128xi32, #tpu.memory_space<vmem>>
        %dma_start3A_441 = tpu.memref_squeeze %dma_start3A_440 : memref<1x128xi32, #tpu.memory_space<vmem>> -> memref<128xi32, #tpu.memory_space<vmem>>
        %dma_start3A_442 = arith.constant 0 : i32
        %dma_start3A_443 = arith.constant 0 : i32
        %dma_start3A_444 = tpu.memref_slice %arg12[%dma_start3A_442, %dma_start3A_443] : memref<10112x128xf32, #tpu.memory_space<vmem_shared>> -> memref<10112x128xf32, #tpu.memory_space<vmem_shared>>
        tpu.enqueue_indirect_dma source(%arg10 : memref<128x128xf32, #tpu.memory_space<vmem>>) target(%dma_start3A_444 : memref<10112x128xf32, #tpu.memory_space<vmem_shared>>) offsets(%dma_start3A_441 : memref<128xi32, #tpu.memory_space<vmem>>) semaphore(%arg15 : memref<!tpu.dma_semaphore, #tpu.memory_space<semaphore_mem>>) {add = true}
        %dma_wait3A_445 = arith.constant 15 : i32
        %dma_wait3A_446 = arith.constant 0 : i32
        %dma_wait3A_447 = tpu.memref_slice %arg8[%dma_wait3A_445, %dma_wait3A_446] : memref<16x128xi32, #tpu.memory_space<vmem>> -> memref<1x128xi32, #tpu.memory_space<vmem>>
        %dma_wait3A_448 = tpu.memref_squeeze %dma_wait3A_447 : memref<1x128xi32, #tpu.memory_space<vmem>> -> memref<128xi32, #tpu.memory_space<vmem>>
        %dma_wait3A_449 = arith.constant 0 : i32
        %dma_wait3A_450 = arith.constant 0 : i32
        %dma_wait3A_451 = tpu.memref_slice %arg5[%dma_wait3A_449, %dma_wait3A_450] : memref<10240x128xf32, #tpu.memory_space<hbm>> -> memref<10240x128xf32, #tpu.memory_space<hbm>>
        tpu.wait_indirect_dma semaphore(%arg14 : memref<!tpu.dma_semaphore, #tpu.memory_space<semaphore_mem>>) src(%dma_wait3A_451 : memref<10240x128xf32, #tpu.memory_space<hbm>>) dst(%arg11 : memref<128x128xf32, #tpu.memory_space<vmem>>)
        %dma_start3A_452 = arith.constant 15 : i32
        %dma_start3A_453 = arith.constant 0 : i32
        %dma_start3A_454 = tpu.memref_slice %arg9[%dma_start3A_452, %dma_start3A_453] : memref<16x128xi32, #tpu.memory_space<vmem>> -> memref<1x128xi32, #tpu.memory_space<vmem>>
        %dma_start3A_455 = tpu.memref_squeeze %dma_start3A_454 : memref<1x128xi32, #tpu.memory_space<vmem>> -> memref<128xi32, #tpu.memory_space<vmem>>
        %dma_start3A_456 = arith.constant 0 : i32
        %dma_start3A_457 = arith.constant 0 : i32
        %dma_start3A_458 = tpu.memref_slice %arg12[%dma_start3A_456, %dma_start3A_457] : memref<10112x128xf32, #tpu.memory_space<vmem_shared>> -> memref<10112x128xf32, #tpu.memory_space<vmem_shared>>
        tpu.enqueue_indirect_dma source(%arg11 : memref<128x128xf32, #tpu.memory_space<vmem>>) target(%dma_start3A_458 : memref<10112x128xf32, #tpu.memory_space<vmem_shared>>) offsets(%dma_start3A_455 : memref<128xi32, #tpu.memory_space<vmem>>) semaphore(%arg16 : memref<!tpu.dma_semaphore, #tpu.memory_space<semaphore_mem>>) {add = true}
        %dma_wait3A_459 = arith.constant 14 : i32
        %dma_wait3A_460 = arith.constant 0 : i32
        %dma_wait3A_461 = tpu.memref_slice %arg9[%dma_wait3A_459, %dma_wait3A_460] : memref<16x128xi32, #tpu.memory_space<vmem>> -> memref<1x128xi32, #tpu.memory_space<vmem>>
        %dma_wait3A_462 = tpu.memref_squeeze %dma_wait3A_461 : memref<1x128xi32, #tpu.memory_space<vmem>> -> memref<128xi32, #tpu.memory_space<vmem>>
        %dma_wait3A_463 = arith.constant 0 : i32
        %dma_wait3A_464 = arith.constant 0 : i32
        %dma_wait3A_465 = tpu.memref_slice %arg12[%dma_wait3A_463, %dma_wait3A_464] : memref<10112x128xf32, #tpu.memory_space<vmem_shared>> -> memref<10112x128xf32, #tpu.memory_space<vmem_shared>>
        tpu.wait_indirect_dma semaphore(%arg15 : memref<!tpu.dma_semaphore, #tpu.memory_space<semaphore_mem>>) src(%arg10 : memref<128x128xf32, #tpu.memory_space<vmem>>) dst(%dma_wait3A_465 : memref<10112x128xf32, #tpu.memory_space<vmem_shared>>)
        %dma_wait3A_466 = arith.constant 15 : i32
        %dma_wait3A_467 = arith.constant 0 : i32
        %dma_wait3A_468 = tpu.memref_slice %arg9[%dma_wait3A_466, %dma_wait3A_467] : memref<16x128xi32, #tpu.memory_space<vmem>> -> memref<1x128xi32, #tpu.memory_space<vmem>>
        %dma_wait3A_469 = tpu.memref_squeeze %dma_wait3A_468 : memref<1x128xi32, #tpu.memory_space<vmem>> -> memref<128xi32, #tpu.memory_space<vmem>>
        %dma_wait3A_470 = arith.constant 0 : i32
        %dma_wait3A_471 = arith.constant 0 : i32
        %dma_wait3A_472 = tpu.memref_slice %arg12[%dma_wait3A_470, %dma_wait3A_471] : memref<10112x128xf32, #tpu.memory_space<vmem_shared>> -> memref<10112x128xf32, #tpu.memory_space<vmem_shared>>
        tpu.wait_indirect_dma semaphore(%arg16 : memref<!tpu.dma_semaphore, #tpu.memory_space<semaphore_mem>>) src(%arg11 : memref<128x128xf32, #tpu.memory_space<vmem>>) dst(%dma_wait3A_472 : memref<10112x128xf32, #tpu.memory_space<vmem_shared>>)
        %scan3A_473 = arith.constant 0 : i32
        scf.yield %scan3A_473 : i32
      }
      %scan3A_15 = arith.constant 10 : i32
      %barrier3A_16 = arith.constant 0 : index
      tpu.barrier barrier_id(%barrier3A_16)
      %mul3A_17 = arith.constant 632 : i32
      %mul3A_18 = arith.muli %arg1, %mul3A_17 : i32
      %mul3A_19 = arith.constant 632 : i32
      %mul3A_20 = arith.muli %arg1, %mul3A_19 : i32
      "tpu.region"() ({
        %run_scoped3A = tpu.sem_alloc : memref<!tpu.dma_semaphore, #tpu.memory_space<semaphore_mem>>
        %dma_start3A = arith.constant 0 : i32
        %dma_start3A_21 = tpu.memref_slice %arg7[%mul3A_20, %dma_start3A] : memref<10112x128xf32, #tpu.memory_space<hbm>> -> memref<632x128xf32, #tpu.memory_space<hbm>>
        %dma_start3A_22 = arith.constant 0 : i32
        %dma_start3A_23 = tpu.memref_slice %arg12[%mul3A_18, %dma_start3A_22] : memref<10112x128xf32, #tpu.memory_space<vmem_shared>> -> memref<632x128xf32, #tpu.memory_space<vmem_shared>>
        tpu.enqueue_dma source(%dma_start3A_23 : memref<632x128xf32, #tpu.memory_space<vmem_shared>>) target(%dma_start3A_21 : memref<632x128xf32, #tpu.memory_space<hbm>>) target_semaphore(%run_scoped3A : memref<!tpu.dma_semaphore, #tpu.memory_space<semaphore_mem>>)
        %dma_wait3A = arith.constant 0 : i32
        %dma_wait3A_24 = tpu.memref_slice %arg7[%mul3A_20, %dma_wait3A] : memref<10112x128xf32, #tpu.memory_space<hbm>> -> memref<632x128xf32, #tpu.memory_space<hbm>>
        %dma_wait3A_25 = arith.constant 0 : i32
        %dma_wait3A_26 = tpu.memref_slice %arg12[%mul3A_18, %dma_wait3A_25] : memref<10112x128xf32, #tpu.memory_space<vmem_shared>> -> memref<632x128xf32, #tpu.memory_space<vmem_shared>>
        tpu.wait_dma2 semaphore(%run_scoped3A : memref<!tpu.dma_semaphore, #tpu.memory_space<semaphore_mem>>) src(%dma_wait3A_26 : memref<632x128xf32, #tpu.memory_space<vmem_shared>>) dst(%dma_wait3A_24 : memref<632x128xf32, #tpu.memory_space<hbm>>)
        tpu.yield
      }) : () -> ()
    } else {
    }
    return
  }
}

#map = affine_map<(d0, d1) -> (0)>
module attributes {stable_mosaic.version = 14 : i64} {
  func.func @hist_kernel(%arg0: i32, %arg1: i32, %arg2: memref<327680xi32, #tpu.memory_space<hbm>>, %arg3: memref<327680xi32, #tpu.memory_space<hbm>>, %arg4: memref<10240xf32, #tpu.memory_space<hbm>>, %arg5: memref<10240xf32, #tpu.memory_space<hbm>>, %arg6: memref<20480xi32, #tpu.memory_space<vmem>>, %arg7: memref<10240xf32, #tpu.memory_space<vmem>>, %arg8: memref<640xf32, #tpu.memory_space<vmem>>, %arg9: memref<640xf32, #tpu.memory_space<vmem>>, %arg10: memref<16x10240xf32, #tpu.memory_space<vmem_shared>>) attributes {dimension_semantics = [#tpu.dimension_semantics<core_parallel>, #tpu.dimension_semantics<subcore_parallel>], iteration_bounds = array<i64: 2, 16>, scalar_prefetch = 0 : i64, scratch_operands = 5 : i64, tpu.core_type = #tpu.core_type<sc_vector_subcore>, window_params = [{transform_indices = #map}, {transform_indices = #map}, {transform_indices = #map}, {transform_indices = #map}]} {
    %broadcast_in_dim3A = arith.constant 0.000000e+00 : f32
    %broadcast_in_dim3A_0 = vector.broadcast %broadcast_in_dim3A : f32 to vector<16xf32>
    %broadcast_in_dim3A_1 = arith.constant 1.000000e+00 : f32
    %broadcast_in_dim3A_2 = vector.broadcast %broadcast_in_dim3A_1 : f32 to vector<16xf32>
    %scan3A = arith.constant 0 : i32
    %scan3A_3 = arith.constant 0 : i32
    %scan3A_4 = arith.constant 640 : i32
    %scan3A_5 = arith.addi %scan3A_3, %scan3A_4 : i32
    %scan3A_6 = arith.constant 1 : i32
    %scan3A_7 = scf.for %scan3A_34 = %scan3A_3 to %scan3A_5 step %scan3A_6 iter_args(%scan3A_35 = %scan3A) -> (i32)  : i32 {
      %mul3A_36 = arith.constant 16 : i32
      %mul3A_37 = arith.muli %scan3A_34, %mul3A_36 : i32
      %swap3A = arith.index_cast %mul3A_37 : i32 to index
      %swap3A_38 = tpu.vector_load %arg7[%swap3A] {strides = array<i32>} : memref<10240xf32, #tpu.memory_space<vmem>>, vector<16xf32>,
      tpu.vector_store %arg7[%swap3A], %broadcast_in_dim3A_0 {strides = array<i32>} : memref<10240xf32, #tpu.memory_space<vmem>>, vector<16xf32>,
      %scan3A_39 = arith.constant 0 : i32
      scf.yield %scan3A_39 : i32
    }
    %scan3A_8 = arith.constant 640 : i32
    %eq3A = arith.constant 0 : i32
    %eq3A_9 = arith.cmpi eq, %arg0, %eq3A : i32
    %convert_element_type3A = arith.extui %eq3A_9 : i1 to i32
    %cond3A = arith.constant 0 : i32
    %cond3A_10 = arith.cmpi ne, %convert_element_type3A, %cond3A : i32
    scf.if %cond3A_10 {
      %mul3A_34 = arith.constant 20480 : i32
      %mul3A_35 = arith.muli %arg1, %mul3A_34 : i32
      "tpu.region"() ({
        %run_scoped3A_43 = tpu.sem_alloc : memref<!tpu.dma_semaphore, #tpu.memory_space<semaphore_mem>>
        %dma_start3A = tpu.memref_slice %arg2[%mul3A_35] : memref<327680xi32, #tpu.memory_space<hbm>> -> memref<20480xi32, #tpu.memory_space<hbm>>
        %dma_start3A_44 = tpu.memref_slice %arg2[%mul3A_35] : memref<327680xi32, #tpu.memory_space<hbm>> -> memref<20480xi32, #tpu.memory_space<hbm>>
        tpu.enqueue_dma source(%dma_start3A_44 : memref<20480xi32, #tpu.memory_space<hbm>>) target(%arg6 : memref<20480xi32, #tpu.memory_space<vmem>>) target_semaphore(%run_scoped3A_43 : memref<!tpu.dma_semaphore, #tpu.memory_space<semaphore_mem>>)
        %dma_wait3A = tpu.memref_slice %arg2[%mul3A_35] : memref<327680xi32, #tpu.memory_space<hbm>> -> memref<20480xi32, #tpu.memory_space<hbm>>
        %dma_wait3A_45 = tpu.memref_slice %arg2[%mul3A_35] : memref<327680xi32, #tpu.memory_space<hbm>> -> memref<20480xi32, #tpu.memory_space<hbm>>
        tpu.wait_dma2 semaphore(%run_scoped3A_43 : memref<!tpu.dma_semaphore, #tpu.memory_space<semaphore_mem>>) src(%dma_wait3A_45 : memref<20480xi32, #tpu.memory_space<hbm>>) dst(%arg6 : memref<20480xi32, #tpu.memory_space<vmem>>)
        tpu.yield
      }) : () -> ()
      %scan3A_36 = arith.constant 0 : i32
      %scan3A_37 = arith.constant 0 : i32
      %scan3A_38 = arith.constant 1280 : i32
      %scan3A_39 = arith.addi %scan3A_37, %scan3A_38 : i32
      %scan3A_40 = arith.constant 1 : i32
      %scan3A_41 = scf.for %scan3A_43 = %scan3A_37 to %scan3A_39 step %scan3A_40 iter_args(%scan3A_44 = %scan3A_36) -> (i32)  : i32 {
        %mul3A_45 = arith.constant 16 : i32
        %mul3A_46 = arith.muli %scan3A_43, %mul3A_45 : i32
        %get3A = arith.index_cast %mul3A_46 : i32 to index
        %get3A_47 = tpu.vector_load %arg6[%get3A] {strides = array<i32>} : memref<20480xi32, #tpu.memory_space<vmem>>, vector<16xi32>,
        tpu.vector_store_idx %arg7[%get3A_47], %broadcast_in_dim3A_2 {add = true} : memref<10240xf32, #tpu.memory_space<vmem>>[vector<16xi32>], vector<16xf32>,
        %scan3A_48 = arith.constant 0 : i32
        scf.yield %scan3A_48 : i32
      }
      %scan3A_42 = arith.constant 1280 : i32
    } else {
    }
    %eq3A_11 = arith.constant 1 : i32
    %eq3A_12 = arith.cmpi eq, %arg0, %eq3A_11 : i32
    %convert_element_type3A_13 = arith.extui %eq3A_12 : i1 to i32
    %cond3A_14 = arith.constant 0 : i32
    %cond3A_15 = arith.cmpi ne, %convert_element_type3A_13, %cond3A_14 : i32
    scf.if %cond3A_15 {
      %mul3A_34 = arith.constant 20480 : i32
      %mul3A_35 = arith.muli %arg1, %mul3A_34 : i32
      "tpu.region"() ({
        %run_scoped3A_43 = tpu.sem_alloc : memref<!tpu.dma_semaphore, #tpu.memory_space<semaphore_mem>>
        %dma_start3A = tpu.memref_slice %arg3[%mul3A_35] : memref<327680xi32, #tpu.memory_space<hbm>> -> memref<20480xi32, #tpu.memory_space<hbm>>
        %dma_start3A_44 = tpu.memref_slice %arg3[%mul3A_35] : memref<327680xi32, #tpu.memory_space<hbm>> -> memref<20480xi32, #tpu.memory_space<hbm>>
        tpu.enqueue_dma source(%dma_start3A_44 : memref<20480xi32, #tpu.memory_space<hbm>>) target(%arg6 : memref<20480xi32, #tpu.memory_space<vmem>>) target_semaphore(%run_scoped3A_43 : memref<!tpu.dma_semaphore, #tpu.memory_space<semaphore_mem>>)
        %dma_wait3A = tpu.memref_slice %arg3[%mul3A_35] : memref<327680xi32, #tpu.memory_space<hbm>> -> memref<20480xi32, #tpu.memory_space<hbm>>
        %dma_wait3A_45 = tpu.memref_slice %arg3[%mul3A_35] : memref<327680xi32, #tpu.memory_space<hbm>> -> memref<20480xi32, #tpu.memory_space<hbm>>
        tpu.wait_dma2 semaphore(%run_scoped3A_43 : memref<!tpu.dma_semaphore, #tpu.memory_space<semaphore_mem>>) src(%dma_wait3A_45 : memref<20480xi32, #tpu.memory_space<hbm>>) dst(%arg6 : memref<20480xi32, #tpu.memory_space<vmem>>)
        tpu.yield
      }) : () -> ()
      %scan3A_36 = arith.constant 0 : i32
      %scan3A_37 = arith.constant 0 : i32
      %scan3A_38 = arith.constant 1280 : i32
      %scan3A_39 = arith.addi %scan3A_37, %scan3A_38 : i32
      %scan3A_40 = arith.constant 1 : i32
      %scan3A_41 = scf.for %scan3A_43 = %scan3A_37 to %scan3A_39 step %scan3A_40 iter_args(%scan3A_44 = %scan3A_36) -> (i32)  : i32 {
        %mul3A_45 = arith.constant 16 : i32
        %mul3A_46 = arith.muli %scan3A_43, %mul3A_45 : i32
        %get3A = arith.index_cast %mul3A_46 : i32 to index
        %get3A_47 = tpu.vector_load %arg6[%get3A] {strides = array<i32>} : memref<20480xi32, #tpu.memory_space<vmem>>, vector<16xi32>,
        tpu.vector_store_idx %arg7[%get3A_47], %broadcast_in_dim3A_2 {add = true} : memref<10240xf32, #tpu.memory_space<vmem>>[vector<16xi32>], vector<16xf32>,
        %scan3A_48 = arith.constant 0 : i32
        scf.yield %scan3A_48 : i32
      }
      %scan3A_42 = arith.constant 1280 : i32
    } else {
    }
    "tpu.region"() ({
      %run_scoped3A_34 = tpu.sem_alloc : memref<!tpu.dma_semaphore, #tpu.memory_space<semaphore_mem>>
      %dma_start3A = arith.constant 0 : i32
      %dma_start3A_35 = tpu.memref_slice %arg10[%arg1, %dma_start3A] : memref<16x10240xf32, #tpu.memory_space<vmem_shared>> -> memref<1x10240xf32, #tpu.memory_space<vmem_shared>>
      %dma_start3A_36 = tpu.memref_squeeze %dma_start3A_35 : memref<1x10240xf32, #tpu.memory_space<vmem_shared>> -> memref<10240xf32, #tpu.memory_space<vmem_shared>>
      %dma_start3A_37 = arith.constant 0 : i32
      %dma_start3A_38 = tpu.memref_slice %arg10[%arg1, %dma_start3A_37] : memref<16x10240xf32, #tpu.memory_space<vmem_shared>> -> memref<1x10240xf32, #tpu.memory_space<vmem_shared>>
      %dma_start3A_39 = tpu.memref_squeeze %dma_start3A_38 : memref<1x10240xf32, #tpu.memory_space<vmem_shared>> -> memref<10240xf32, #tpu.memory_space<vmem_shared>>
      tpu.enqueue_dma source(%arg7 : memref<10240xf32, #tpu.memory_space<vmem>>) target(%dma_start3A_39 : memref<10240xf32, #tpu.memory_space<vmem_shared>>) target_semaphore(%run_scoped3A_34 : memref<!tpu.dma_semaphore, #tpu.memory_space<semaphore_mem>>)
      %dma_wait3A = arith.constant 0 : i32
      %dma_wait3A_40 = tpu.memref_slice %arg10[%arg1, %dma_wait3A] : memref<16x10240xf32, #tpu.memory_space<vmem_shared>> -> memref<1x10240xf32, #tpu.memory_space<vmem_shared>>
      %dma_wait3A_41 = tpu.memref_squeeze %dma_wait3A_40 : memref<1x10240xf32, #tpu.memory_space<vmem_shared>> -> memref<10240xf32, #tpu.memory_space<vmem_shared>>
      %dma_wait3A_42 = arith.constant 0 : i32
      %dma_wait3A_43 = tpu.memref_slice %arg10[%arg1, %dma_wait3A_42] : memref<16x10240xf32, #tpu.memory_space<vmem_shared>> -> memref<1x10240xf32, #tpu.memory_space<vmem_shared>>
      %dma_wait3A_44 = tpu.memref_squeeze %dma_wait3A_43 : memref<1x10240xf32, #tpu.memory_space<vmem_shared>> -> memref<10240xf32, #tpu.memory_space<vmem_shared>>
      tpu.wait_dma2 semaphore(%run_scoped3A_34 : memref<!tpu.dma_semaphore, #tpu.memory_space<semaphore_mem>>) src(%arg7 : memref<10240xf32, #tpu.memory_space<vmem>>) dst(%dma_wait3A_44 : memref<10240xf32, #tpu.memory_space<vmem_shared>>)
      tpu.yield
    }) : () -> ()
    %barrier3A = arith.constant 0 : index
    tpu.barrier barrier_id(%barrier3A)
    %mul3A = arith.constant 640 : i32
    %mul3A_16 = arith.muli %arg1, %mul3A : i32
    %run_scoped3A = arith.constant 0 : i32
    "tpu.region"() ({
      %run_scoped3A_34 = tpu.sem_alloc : memref<!tpu.dma_semaphore, #tpu.memory_space<semaphore_mem>>
      %dma_start3A = tpu.memref_slice %arg10[%run_scoped3A, %mul3A_16] : memref<16x10240xf32, #tpu.memory_space<vmem_shared>> -> memref<1x640xf32, #tpu.memory_space<vmem_shared>>
      %dma_start3A_35 = tpu.memref_squeeze %dma_start3A : memref<1x640xf32, #tpu.memory_space<vmem_shared>> -> memref<640xf32, #tpu.memory_space<vmem_shared>>
      %dma_start3A_36 = tpu.memref_slice %arg10[%run_scoped3A, %mul3A_16] : memref<16x10240xf32, #tpu.memory_space<vmem_shared>> -> memref<1x640xf32, #tpu.memory_space<vmem_shared>>
      %dma_start3A_37 = tpu.memref_squeeze %dma_start3A_36 : memref<1x640xf32, #tpu.memory_space<vmem_shared>> -> memref<640xf32, #tpu.memory_space<vmem_shared>>
      tpu.enqueue_dma source(%dma_start3A_37 : memref<640xf32, #tpu.memory_space<vmem_shared>>) target(%arg8 : memref<640xf32, #tpu.memory_space<vmem>>) target_semaphore(%run_scoped3A_34 : memref<!tpu.dma_semaphore, #tpu.memory_space<semaphore_mem>>)
      %dma_wait3A = tpu.memref_slice %arg10[%run_scoped3A, %mul3A_16] : memref<16x10240xf32, #tpu.memory_space<vmem_shared>> -> memref<1x640xf32, #tpu.memory_space<vmem_shared>>
      %dma_wait3A_38 = tpu.memref_squeeze %dma_wait3A : memref<1x640xf32, #tpu.memory_space<vmem_shared>> -> memref<640xf32, #tpu.memory_space<vmem_shared>>
      %dma_wait3A_39 = tpu.memref_slice %arg10[%run_scoped3A, %mul3A_16] : memref<16x10240xf32, #tpu.memory_space<vmem_shared>> -> memref<1x640xf32, #tpu.memory_space<vmem_shared>>
      %dma_wait3A_40 = tpu.memref_squeeze %dma_wait3A_39 : memref<1x640xf32, #tpu.memory_space<vmem_shared>> -> memref<640xf32, #tpu.memory_space<vmem_shared>>
      tpu.wait_dma2 semaphore(%run_scoped3A_34 : memref<!tpu.dma_semaphore, #tpu.memory_space<semaphore_mem>>) src(%dma_wait3A_40 : memref<640xf32, #tpu.memory_space<vmem_shared>>) dst(%arg8 : memref<640xf32, #tpu.memory_space<vmem>>)
      tpu.yield
    }) : () -> ()
    %scan3A_17 = arith.constant 0 : i32
    %scan3A_18 = arith.constant 1 : i32
    %scan3A_19 = arith.constant 15 : i32
    %scan3A_20 = arith.addi %scan3A_18, %scan3A_19 : i32
    %scan3A_21 = arith.constant 1 : i32
    %scan3A_22 = scf.for %scan3A_34 = %scan3A_18 to %scan3A_20 step %scan3A_21 iter_args(%scan3A_35 = %scan3A_17) -> (i32)  : i32 {
      %mul3A_36 = arith.constant 640 : i32
      %mul3A_37 = arith.muli %arg1, %mul3A_36 : i32
      "tpu.region"() ({
        %run_scoped3A_46 = tpu.sem_alloc : memref<!tpu.dma_semaphore, #tpu.memory_space<semaphore_mem>>
        %dma_start3A = tpu.memref_slice %arg10[%scan3A_34, %mul3A_37] : memref<16x10240xf32, #tpu.memory_space<vmem_shared>> -> memref<1x640xf32, #tpu.memory_space<vmem_shared>>
        %dma_start3A_47 = tpu.memref_squeeze %dma_start3A : memref<1x640xf32, #tpu.memory_space<vmem_shared>> -> memref<640xf32, #tpu.memory_space<vmem_shared>>
        %dma_start3A_48 = tpu.memref_slice %arg10[%scan3A_34, %mul3A_37] : memref<16x10240xf32, #tpu.memory_space<vmem_shared>> -> memref<1x640xf32, #tpu.memory_space<vmem_shared>>
        %dma_start3A_49 = tpu.memref_squeeze %dma_start3A_48 : memref<1x640xf32, #tpu.memory_space<vmem_shared>> -> memref<640xf32, #tpu.memory_space<vmem_shared>>
        tpu.enqueue_dma source(%dma_start3A_49 : memref<640xf32, #tpu.memory_space<vmem_shared>>) target(%arg9 : memref<640xf32, #tpu.memory_space<vmem>>) target_semaphore(%run_scoped3A_46 : memref<!tpu.dma_semaphore, #tpu.memory_space<semaphore_mem>>)
        %dma_wait3A = tpu.memref_slice %arg10[%scan3A_34, %mul3A_37] : memref<16x10240xf32, #tpu.memory_space<vmem_shared>> -> memref<1x640xf32, #tpu.memory_space<vmem_shared>>
        %dma_wait3A_50 = tpu.memref_squeeze %dma_wait3A : memref<1x640xf32, #tpu.memory_space<vmem_shared>> -> memref<640xf32, #tpu.memory_space<vmem_shared>>
        %dma_wait3A_51 = tpu.memref_slice %arg10[%scan3A_34, %mul3A_37] : memref<16x10240xf32, #tpu.memory_space<vmem_shared>> -> memref<1x640xf32, #tpu.memory_space<vmem_shared>>
        %dma_wait3A_52 = tpu.memref_squeeze %dma_wait3A_51 : memref<1x640xf32, #tpu.memory_space<vmem_shared>> -> memref<640xf32, #tpu.memory_space<vmem_shared>>
        tpu.wait_dma2 semaphore(%run_scoped3A_46 : memref<!tpu.dma_semaphore, #tpu.memory_space<semaphore_mem>>) src(%dma_wait3A_52 : memref<640xf32, #tpu.memory_space<vmem_shared>>) dst(%arg9 : memref<640xf32, #tpu.memory_space<vmem>>)
        tpu.yield
      }) : () -> ()
      %scan3A_38 = arith.constant 0 : i32
      %scan3A_39 = arith.constant 0 : i32
      %scan3A_40 = arith.constant 40 : i32
      %scan3A_41 = arith.addi %scan3A_39, %scan3A_40 : i32
      %scan3A_42 = arith.constant 1 : i32
      %scan3A_43 = scf.for %scan3A_46 = %scan3A_39 to %scan3A_41 step %scan3A_42 iter_args(%scan3A_47 = %scan3A_38) -> (i32)  : i32 {
        %mul3A_48 = arith.constant 16 : i32
        %mul3A_49 = arith.muli %scan3A_46, %mul3A_48 : i32
        %get3A = arith.index_cast %mul3A_49 : i32 to index
        %get3A_50 = tpu.vector_load %arg8[%get3A] {strides = array<i32>} : memref<640xf32, #tpu.memory_space<vmem>>, vector<16xf32>,
        %get3A_51 = arith.index_cast %mul3A_49 : i32 to index
        %get3A_52 = tpu.vector_load %arg9[%get3A_51] {strides = array<i32>} : memref<640xf32, #tpu.memory_space<vmem>>, vector<16xf32>,
        %add3A = arith.addf %get3A_50, %get3A_52 : vector<16xf32>
        %swap3A = arith.index_cast %mul3A_49 : i32 to index
        %swap3A_53 = tpu.vector_load %arg8[%swap3A] {strides = array<i32>} : memref<640xf32, #tpu.memory_space<vmem>>, vector<16xf32>,
        tpu.vector_store %arg8[%swap3A], %add3A {strides = array<i32>} : memref<640xf32, #tpu.memory_space<vmem>>, vector<16xf32>,
        %scan3A_54 = arith.constant 0 : i32
        scf.yield %scan3A_54 : i32
      }
      %scan3A_44 = arith.constant 40 : i32
      %scan3A_45 = arith.constant 0 : i32
      scf.yield %scan3A_45 : i32
    }
    %scan3A_23 = arith.constant 15 : i32
    %eq3A_24 = arith.constant 0 : i32
    %eq3A_25 = arith.cmpi eq, %arg0, %eq3A_24 : i32
    %convert_element_type3A_26 = arith.extui %eq3A_25 : i1 to i32
    %cond3A_27 = arith.constant 0 : i32
    %cond3A_28 = arith.cmpi ne, %convert_element_type3A_26, %cond3A_27 : i32
    scf.if %cond3A_28 {
      %mul3A_34 = arith.constant 640 : i32
      %mul3A_35 = arith.muli %arg1, %mul3A_34 : i32
      "tpu.region"() ({
        %run_scoped3A_36 = tpu.sem_alloc : memref<!tpu.dma_semaphore, #tpu.memory_space<semaphore_mem>>
        %dma_start3A = tpu.memref_slice %arg4[%mul3A_35] : memref<10240xf32, #tpu.memory_space<hbm>> -> memref<640xf32, #tpu.memory_space<hbm>>
        %dma_start3A_37 = tpu.memref_slice %arg4[%mul3A_35] : memref<10240xf32, #tpu.memory_space<hbm>> -> memref<640xf32, #tpu.memory_space<hbm>>
        tpu.enqueue_dma source(%arg8 : memref<640xf32, #tpu.memory_space<vmem>>) target(%dma_start3A_37 : memref<640xf32, #tpu.memory_space<hbm>>) target_semaphore(%run_scoped3A_36 : memref<!tpu.dma_semaphore, #tpu.memory_space<semaphore_mem>>)
        %dma_wait3A = tpu.memref_slice %arg4[%mul3A_35] : memref<10240xf32, #tpu.memory_space<hbm>> -> memref<640xf32, #tpu.memory_space<hbm>>
        %dma_wait3A_38 = tpu.memref_slice %arg4[%mul3A_35] : memref<10240xf32, #tpu.memory_space<hbm>> -> memref<640xf32, #tpu.memory_space<hbm>>
        tpu.wait_dma2 semaphore(%run_scoped3A_36 : memref<!tpu.dma_semaphore, #tpu.memory_space<semaphore_mem>>) src(%arg8 : memref<640xf32, #tpu.memory_space<vmem>>) dst(%dma_wait3A_38 : memref<640xf32, #tpu.memory_space<hbm>>)
        tpu.yield
      }) : () -> ()
    } else {
    }
    %eq3A_29 = arith.constant 1 : i32
    %eq3A_30 = arith.cmpi eq, %arg0, %eq3A_29 : i32
    %convert_element_type3A_31 = arith.extui %eq3A_30 : i1 to i32
    %cond3A_32 = arith.constant 0 : i32
    %cond3A_33 = arith.cmpi ne, %convert_element_type3A_31, %cond3A_32 : i32
    scf.if %cond3A_33 {
      %mul3A_34 = arith.constant 640 : i32
      %mul3A_35 = arith.muli %arg1, %mul3A_34 : i32
      "tpu.region"() ({
        %run_scoped3A_36 = tpu.sem_alloc : memref<!tpu.dma_semaphore, #tpu.memory_space<semaphore_mem>>
        %dma_start3A = tpu.memref_slice %arg5[%mul3A_35] : memref<10240xf32, #tpu.memory_space<hbm>> -> memref<640xf32, #tpu.memory_space<hbm>>
        %dma_start3A_37 = tpu.memref_slice %arg5[%mul3A_35] : memref<10240xf32, #tpu.memory_space<hbm>> -> memref<640xf32, #tpu.memory_space<hbm>>
        tpu.enqueue_dma source(%arg8 : memref<640xf32, #tpu.memory_space<vmem>>) target(%dma_start3A_37 : memref<640xf32, #tpu.memory_space<hbm>>) target_semaphore(%run_scoped3A_36 : memref<!tpu.dma_semaphore, #tpu.memory_space<semaphore_mem>>)
        %dma_wait3A = tpu.memref_slice %arg5[%mul3A_35] : memref<10240xf32, #tpu.memory_space<hbm>> -> memref<640xf32, #tpu.memory_space<hbm>>
        %dma_wait3A_38 = tpu.memref_slice %arg5[%mul3A_35] : memref<10240xf32, #tpu.memory_space<hbm>> -> memref<640xf32, #tpu.memory_space<hbm>>
        tpu.wait_dma2 semaphore(%run_scoped3A_36 : memref<!tpu.dma_semaphore, #tpu.memory_space<semaphore_mem>>) src(%arg8 : memref<640xf32, #tpu.memory_space<vmem>>) dst(%dma_wait3A_38 : memref<640xf32, #tpu.memory_space<hbm>>)
        tpu.yield
      }) : () -> ()
    } else {
    }
    return
  }
}

module attributes {stable_mosaic.version = 14 : i64} {
  func.func @body(%arg0: i32, %arg1: memref<512x500xf32, #tpu.memory_space<vmem>>, %arg2: memref<512x128xf32, #tpu.memory_space<vmem>>, %arg3: memref<500x128xf32, #tpu.memory_space<vmem>>, %arg4: memref<128x128xf32, #tpu.memory_space<vmem>>, %arg5: memref<128x128xf32, #tpu.memory_space<vmem>>, %arg6: memref<512x1xf32, #tpu.memory_space<vmem>>, %arg7: memref<512x128xf32, #tpu.memory_space<vmem>>, %arg8: memref<512x128xf32, #tpu.memory_space<vmem>>) attributes {dimension_semantics = [#tpu.dimension_semantics<arbitrary>], iteration_bounds = array<i64: 20>, scalar_prefetch = 0 : i64, scratch_operands = 0 : i64, tpu.core_type = #tpu.core_type<tc>, window_params = [{transform_indices = @transform_0, window_bounds = array<i64: 512, 500>}, {transform_indices = @transform_1, window_bounds = array<i64: 512, 128>}, {pipeline_mode = #tpu.pipeline_mode<synchronous>, transform_indices = @transform_2, window_bounds = array<i64: 500, 128>}, {pipeline_mode = #tpu.pipeline_mode<synchronous>, transform_indices = @transform_3, window_bounds = array<i64: 128, 128>}, {pipeline_mode = #tpu.pipeline_mode<synchronous>, transform_indices = @transform_4, window_bounds = array<i64: 128, 128>}, {transform_indices = @transform_5, window_bounds = array<i64: 512, 1>}, {transform_indices = @transform_6, window_bounds = array<i64: 512, 128>}, {transform_indices = @transform_7, window_bounds = array<i64: 512, 128>}]} {
    %get3A = arith.constant 0 : index
    %get3A_0 = arith.constant 0 : index
    %get3A_1 = vector.load %arg6[%get3A, %get3A_0] : memref<512x1xf32, #tpu.memory_space<vmem>>, vector<512x1xf32>
    %add3A = arith.constant 1.000000e+00 : f32
    %add3A_2 = vector.broadcast %add3A : f32 to vector<512x1xf32>
    %add3A_3 = arith.addf %get3A_1, %add3A_2 : vector<512x1xf32>
    %rsqrt3A = math.rsqrt %add3A_3 : vector<512x1xf32>
    %get3A_4 = arith.constant 0 : index
    %get3A_5 = arith.constant 0 : index
    %get3A_6 = vector.load %arg2[%get3A_4, %get3A_5] : memref<512x128xf32, #tpu.memory_space<vmem>>, vector<512x128xf32>
    %mul3A = vector.broadcast %rsqrt3A : vector<512x1xf32> to vector<512x128xf32>
    %mul3A_7 = arith.mulf %get3A_6, %mul3A : vector<512x128xf32>
    %get3A_8 = arith.constant 0 : index
    %get3A_9 = arith.constant 0 : index
    %get3A_10 = vector.load %arg4[%get3A_8, %get3A_9] : memref<128x128xf32, #tpu.memory_space<vmem>>, vector<128x128xf32>
    %dot_general3A = arith.constant dense<0.000000e+00> : vector<512x128xf32>
    %dot_general3A_11 = tpu.matmul %mul3A_7, %get3A_10, %dot_general3A {dimension_numbers = #tpu.dot_dimension_numbers<[1], [0], [0], [1], [0, 0, 1, 1], [], []>, transpose_lhs_hint = false} : vector<512x128xf32>, vector<128x128xf32>, vector<512x128xf32> -> vector<512x128xf32>
    %swap3A = arith.constant 0 : index
    %swap3A_12 = arith.constant 0 : index
    %swap3A_13 = vector.load %arg7[%swap3A, %swap3A_12] : memref<512x128xf32, #tpu.memory_space<vmem>>, vector<512x128xf32>
    tpu.vector_store %arg7[%swap3A, %swap3A_12], %dot_general3A_11 {strides = array<i32>} : memref<512x128xf32, #tpu.memory_space<vmem>>, vector<512x128xf32>,
    %get3A_14 = arith.constant 0 : index
    %get3A_15 = arith.constant 0 : index
    %get3A_16 = vector.load %arg1[%get3A_14, %get3A_15] : memref<512x500xf32, #tpu.memory_space<vmem>>, vector<512x500xf32>
    %get3A_17 = arith.constant 0 : index
    %get3A_18 = arith.constant 0 : index
    %get3A_19 = vector.load %arg3[%get3A_17, %get3A_18] : memref<500x128xf32, #tpu.memory_space<vmem>>, vector<500x128xf32>
    %dot_general3A_20 = arith.constant dense<0.000000e+00> : vector<512x128xf32>
    %dot_general3A_21 = tpu.matmul %get3A_16, %get3A_19, %dot_general3A_20 {dimension_numbers = #tpu.dot_dimension_numbers<[1], [0], [0], [1], [0, 0, 1, 1], [], []>, transpose_lhs_hint = false} : vector<512x500xf32>, vector<500x128xf32>, vector<512x128xf32> -> vector<512x128xf32>
    %mul3A_22 = vector.broadcast %rsqrt3A : vector<512x1xf32> to vector<512x128xf32>
    %mul3A_23 = arith.mulf %dot_general3A_21, %mul3A_22 : vector<512x128xf32>
    %get3A_24 = arith.constant 0 : index
    %get3A_25 = arith.constant 0 : index
    %get3A_26 = vector.load %arg5[%get3A_24, %get3A_25] : memref<128x128xf32, #tpu.memory_space<vmem>>, vector<128x128xf32>
    %dot_general3A_27 = arith.constant dense<0.000000e+00> : vector<512x128xf32>
    %dot_general3A_28 = tpu.matmul %mul3A_23, %get3A_26, %dot_general3A_27 {dimension_numbers = #tpu.dot_dimension_numbers<[1], [0], [0], [1], [0, 0, 1, 1], [], []>, transpose_lhs_hint = false} : vector<512x128xf32>, vector<128x128xf32>, vector<512x128xf32> -> vector<512x128xf32>
    %swap3A_29 = arith.constant 0 : index
    %swap3A_30 = arith.constant 0 : index
    %swap3A_31 = vector.load %arg8[%swap3A_29, %swap3A_30] : memref<512x128xf32, #tpu.memory_space<vmem>>, vector<512x128xf32>
    tpu.vector_store %arg8[%swap3A_29, %swap3A_30], %dot_general3A_28 {strides = array<i32>} : memref<512x128xf32, #tpu.memory_space<vmem>>, vector<512x128xf32>,
    return
  }
  func.func @transform_0(%arg0: i32) -> (i32, i32) {
    %c0_i32 = arith.constant 0 : i32
    %c0_i32_0 = arith.constant 0 : i32
    return %arg0, %c0_i32 : i32, i32
  }
  func.func @transform_1(%arg0: i32) -> (i32, i32) {
    %c0_i32 = arith.constant 0 : i32
    %c0_i32_0 = arith.constant 0 : i32
    return %arg0, %c0_i32 : i32, i32
  }
  func.func @transform_2(%arg0: i32) -> (i32, i32) {
    %c0_i32 = arith.constant 0 : i32
    %c0_i32_0 = arith.constant 0 : i32
    %c0_i32_1 = arith.constant 0 : i32
    return %c0_i32, %c0_i32_0 : i32, i32
  }
  func.func @transform_3(%arg0: i32) -> (i32, i32) {
    %c0_i32 = arith.constant 0 : i32
    %c0_i32_0 = arith.constant 0 : i32
    %c0_i32_1 = arith.constant 0 : i32
    return %c0_i32, %c0_i32_0 : i32, i32
  }
  func.func @transform_4(%arg0: i32) -> (i32, i32) {
    %c0_i32 = arith.constant 0 : i32
    %c0_i32_0 = arith.constant 0 : i32
    %c0_i32_1 = arith.constant 0 : i32
    return %c0_i32, %c0_i32_0 : i32, i32
  }
  func.func @transform_5(%arg0: i32) -> (i32, i32) {
    %c0_i32 = arith.constant 0 : i32
    %c0_i32_0 = arith.constant 0 : i32
    return %arg0, %c0_i32 : i32, i32
  }
  func.func @transform_6(%arg0: i32) -> (i32, i32) {
    %c0_i32 = arith.constant 0 : i32
    %c0_i32_0 = arith.constant 0 : i32
    return %arg0, %c0_i32 : i32, i32
  }
  func.func @transform_7(%arg0: i32) -> (i32, i32) {
    %c0_i32 = arith.constant 0 : i32
    %c0_i32_0 = arith.constant 0 : i32
    return %arg0, %c0_i32 : i32, i32
  }
}

module attributes {stable_mosaic.version = 14 : i64} {
  func.func @body(%arg0: i32, %arg1: memref<400x128xf32, #tpu.memory_space<vmem>>, %arg2: memref<400x128xf32, #tpu.memory_space<vmem>>, %arg3: memref<400x1xf32, #tpu.memory_space<vmem>>, %arg4: memref<1x128xf32, #tpu.memory_space<vmem>>, %arg5: memref<1x128xf32, #tpu.memory_space<vmem>>, %arg6: memref<1x128xf32, #tpu.memory_space<vmem>>, %arg7: memref<1x128xf32, #tpu.memory_space<vmem>>, %arg8: memref<128x128xf32, #tpu.memory_space<vmem>>, %arg9: memref<128x128xf32, #tpu.memory_space<vmem>>, %arg10: memref<1x128xf32, #tpu.memory_space<vmem>>, %arg11: memref<1x128xf32, #tpu.memory_space<vmem>>, %arg12: memref<1x128xf32, #tpu.memory_space<vmem>>, %arg13: memref<400x128xf32, #tpu.memory_space<vmem>>) attributes {dimension_semantics = [#tpu.dimension_semantics<arbitrary>], iteration_bounds = array<i64: 25>, scalar_prefetch = 0 : i64, scratch_operands = 0 : i64, tpu.core_type = #tpu.core_type<tc>, window_params = [{transform_indices = @transform_0, window_bounds = array<i64: 400, 128>}, {transform_indices = @transform_1, window_bounds = array<i64: 400, 128>}, {transform_indices = @transform_2, window_bounds = array<i64: 400, 1>}, {pipeline_mode = #tpu.pipeline_mode<synchronous>, transform_indices = @transform_3, window_bounds = array<i64: 1, 128>}, {pipeline_mode = #tpu.pipeline_mode<synchronous>, transform_indices = @transform_4, window_bounds = array<i64: 1, 128>}, {pipeline_mode = #tpu.pipeline_mode<synchronous>, transform_indices = @transform_5, window_bounds = array<i64: 1, 128>}, {pipeline_mode = #tpu.pipeline_mode<synchronous>, transform_indices = @transform_6, window_bounds = array<i64: 1, 128>}, {pipeline_mode = #tpu.pipeline_mode<synchronous>, transform_indices = @transform_7, window_bounds = array<i64: 128, 128>}, {pipeline_mode = #tpu.pipeline_mode<synchronous>, transform_indices = @transform_8, window_bounds = array<i64: 128, 128>}, {pipeline_mode = #tpu.pipeline_mode<synchronous>, transform_indices = @transform_9, window_bounds = array<i64: 1, 128>}, {pipeline_mode = #tpu.pipeline_mode<synchronous>, transform_indices = @transform_10, window_bounds = array<i64: 1, 128>}, {pipeline_mode = #tpu.pipeline_mode<synchronous>, transform_indices = @transform_11, window_bounds = array<i64: 1, 128>}, {transform_indices = @transform_12, window_bounds = array<i64: 400, 128>}]} {
    %get3A = arith.constant 0 : index
    %get3A_0 = arith.constant 0 : index
    %get3A_1 = vector.load %arg3[%get3A, %get3A_0] : memref<400x1xf32, #tpu.memory_space<vmem>>, vector<400x1xf32>
    %add3A = arith.constant 1.000000e+00 : f32
    %add3A_2 = vector.broadcast %add3A : f32 to vector<400x1xf32>
    %add3A_3 = arith.addf %get3A_1, %add3A_2 : vector<400x1xf32>
    %rsqrt3A = math.rsqrt %add3A_3 : vector<400x1xf32>
    %get3A_4 = arith.constant 0 : index
    %get3A_5 = arith.constant 0 : index
    %get3A_6 = vector.load %arg1[%get3A_4, %get3A_5] : memref<400x128xf32, #tpu.memory_space<vmem>>, vector<400x128xf32>
    %mul3A = vector.broadcast %rsqrt3A : vector<400x1xf32> to vector<400x128xf32>
    %mul3A_7 = arith.mulf %get3A_6, %mul3A : vector<400x128xf32>
    %get3A_8 = arith.constant 0 : index
    %get3A_9 = arith.constant 0 : index
    %get3A_10 = vector.load %arg4[%get3A_8, %get3A_9] : memref<1x128xf32, #tpu.memory_space<vmem>>, vector<1x128xf32>
    %add3A_11 = vector.broadcast %get3A_10 : vector<1x128xf32> to vector<400x128xf32>
    %add3A_12 = arith.addf %mul3A_7, %add3A_11 : vector<400x128xf32>
    %get3A_13 = arith.constant 0 : index
    %get3A_14 = arith.constant 0 : index
    %get3A_15 = vector.load %arg6[%get3A_13, %get3A_14] : memref<1x128xf32, #tpu.memory_space<vmem>>, vector<1x128xf32>
    %mul3A_16 = vector.broadcast %get3A_15 : vector<1x128xf32> to vector<400x128xf32>
    %mul3A_17 = arith.mulf %add3A_12, %mul3A_16 : vector<400x128xf32>
    %get3A_18 = arith.constant 0 : index
    %get3A_19 = arith.constant 0 : index
    %get3A_20 = vector.load %arg2[%get3A_18, %get3A_19] : memref<400x128xf32, #tpu.memory_space<vmem>>, vector<400x128xf32>
    %mul3A_21 = vector.broadcast %rsqrt3A : vector<400x1xf32> to vector<400x128xf32>
    %mul3A_22 = arith.mulf %get3A_20, %mul3A_21 : vector<400x128xf32>
    %get3A_23 = arith.constant 0 : index
    %get3A_24 = arith.constant 0 : index
    %get3A_25 = vector.load %arg5[%get3A_23, %get3A_24] : memref<1x128xf32, #tpu.memory_space<vmem>>, vector<1x128xf32>
    %add3A_26 = vector.broadcast %get3A_25 : vector<1x128xf32> to vector<400x128xf32>
    %add3A_27 = arith.addf %mul3A_22, %add3A_26 : vector<400x128xf32>
    %get3A_28 = arith.constant 0 : index
    %get3A_29 = arith.constant 0 : index
    %get3A_30 = vector.load %arg7[%get3A_28, %get3A_29] : memref<1x128xf32, #tpu.memory_space<vmem>>, vector<1x128xf32>
    %mul3A_31 = vector.broadcast %get3A_30 : vector<1x128xf32> to vector<400x128xf32>
    %mul3A_32 = arith.mulf %add3A_27, %mul3A_31 : vector<400x128xf32>
    %max3A = arith.constant 0.000000e+00 : f32
    %max3A_33 = vector.broadcast %max3A : f32 to vector<400x128xf32>
    %max3A_34 = arith.maximumf %mul3A_17, %max3A_33 : vector<400x128xf32>
    %max3A_35 = arith.constant 0.000000e+00 : f32
    %max3A_36 = vector.broadcast %max3A_35 : f32 to vector<400x128xf32>
    %max3A_37 = arith.maximumf %mul3A_32, %max3A_36 : vector<400x128xf32>
    %add3A_38 = arith.addf %max3A_34, %max3A_37 : vector<400x128xf32>
    %add3A_39 = arith.addf %mul3A_17, %mul3A_32 : vector<400x128xf32>
    %get3A_40 = arith.constant 0 : index
    %get3A_41 = arith.constant 0 : index
    %get3A_42 = vector.load %arg8[%get3A_40, %get3A_41] : memref<128x128xf32, #tpu.memory_space<vmem>>, vector<128x128xf32>
    %dot_general3A = arith.constant dense<0.000000e+00> : vector<400x128xf32>
    %dot_general3A_43 = tpu.matmul %add3A_38, %get3A_42, %dot_general3A {dimension_numbers = #tpu.dot_dimension_numbers<[1], [0], [0], [1], [0, 0, 1, 1], [], []>, transpose_lhs_hint = false} : vector<400x128xf32>, vector<128x128xf32>, vector<400x128xf32> -> vector<400x128xf32>
    %get3A_44 = arith.constant 0 : index
    %get3A_45 = arith.constant 0 : index
    %get3A_46 = vector.load %arg9[%get3A_44, %get3A_45] : memref<128x128xf32, #tpu.memory_space<vmem>>, vector<128x128xf32>
    %dot_general3A_47 = arith.constant dense<0.000000e+00> : vector<400x128xf32>
    %dot_general3A_48 = tpu.matmul %add3A_39, %get3A_46, %dot_general3A_47 {dimension_numbers = #tpu.dot_dimension_numbers<[1], [0], [0], [1], [0, 0, 1, 1], [], []>, transpose_lhs_hint = false} : vector<400x128xf32>, vector<128x128xf32>, vector<400x128xf32> -> vector<400x128xf32>
    %add3A_49 = arith.addf %dot_general3A_43, %dot_general3A_48 : vector<400x128xf32>
    %get3A_50 = arith.constant 0 : index
    %get3A_51 = arith.constant 0 : index
    %get3A_52 = vector.load %arg10[%get3A_50, %get3A_51] : memref<1x128xf32, #tpu.memory_space<vmem>>, vector<1x128xf32>
    %add3A_53 = vector.broadcast %get3A_52 : vector<1x128xf32> to vector<400x128xf32>
    %add3A_54 = arith.addf %add3A_49, %add3A_53 : vector<400x128xf32>
    %reduce_sum3A = arith.constant dense<0.000000e+00> : vector<400xf32>
    %reduce_sum3A_55 = vector.multi_reduction <add>, %add3A_54, %reduce_sum3A [1] : vector<400x128xf32> to vector<400xf32>
    %broadcast_in_dim3A = vector.shape_cast %reduce_sum3A_55 : vector<400xf32> to vector<400x1xf32>
    %div3A = arith.constant 1.280000e+02 : f32
    %div3A_56 = vector.broadcast %div3A : f32 to vector<400x1xf32>
    %div3A_57 = arith.divf %broadcast_in_dim3A, %div3A_56 : vector<400x1xf32>
    %sub3A = vector.broadcast %div3A_57 : vector<400x1xf32> to vector<400x128xf32>
    %sub3A_58 = arith.subf %add3A_54, %sub3A : vector<400x128xf32>
    %mul3A_59 = arith.mulf %sub3A_58, %sub3A_58 : vector<400x128xf32>
    %reduce_sum3A_60 = arith.constant dense<0.000000e+00> : vector<400xf32>
    %reduce_sum3A_61 = vector.multi_reduction <add>, %mul3A_59, %reduce_sum3A_60 [1] : vector<400x128xf32> to vector<400xf32>
    %broadcast_in_dim3A_62 = vector.shape_cast %reduce_sum3A_61 : vector<400xf32> to vector<400x1xf32>
    %div3A_63 = arith.constant 1.280000e+02 : f32
    %div3A_64 = vector.broadcast %div3A_63 : f32 to vector<400x1xf32>
    %div3A_65 = arith.divf %broadcast_in_dim3A_62, %div3A_64 : vector<400x1xf32>
    %add3A_66 = arith.constant 9.99999974E-6 : f32
    %add3A_67 = vector.broadcast %add3A_66 : f32 to vector<400x1xf32>
    %add3A_68 = arith.addf %div3A_65, %add3A_67 : vector<400x1xf32>
    %rsqrt3A_69 = math.rsqrt %add3A_68 : vector<400x1xf32>
    %mul3A_70 = vector.broadcast %rsqrt3A_69 : vector<400x1xf32> to vector<400x128xf32>
    %mul3A_71 = arith.mulf %sub3A_58, %mul3A_70 : vector<400x128xf32>
    %get3A_72 = arith.constant 0 : index
    %get3A_73 = arith.constant 0 : index
    %get3A_74 = vector.load %arg11[%get3A_72, %get3A_73] : memref<1x128xf32, #tpu.memory_space<vmem>>, vector<1x128xf32>
    %mul3A_75 = vector.broadcast %get3A_74 : vector<1x128xf32> to vector<400x128xf32>
    %mul3A_76 = arith.mulf %mul3A_71, %mul3A_75 : vector<400x128xf32>
    %get3A_77 = arith.constant 0 : index
    %get3A_78 = arith.constant 0 : index
    %get3A_79 = vector.load %arg12[%get3A_77, %get3A_78] : memref<1x128xf32, #tpu.memory_space<vmem>>, vector<1x128xf32>
    %add3A_80 = vector.broadcast %get3A_79 : vector<1x128xf32> to vector<400x128xf32>
    %add3A_81 = arith.addf %mul3A_76, %add3A_80 : vector<400x128xf32>
    %swap3A = arith.constant 0 : index
    %swap3A_82 = arith.constant 0 : index
    %swap3A_83 = vector.load %arg13[%swap3A, %swap3A_82] : memref<400x128xf32, #tpu.memory_space<vmem>>, vector<400x128xf32>
    tpu.vector_store %arg13[%swap3A, %swap3A_82], %add3A_81 {strides = array<i32>} : memref<400x128xf32, #tpu.memory_space<vmem>>, vector<400x128xf32>,
    return
  }
  func.func @transform_0(%arg0: i32) -> (i32, i32) {
    %c0_i32 = arith.constant 0 : i32
    %c0_i32_0 = arith.constant 0 : i32
    return %arg0, %c0_i32 : i32, i32
  }
  func.func @transform_1(%arg0: i32) -> (i32, i32) {
    %c0_i32 = arith.constant 0 : i32
    %c0_i32_0 = arith.constant 0 : i32
    return %arg0, %c0_i32 : i32, i32
  }
  func.func @transform_2(%arg0: i32) -> (i32, i32) {
    %c0_i32 = arith.constant 0 : i32
    %c0_i32_0 = arith.constant 0 : i32
    return %arg0, %c0_i32 : i32, i32
  }
  func.func @transform_3(%arg0: i32) -> (i32, i32) {
    %c0_i32 = arith.constant 0 : i32
    %c0_i32_0 = arith.constant 0 : i32
    %c0_i32_1 = arith.constant 0 : i32
    return %c0_i32, %c0_i32_0 : i32, i32
  }
  func.func @transform_4(%arg0: i32) -> (i32, i32) {
    %c0_i32 = arith.constant 0 : i32
    %c0_i32_0 = arith.constant 0 : i32
    %c0_i32_1 = arith.constant 0 : i32
    return %c0_i32, %c0_i32_0 : i32, i32
  }
  func.func @transform_5(%arg0: i32) -> (i32, i32) {
    %c0_i32 = arith.constant 0 : i32
    %c0_i32_0 = arith.constant 0 : i32
    %c0_i32_1 = arith.constant 0 : i32
    return %c0_i32, %c0_i32_0 : i32, i32
  }
  func.func @transform_6(%arg0: i32) -> (i32, i32) {
    %c0_i32 = arith.constant 0 : i32
    %c0_i32_0 = arith.constant 0 : i32
    %c0_i32_1 = arith.constant 0 : i32
    return %c0_i32, %c0_i32_0 : i32, i32
  }
  func.func @transform_7(%arg0: i32) -> (i32, i32) {
    %c0_i32 = arith.constant 0 : i32
    %c0_i32_0 = arith.constant 0 : i32
    %c0_i32_1 = arith.constant 0 : i32
    return %c0_i32, %c0_i32_0 : i32, i32
  }
  func.func @transform_8(%arg0: i32) -> (i32, i32) {
    %c0_i32 = arith.constant 0 : i32
    %c0_i32_0 = arith.constant 0 : i32
    %c0_i32_1 = arith.constant 0 : i32
    return %c0_i32, %c0_i32_0 : i32, i32
  }
  func.func @transform_9(%arg0: i32) -> (i32, i32) {
    %c0_i32 = arith.constant 0 : i32
    %c0_i32_0 = arith.constant 0 : i32
    %c0_i32_1 = arith.constant 0 : i32
    return %c0_i32, %c0_i32_0 : i32, i32
  }
  func.func @transform_10(%arg0: i32) -> (i32, i32) {
    %c0_i32 = arith.constant 0 : i32
    %c0_i32_0 = arith.constant 0 : i32
    %c0_i32_1 = arith.constant 0 : i32
    return %c0_i32, %c0_i32_0 : i32, i32
  }
  func.func @transform_11(%arg0: i32) -> (i32, i32) {
    %c0_i32 = arith.constant 0 : i32
    %c0_i32_0 = arith.constant 0 : i32
    %c0_i32_1 = arith.constant 0 : i32
    return %c0_i32, %c0_i32_0 : i32, i32
  }
  func.func @transform_12(%arg0: i32) -> (i32, i32) {
    %c0_i32 = arith.constant 0 : i32
    %c0_i32_0 = arith.constant 0 : i32
    return %arg0, %c0_i32 : i32, i32
  }
}

</mosaic_0001>

<sc_bundles>
// kernel: kernel.6.cloned.1.call-start
scs
__scs_entry_jumppad:
0x0: {  	(pc) =	sbr.rel $0x88, $3  }
0x1: {  	(tag) =	ssettag $0x0;
	lr =	simm.s32 $0x1  }
0x2: {  	[smem:$0x3F93] =	sst lr;
	_ =	strace $0xD0000000  }
0x3: {  	_ = 	snop  }
0x4: {  	_ = 	snop  }
0x5: {  	_ = 	snop  }
0x6: {  	_ = 	snop  }
0x7: {  	_ = 	snop  }
__scs_overlays_trampoline_lowered:
0x8: {  	[smem:$0x3FA2] =	sst s0  }
0x9: {  	[smem:$0x3FA3] =	sst s1  }
0xa: {  	[smem:$0x3FA4] =	sst s2  }
0xb: {  	[smem:$0x3FA5] =	sst s3  }
0xc: {  	[smem:$0x3FA6] =	sst s4  }
0xd: {  	[smem:$0x3FA7] =	sst s5  }
0xe: {  	[smem:$0x3FA8] =	sst s6  }
0xf: {  	[smem:$0x3FA9] =	sst s7  }
0x10: {  	[smem:$0x3FAA] =	sst s8  }
0x11: {  	[smem:$0x3FAB] =	sst s9;
	s0 =	simm.s32 @!p0 $0x0  }
0x12: {  	s1 =	sld [smem:$0x3F91];
	s0 =	simm.s32 @p0 $0x1  }
0x13: {  	[smem:$0x3FAC] =	sst s0;
	s0 =	simm.s32 @!p1 $0x0  }
0x14: {  	s2 =	sld [smem:$0x3F90];
	s0 =	simm.s32 @p1 $0x1  }
0x15: {  	[smem:$0x3FAD] =	sst s0;
	s0 =	simm.s32 @!p2 $0x0  }
0x16: {  	s3 =	sld [smem:$0x3FDB];
	s0 =	simm.s32 @p2 $0x1  }
0x17: {  	s4 =	simm.s32 $0x1BF5;
	[smem:$0x3FAF] =	sst s0  }
0x18: {  	s0 =	sld [smem:$0x3F92];
	_ =	swait.ge [sflag:s4], $0x0  }
0x19: {  	s7 =	sld [smem:$0x3F93]  }
0x1a: {  	s8 =	sadd.s32 $0xFFFFE003, lr  }
0x1b: {  	s9 =	sadd.s32 $0xFFFFFEF7, lr;
	s5 =	simm.s32 $0xFFFFFFFF;
	p2 =	slt.u32 s8, $0xFFFFF086  }
0x1c: {  	p1 =	slt.u32 s9, $0xF7A;
	s5 =	simm.s32 @!p2 $0x0  }
0x1d: {  	s5 =	simm.s32 @p1 $0x1;
	p0 =	seq.s32 s7, s2  }
0x1e: {  	s7 =	smul.u32 @!p0 $0xF7A, s2;
	p2 =	seq.s32 @!p0 s5, $0x0  }
0x1f: {  	s9 =	smul.u32 $0xF7A, s1;
	s8 =	simm.s32 @!p0 $0x1BF5;
	p2 =	por !p2, p0  }
0x20: {  	[sflag:s8] =	ssyncset.s32 @!p0 $0xFFFFF086;
	s6 =	sadd.s32 @!p0 s3, s7;
	s7 =	simm.s32 @!p0 $0x108  }
0x21: {  	s3 =	sadd.s32 s3, s9;
	s6 =	sadd.s32 @!p0 $0x88, s6;
	s7 =	simm.s32 @p2 $0x1082  }
0x22: {  	[simem:s7], [sflag:s8] =	dma.local @!p0 [hbm:s6], $0xF7A  }
0x23: {  	s9 =	sor.u32 $0xD0000000, s2;
	s6 =	simm.s32 $0x108;
	_ =	swait.ge @!p0 [sflag:s8], $0x0  }
0x24: {  	s3 =	sadd.s32 $0x88, s3;
	s6 =	simm.s32 @!p1 $0x1082;
	[sflag:s4] =	ssyncset.s32 $0xFFFFF086  }
0x25: {  	[simem:s6], [sflag:s4] =	dma.local [hbm:s3], $0xF7A  }
0x26: {  	[smem:$0x3F93] =	sst s1;
	(tag) =	ssettag s2;
	_ =	strace s9  }
0x27: {  	s1 =	sld [smem:$0x3FA3]  }
0x28: {  	s2 =	sld [smem:$0x3FA4]  }
0x29: {  	s4 =	sld [smem:$0x3FA6]  }
0x2a: {  	p0 =	seq.s32 s5, $0x0;
	s5 =	sld [smem:$0x3FA7]  }
0x2b: {  	s6 =	sld [smem:$0x3FA8]  }
0x2c: {  	s7 =	sld [smem:$0x3FA9]  }
0x2d: {  	s3 =	simm.s32 $0x108;
	s8 =	sld [smem:$0x3FAA]  }
0x2e: {  	s3 =	simm.s32 @!p0 $0x1082;
	s9 =	sld [smem:$0x3FAB]  }
0x2f: {  	lr =	sadd.s32 s0, s3;
	s0 =	sld [smem:$0x3FA2]  }
0x30: {  	s3 =	sld [smem:$0x3FA5]  }
0x31: {  	[smem:$0x3FAE] =	sst s10  }
0x32: {  	s10 =	sld [smem:$0x3FAC];
	_ =	sdelay $0x3  }
0x33: {  	p0 =	seq.s32 s10, $0x1;
	s10 =	sld [smem:$0x3FAE];
	_ =	sdelay $0x3  }
0x34: {  	[smem:$0x3FAE] =	sst s10  }
0x35: {  	s10 =	sld [smem:$0x3FAD];
	_ =	sdelay $0x3  }
0x36: {  	p1 =	seq.s32 s10, $0x1;
	s10 =	sld [smem:$0x3FAE];
	_ =	sdelay $0x3  }
0x37: {  	[smem:$0x3FAE] =	sst s10  }
0x38: {  	s10 =	sld [smem:$0x3FAF]  }
0x39: {  	_ = 	snop;
	(pc) =	sbr.ind lr, $3  }
0x3a: {  	_ = 	snop  }
0x3b: {  	_ = 	snop  }
0x3c: {  	p2 =	seq.s32 s10, $0x1;
	s10 =	sld [smem:$0x3FAE]  }
0x3d: {  	_ =	shalt  }
0x3e: {  	_ =	shalt  }
0x3f: {  	_ =	shalt  }
0x40: {  	_ =	shalt  }
0x41: {  	_ =	shalt  }
0x42: {  	_ =	shalt  }
0x43: {  	_ =	shalt  }
0x44: {  	_ =	shalt  }
0x45: {  	_ =	shalt  }
0x46: {  	_ =	shalt  }
0x47: {  	_ =	shalt  }
0x48: {  	_ =	shalt  }
0x49: {  	_ =	shalt  }
0x4a: {  	_ =	shalt  }
0x4b: {  	_ =	shalt  }
0x4c: {  	_ =	shalt  }
0x4d: {  	_ =	shalt  }
0x4e: {  	_ =	shalt  }
0x4f: {  	_ =	shalt  }
0x50: {  	_ =	shalt  }
0x51: {  	_ =	shalt  }
0x52: {  	_ =	shalt  }
0x53: {  	_ =	shalt  }
0x54: {  	_ =	shalt  }
0x55: {  	_ =	shalt  }
0x56: {  	_ =	shalt  }
0x57: {  	_ =	shalt  }
0x58: {  	_ =	shalt  }
0x59: {  	_ =	shalt  }
0x5a: {  	_ =	shalt  }
0x5b: {  	_ =	shalt  }
0x5c: {  	_ =	shalt  }
0x5d: {  	_ =	shalt  }
0x5e: {  	_ =	shalt  }
0x5f: {  	_ =	shalt  }
0x60: {  	_ =	shalt  }
0x61: {  	_ =	shalt  }
0x62: {  	_ =	shalt  }
0x63: {  	_ =	shalt  }
0x64: {  	_ =	shalt  }
0x65: {  	_ =	shalt  }
0x66: {  	_ =	shalt  }
0x67: {  	_ =	shalt  }
0x68: {  	_ =	shalt  }
0x69: {  	_ =	shalt  }
0x6a: {  	_ =	shalt  }
0x6b: {  	_ =	shalt  }
0x6c: {  	_ =	shalt  }
0x6d: {  	_ =	shalt  }
0x6e: {  	_ =	shalt  }
0x6f: {  	_ =	shalt  }
0x70: {  	_ =	shalt  }
0x71: {  	_ =	shalt  }
0x72: {  	_ =	shalt  }
0x73: {  	_ =	shalt  }
0x74: {  	_ =	shalt  }
0x75: {  	_ =	shalt  }
0x76: {  	_ =	shalt  }
0x77: {  	_ =	shalt  }
0x78: {  	_ =	shalt  }
0x79: {  	_ =	shalt  }
0x7a: {  	_ =	shalt  }
0x7b: {  	_ =	shalt  }
0x7c: {  	_ =	shalt  }
0x7d: {  	_ =	shalt  }
0x7e: {  	_ =	shalt  }
0x7f: {  	_ =	shalt  }
0x80: {  	_ =	shalt  }
0x81: {  	_ =	shalt  }
0x82: {  	_ =	shalt  }
0x83: {  	_ =	shalt  }
0x84: {  	_ =	shalt  }
0x85: {  	_ =	shalt  }
0x86: {  	_ =	shalt  }
0x87: {  	_ =	shalt  }
.Lfunc_end0:
.L_simem_size_0:
called_computation_lowered:
.L_overlay_start_0:
0x88: {  	s2 =	sld [smem:$0x3FD9]  }
0x89: {  	s3 =	sld [smem:$0x3FFE];
	_ =	sdelay $0x1  }
0x8a: {  	s1 =	srdreg.scid  }
0x8b: {  	s0 =	sand.u32 $0x1, s1  }
0x8c: {  	s17 =	sshll.u32 s0, $0xA;
	s2 =	sadd.s32 s3, s2  }
0x8d: {  	s2 =	sadd.s32 s2, s17  }
0x8e: {  	[smem:$0x3FBA] =	sst s2  }
0x8f: {  	_ = 	snop  }
0x90: {  	s2 =	sld [smem:$0x3FD0];
	(tm) =	ssettm $0x1  }
0x91: {  	s18 =	sld [smem:$0x3FFB];
	_ =	sdelay $0x3  }
0x92: {  	_ =	strace s18  }
0x93: {  	s3 =	sld [smem:$0x3FFC];
	_ =	sdelay $0x3  }
0x94: {  	_ =	strace s3  }
0x95: {  	s3 =	sld [smem:$0x3FFD];
	_ =	sdelay $0x3  }
0x96: {  	_ =	strace s3  }
0x97: {  	_ =	strace $0x8FFFFFFF  }
0x98: {  	s19 =	sld [smem:$0x3FDB];
	_ =	sdelay $0x1  }
0x99: {  	s4 =	simm.s32 $_scs_section_size  }
0x9a: {  	s5 =	simm.s32 $_size__tile_overlayer_lowered;
	s6 =	simm.s32 $_tile_overlayer_lowered  }
0x9b: {  	s22 =	simm.s32 $0x1BFF;
	s21 =	sshll.u32 s6, $0x1;
	s3 =	sadd.s32 s4, s19  }
0x9c: {  	s7 =	simm.s32 $0x0;
	s20 =	sshll.u32 s5, $0x1;
	s5 =	sadd.s32 s21, s3  }
0x9d: {  	[timem:s7], [sflag:s22] =	dma.local [hbm:s5], s20  }
0x9e: {  	_ =	swait.ge [sflag:s22], s20  }
0x9f: {  	s4 =	ssub.s32 $0x0, s20;
	[sflag:s22] =	ssyncset.done $0x0  }
0xa0: {  	[sflag:s22] =	ssyncadd.s32 s4;
	_ =	sdelay $0x1  }
0xa1: {  	s23 =	simm.s32 $0x1B8B  }
0xa2: {  	_ =	swait.ge [sflag:s23], $0x1  }
0xa3: {  	[sflag:s23] =	ssyncset.done $0x0  }
0xa4: {  	s25 =	simm.s32 $0x1B8E;
	s24 =	sld [smem:$0x3FFE];
	[sflag:s23] =	ssyncadd.s32 $0xFFFFFFFF  }
0xa5: {  	s26 =	simm.s32 $execute0_lowered;
	[smem:$0x3FD2] =	sst s25  }
0xa6: {  	s5 =	sshll.u32 s26, $0x1;
	_ =	strace $0x80000046;
	[dreg:$0x1] =	wrdreg $0xFFFFFFFF  }
0xa7: {  	s28 =	simm.s32 $_size_execute0_lowered;
	s3 =	sadd.s32 s3, s5;
	[dreg:$0x0] =	wrdreg $0x0  }
0xa8: {  	s5 =	sshll.u32 s28, $0x1;
	[dreg:$0x2] =	wrdreg s3  }
0xa9: {  	[dreg:$0x3] =	wrdreg s5  }
0xaa: {  	[dreg:$0x4] =	wrdreg $0xC0  }
0xab: {  	_ =	task [dreg:s7], $0x5FFFF  }
0xac: {  	[dreg:$0x1] =	wrdreg $0xFFFFFFFF  }
0xad: {  	[dreg:$0x0] =	wrdreg $0x60  }
0xae: {  	[dreg:$0x2] =	wrdreg s24  }
0xaf: {  	[dreg:$0x3] =	wrdreg s2  }
0xb0: {  	[dreg:$0x4] =	wrdreg $0x7D000  }
0xb1: {  	[dreg:$0x5] =	wrdreg $0x9  }
0xb2: {  	_ =	task.clear_ibuf [dreg:s7], $0x6FFFF;
	_ =	strace $0x90000046  }
0xb3: {  	s29 =	simm.s32 $0x9;
	_ =	strace $0x80000048  }
0xb4: {  	_ =	swait.ge [sflag:s29], $0x1  }
0xb5: {  	[sflag:s29] =	ssyncadd.s32 $0xFFFFFFFF  }
0xb6: {  	_ =	strace $0x90000048  }
0xb7: {  	_ =	sfence  }
0xb8: {  	s30 =	sld [smem:$0x0];
	_ =	sdelay $0x2  }
0xb9: {  	s31 =	sshll.u32 s1, $0xD;
	s1 =	sshrl.u32 s1, $0x2  }
0xba: {  	s3 =	sand.u32 $0x4000, s31;
	s1 =	sadd.s32 s1, s30  }
0xbb: {  	s0 =	sor.u32 s3, s0;
	s1 =	sshll.u32 s1, $0x11  }
0xbc: {  	s0 =	sor.u32 s1, s0  }
0xbd: {  	s0 =	sadd.s32 $0x8F2B, s0  }
0xbe: {  	[sflag:s0] =	ssyncadd.remote.s32 $0x1  }
0xbf: {  	_ =	sfence.sel $0xFFFF  }
0xc0: {  	[dreg:$0x0] =	wrdreg $0xFFFFFFFF;
	(pc) =	sbr.abs _section_cstart, $3  }
0xc1: {  	[dreg:$0x1] =	wrdreg $0xFFFFFFFF  }
0xc2: {  	_ =	task.clear_ibuf [dreg:s7], $0x2FFFF;
	_ =	strace $0x9FFFFFFF  }
0xc3: {  	(tm) =	ssettm $0x7FFFFFFF  }
tec
execute0_lowered:
.L_overlay_start_1:
0x0: {  	(tag) =	ssettag $0x1  }
0x1: {  	s8 =	rddreg [dreg:$0x0]  }
0x2: {  	s3 =	rddreg [dreg:$0x1]  }
0x3: {  	s6 =	rddreg [dreg:$0x2]  }
0x4: {  	s0 =	rddreg [dreg:$0x3];
	s2 =	simm.s32 $0x0;
	s4 =	srdreg.scid  }
0x5: {  	s1 =	stileid.u32;
	s13 =	simm.s32 $0x7800;
	s14 =	simm.s32 $0x7A80  }
0x6: {  	s15 =	simm.s32 $0x0;
	[smem:$0x7FF] =	sst s2;
	s25 =	smul.u32 $0xA00, s1  }
0x7: {  	s9 =	sand.u32 $0x1, s4;
	s7 =	sshrl.u32 s1, $0x3;
	s12 =	smul.u32 $0x5000, s1  }
0x8: {  	s26 =	sshll.u32 s1, $0x7;
	s31 =	smul.u32 $0x50, s1;
	s5 =	ssub.s32 $0x2, s9  }
0x9: {  	_ =	strace $0x80000047;
	s7 =	smul.u32 $0x50000, s7;
	p0 =	seq.s32 s9, $0x0  }
0xa: {  	s29 =	sand.u32 $0x380, s26;
	s10 =	sshrl.u32 s5, $0x1;
	s11 =	sadd.s32 s25, s8  }
0xb: {  	s3 =	sadd.s32 s3, s25;
	s30 =	sshrl.u32 s12, $0x2;
	s12 =	simm.s32 $0x400  }
0xc: {  	s28 =	sshrl.u32 s7, $0x2;
	s4 =	sadd.s32 $0x3800, s11;
	s11 =	simm.s32 $0x21800  }
0xd: {  	s10 =	ssub.s32 s5, s10;
	s5 =	sadd.s32 s28, s6;
	s11 =	simm.s32 @!p0 $0x21E00  }
0xe: {  	s6 =	sadd.s32 s30, s6;
	s7 =	smax.u32 s10, $0x1;
	p0 =	sne.s32 s9, $0x0  }
0xf: {  	s9 =	simm.s32 $0x1;
	s10 =	simm.s32 $0x5000;
	s8 =	sadd.s32 s11, s8  }
0x10: {  	v0 =	vimm.f32 $0.0e+00;
	v1 =	vimm.f32 $1.000000000e+00;
	s5 =	sadd.s32 s29, s5;
	s11 =	simm.s32 $0x80;
	s8 =	sadd.s32 s8, s31  }
.LBB2_1:
0x11: {  	s16 =	simm.s32 $0x40;
	s17 =	simm.s32 $0x0  }
.LBB2_2:
0x12: {  	p1 =	sne.s32 s16, $0x9FC0;
	[tilespmem:s17+$0x5000] =	vst v0;
	s17 =	smov.u32 s16;
	s16 =	sadd.s32 $0x40, s16  }
.Ltmp0:
0x13: {  	(pc) =	sbr.rel @p1 .LBB2_2-.Ltmp0, $2  }
0x14: {  	_ =	sdelay $0x2  }
0x15: {  	s17 =	sshra.s32 s17, $0x2  }
.Ltmp1:
0x16: {  	(pc) =	sbr.rel @p0 .LBB2_7-.Ltmp1, $2  }
0x17: {  	_ =	sdelay $0x2  }
0x18: {  	[tilespmem:s17+$0x5000] =	vst v0;
	s16 =	simm.s32 $0x0  }
0x19: {  	[tilespmem:s16], [sflag:$0x1] =	stream.linear.gather [hbm4b:s4+s16], $0x5000, $0x38;
	[tilespmem:$0xA500] =	vst v63  }
0x1a: {  	_ =	swait.ge [sflag:s9], $0x5000  }
0x1b: {  	[sflag:s9] =	ssyncset.done $0x0  }
0x1c: {  	s17 =	simm.s32 $0x0;
	s16 =	simm.s32 $0x40;
	[sflag:s9] =	ssyncadd.s32 $0xFFFFB000  }
.LBB2_5:
0x1d: {  	p1 =	seq.s32 s16, $0x13FC0;
	v2 =	vld [tilespmem:s17+$0x0];
	_ =	sdelay $0x3  }
.Ltmp2:
0x1e: {  	(pc) =	sbr.rel @!p1 .LBB2_5-.Ltmp2, $2  }
0x1f: {  	_ =	sdelay $0x2  }
0x20: {  	s17 =	sshra.s32 s16, $0x2;
	s16 =	sadd.s32 $0x40, s16;
	[tilespmem:v2+s10+$0x0] =	vst.idx.add.f32.msk $0xffff, v1  }
0x21: {  	v2 =	vld [tilespmem:s17+$0x0];
	_ =	sdelay $0x3  }
.Ltmp3:
0x22: {  	_ = 	snop;
	(pc) =	sbr.rel .LBB2_10-.Ltmp3, $2  }
0x23: {  	_ =	sdelay $0x2  }
0x24: {  	[tilespmem:v2+s10+$0x0] =	vst.idx.add.f32.msk $0xffff, v1  }
.LBB2_7:
0x25: {  	[tilespmem:s16], [sflag:$0x1] =	stream.linear.gather [hbm4b:s3+s16], $0x5000, $0x38;
	[tilespmem:$0xA500] =	vst v63  }
0x26: {  	_ =	swait.ge [sflag:s9], $0x5000  }
0x27: {  	[sflag:s9] =	ssyncset.done $0x0  }
0x28: {  	s17 =	simm.s32 $0x0;
	s16 =	simm.s32 $0x40;
	[sflag:s9] =	ssyncadd.s32 $0xFFFFB000  }
.LBB2_8:
0x29: {  	p1 =	sne.s32 s16, $0x13FC0;
	v2 =	vld [tilespmem:s17+$0x0];
	_ =	sdelay $0x3  }
.Ltmp4:
0x2a: {  	(pc) =	sbr.rel @p1 .LBB2_8-.Ltmp4, $2  }
0x2b: {  	_ =	sdelay $0x2  }
0x2c: {  	s17 =	sshra.s32 s16, $0x2;
	s16 =	sadd.s32 $0x40, s16;
	[tilespmem:v2+s10+$0x0] =	vst.idx.add.f32.msk $0xffff, v1  }
0x2d: {  	v2 =	vld [tilespmem:s17+$0x0];
	_ =	sdelay $0x7  }
0x2e: {  	[tilespmem:v2+s10+$0x0] =	vst.idx.add.f32.msk $0xffff, v1  }
.LBB2_10:
0x2f: {  	[spmem:s5] =	stream.strided.scatter [tilespmem:s10], [sflag:$0x1], $0x2800, s12, s11, $0x38;
	[tilespmem:$0xA500] =	vst v63  }
0x30: {  	s16 =	simm.s32 $0x1  }
0x31: {  	_ =	swait.ge [sflag:s16], $0x2800  }
0x32: {  	[sflag:s16] =	ssyncset.done $0x0  }
0x33: {  	[sflag:s16] =	ssyncadd.s32 $0xFFFFD800  }
0x34: {  	[bflag:$0x0] =	sbarrier.arrive $0xFFFF  }
0x35: {  	[tilespmem:s13], [sflag:$0x1] =	stream.strided.gather [spmem:s6], $0x280, s12, s11, $0x38;
	[tilespmem:$0xA500] =	vst v63  }
0x36: {  	_ =	swait.ge [sflag:s16], $0x280  }
0x37: {  	[sflag:s16] =	ssyncset.done $0x0  }
0x38: {  	[sflag:s16] =	ssyncadd.s32 $0xFFFFFD80  }
.LBB2_11:
0x39: {  	s17 =	sshrl.u32 s16, $0x3  }
0x3a: {  	s17 =	smul.u32 $0x50000, s17;
	_ =	sdelay $0x1  }
0x3b: {  	s18 =	sshll.u32 s16, $0x7;
	s17 =	sshra.s32 s17, $0x2  }
0x3c: {  	s18 =	sand.u32 $0x380, s18;
	s17 =	sadd.s32 s17, s6  }
0x3d: {  	s17 =	sadd.s32 s18, s17  }
0x3e: {  	[tilespmem:s14], [sflag:$0x1] =	stream.strided.gather [spmem:s17], $0x280, s12, s11, $0x38;
	[tilespmem:$0xA500] =	vst v63  }
0x3f: {  	_ =	swait.ge [sflag:s9], $0x280  }
0x40: {  	[sflag:s9] =	ssyncset.done $0x0  }
0x41: {  	s17 =	simm.s32 $0x0;
	[sflag:s9] =	ssyncadd.s32 $0xFFFFFD80  }
0x42: {  	s18 =	simm.s32 $0x40;
	v2 =	vld [tilespmem:s17+$0x7A80]  }
.LBB2_12:
0x43: {  	p1 =	sne.s32 s18, $0x9C0;
	v3 =	vld [tilespmem:s17+$0x7800];
	_ =	sdelay $0x2  }
.Ltmp5:
0x44: {  	(pc) =	sbr.rel @p1 .LBB2_12-.Ltmp5, $4  }
0x45: {  	_ = 	snop  }
0x46: {  	v3 =	vadd.f32 v2, v3  }
0x47: {  	s19 =	sshra.s32 s18, $0x2  }
0x48: {  	s18 =	sadd.s32 $0x40, s18;
	v2 =	vld [tilespmem:s19+$0x7A80];
	[tilespmem:s17+$0x7800] =	vst v3;
	s17 =	smov.u32 s19  }
0x49: {  	v3 =	vld [tilespmem:s17+$0x7800]  }
0x4a: {  	s16 =	sadd.s32 $0x1, s16  }
0x4b: {  	p1 =	sne.s32 s16, $0x10  }
.Ltmp6:
0x4c: {  	_ = 	snop;
	(pc) =	sbr.rel @p1 .LBB2_11-.Ltmp6, $3  }
0x4d: {  	_ = 	snop  }
0x4e: {  	v2 =	vadd.f32 v2, v3;
	_ =	sdelay $0x1  }
0x4f: {  	[tilespmem:s17+$0x7800] =	vst v2  }
0x50: {  	s15 =	sadd.s32 $0x1, s15  }
0x51: {  	p1 =	sne.s32 s15, s7  }
.Ltmp7:
0x52: {  	_ = 	snop;
	(pc) =	sbr.rel @p1 .LBB2_1-.Ltmp7, $4  }
0x53: {  	[hbm4b:s8+s2] =	stream.linear.scatter [tilespmem:s13], [sflag:$0x1], $0x280, $0x38;
	[tilespmem:$0xA500] =	vst v63  }
0x54: {  	_ =	swait.ge [sflag:s9], $0x280  }
0x55: {  	[sflag:s9] =	ssyncset.done $0x0  }
0x56: {  	[sflag:s9] =	ssyncadd.s32 $0xFFFFFD80  }
0x57: {  	_ =	sfence.sel $0x180000  }
0x58: {  	[bflag:$0x0] =	sbarrier.arrive $0xFFFF  }
0x59: {  	p0 =	sne.s32 s1, $0x0;
	_ =	strace $0x90000047  }
0x5a: {  	s0 =	sadd.s32 @!p0 $0x100000, s0;
	[bflag:$0x2] =	sbarrier.arrive $0xFFFF  }
0x5b: {  	[sflag:s0] =	ssyncadd.tile.s32 @!p0 $0x1;
	_ =	shalt  }
.Lfunc_end2:
_tile_overlayer_lowered:
.L_overlay_start_2:
0x5c: {  	(tag) =	ssettag $0x2  }
0x5d: {  	s0 =	rddreg [dreg:$0x0];
	s2 =	stileid.u32  }
0x5e: {  	s1 =	rddreg [dreg:$0x1];
	p0 =	sne.s32 s2, $0x0  }
0x5f: {  	s3 =	rddreg [dreg:$0x2];
	[bflag:$0x3] =	sbarrier.arrive $0xFFFF;
	s2 =	simm.s32 @!p0 $0x1C01  }
0x60: {  	[timem:s3], [sflag:s2] =	dma.local @!p0 [hbm:s0], s1  }
0x61: {  	s0 =	simm.s32 @!p0 $0x1  }
0x62: {  	_ =	swait.ge @!p0 [sflag:s0], s1  }
0x63: {  	s1 =	ssub.s32 @!p0 $0x0, s1;
	[sflag:s0] =	ssyncset.done @!p0 $0x0  }
0x64: {  	[sflag:s0] =	ssyncadd.s32 @!p0 s1  }
0x65: {  	[bflag:$0x3] =	sbarrier.arrive $0xFFFF  }
0x66: {  	_ =	shalt  }

// kernel: kernel.9.cloned.1.call-start
scs
__scs_entry_jumppad:
0x0: {  	(pc) =	sbr.rel $0x88, $3  }
0x1: {  	(tag) =	ssettag $0x0;
	lr =	simm.s32 $0x1  }
0x2: {  	[smem:$0x3F93] =	sst lr;
	_ =	strace $0xD0000000  }
0x3: {  	_ = 	snop  }
0x4: {  	_ = 	snop  }
0x5: {  	_ = 	snop  }
0x6: {  	_ = 	snop  }
0x7: {  	_ = 	snop  }
__scs_overlays_trampoline_lowered:
0x8: {  	[smem:$0x3FA2] =	sst s0  }
0x9: {  	[smem:$0x3FA3] =	sst s1  }
0xa: {  	[smem:$0x3FA4] =	sst s2  }
0xb: {  	[smem:$0x3FA5] =	sst s3  }
0xc: {  	[smem:$0x3FA6] =	sst s4  }
0xd: {  	[smem:$0x3FA7] =	sst s5  }
0xe: {  	[smem:$0x3FA8] =	sst s6  }
0xf: {  	[smem:$0x3FA9] =	sst s7  }
0x10: {  	[smem:$0x3FAA] =	sst s8  }
0x11: {  	[smem:$0x3FAB] =	sst s9;
	s0 =	simm.s32 @!p0 $0x0  }
0x12: {  	s1 =	sld [smem:$0x3F91];
	s0 =	simm.s32 @p0 $0x1  }
0x13: {  	[smem:$0x3FAC] =	sst s0;
	s0 =	simm.s32 @!p1 $0x0  }
0x14: {  	s2 =	sld [smem:$0x3F90];
	s0 =	simm.s32 @p1 $0x1  }
0x15: {  	[smem:$0x3FAD] =	sst s0;
	s0 =	simm.s32 @!p2 $0x0  }
0x16: {  	s3 =	sld [smem:$0x3FDB];
	s0 =	simm.s32 @p2 $0x1  }
0x17: {  	s4 =	simm.s32 $0x1BF5;
	[smem:$0x3FAF] =	sst s0  }
0x18: {  	s0 =	sld [smem:$0x3F92];
	_ =	swait.ge [sflag:s4], $0x0  }
0x19: {  	s7 =	sld [smem:$0x3F93]  }
0x1a: {  	s8 =	sadd.s32 $0xFFFFE003, lr  }
0x1b: {  	s9 =	sadd.s32 $0xFFFFFEF7, lr;
	s5 =	simm.s32 $0xFFFFFFFF;
	p2 =	slt.u32 s8, $0xFFFFF086  }
0x1c: {  	p1 =	slt.u32 s9, $0xF7A;
	s5 =	simm.s32 @!p2 $0x0  }
0x1d: {  	s5 =	simm.s32 @p1 $0x1;
	p0 =	seq.s32 s7, s2  }
0x1e: {  	s7 =	smul.u32 @!p0 $0xF7A, s2;
	p2 =	seq.s32 @!p0 s5, $0x0  }
0x1f: {  	s9 =	smul.u32 $0xF7A, s1;
	s8 =	simm.s32 @!p0 $0x1BF5;
	p2 =	por !p2, p0  }
0x20: {  	[sflag:s8] =	ssyncset.s32 @!p0 $0xFFFFF086;
	s6 =	sadd.s32 @!p0 s3, s7;
	s7 =	simm.s32 @!p0 $0x108  }
0x21: {  	s3 =	sadd.s32 s3, s9;
	s6 =	sadd.s32 @!p0 $0x88, s6;
	s7 =	simm.s32 @p2 $0x1082  }
0x22: {  	[simem:s7], [sflag:s8] =	dma.local @!p0 [hbm:s6], $0xF7A  }
0x23: {  	s9 =	sor.u32 $0xD0000000, s2;
	s6 =	simm.s32 $0x108;
	_ =	swait.ge @!p0 [sflag:s8], $0x0  }
0x24: {  	s3 =	sadd.s32 $0x88, s3;
	s6 =	simm.s32 @!p1 $0x1082;
	[sflag:s4] =	ssyncset.s32 $0xFFFFF086  }
0x25: {  	[simem:s6], [sflag:s4] =	dma.local [hbm:s3], $0xF7A  }
0x26: {  	[smem:$0x3F93] =	sst s1;
	(tag) =	ssettag s2;
	_ =	strace s9  }
0x27: {  	s1 =	sld [smem:$0x3FA3]  }
0x28: {  	s2 =	sld [smem:$0x3FA4]  }
0x29: {  	s4 =	sld [smem:$0x3FA6]  }
0x2a: {  	p0 =	seq.s32 s5, $0x0;
	s5 =	sld [smem:$0x3FA7]  }
0x2b: {  	s6 =	sld [smem:$0x3FA8]  }
0x2c: {  	s7 =	sld [smem:$0x3FA9]  }
0x2d: {  	s3 =	simm.s32 $0x108;
	s8 =	sld [smem:$0x3FAA]  }
0x2e: {  	s3 =	simm.s32 @!p0 $0x1082;
	s9 =	sld [smem:$0x3FAB]  }
0x2f: {  	lr =	sadd.s32 s0, s3;
	s0 =	sld [smem:$0x3FA2]  }
0x30: {  	s3 =	sld [smem:$0x3FA5]  }
0x31: {  	[smem:$0x3FAE] =	sst s10  }
0x32: {  	s10 =	sld [smem:$0x3FAC];
	_ =	sdelay $0x3  }
0x33: {  	p0 =	seq.s32 s10, $0x1;
	s10 =	sld [smem:$0x3FAE];
	_ =	sdelay $0x3  }
0x34: {  	[smem:$0x3FAE] =	sst s10  }
0x35: {  	s10 =	sld [smem:$0x3FAD];
	_ =	sdelay $0x3  }
0x36: {  	p1 =	seq.s32 s10, $0x1;
	s10 =	sld [smem:$0x3FAE];
	_ =	sdelay $0x3  }
0x37: {  	[smem:$0x3FAE] =	sst s10  }
0x38: {  	s10 =	sld [smem:$0x3FAF]  }
0x39: {  	_ = 	snop;
	(pc) =	sbr.ind lr, $3  }
0x3a: {  	_ = 	snop  }
0x3b: {  	_ = 	snop  }
0x3c: {  	p2 =	seq.s32 s10, $0x1;
	s10 =	sld [smem:$0x3FAE]  }
0x3d: {  	_ =	shalt  }
0x3e: {  	_ =	shalt  }
0x3f: {  	_ =	shalt  }
0x40: {  	_ =	shalt  }
0x41: {  	_ =	shalt  }
0x42: {  	_ =	shalt  }
0x43: {  	_ =	shalt  }
0x44: {  	_ =	shalt  }
0x45: {  	_ =	shalt  }
0x46: {  	_ =	shalt  }
0x47: {  	_ =	shalt  }
0x48: {  	_ =	shalt  }
0x49: {  	_ =	shalt  }
0x4a: {  	_ =	shalt  }
0x4b: {  	_ =	shalt  }
0x4c: {  	_ =	shalt  }
0x4d: {  	_ =	shalt  }
0x4e: {  	_ =	shalt  }
0x4f: {  	_ =	shalt  }
0x50: {  	_ =	shalt  }
0x51: {  	_ =	shalt  }
0x52: {  	_ =	shalt  }
0x53: {  	_ =	shalt  }
0x54: {  	_ =	shalt  }
0x55: {  	_ =	shalt  }
0x56: {  	_ =	shalt  }
0x57: {  	_ =	shalt  }
0x58: {  	_ =	shalt  }
0x59: {  	_ =	shalt  }
0x5a: {  	_ =	shalt  }
0x5b: {  	_ =	shalt  }
0x5c: {  	_ =	shalt  }
0x5d: {  	_ =	shalt  }
0x5e: {  	_ =	shalt  }
0x5f: {  	_ =	shalt  }
0x60: {  	_ =	shalt  }
0x61: {  	_ =	shalt  }
0x62: {  	_ =	shalt  }
0x63: {  	_ =	shalt  }
0x64: {  	_ =	shalt  }
0x65: {  	_ =	shalt  }
0x66: {  	_ =	shalt  }
0x67: {  	_ =	shalt  }
0x68: {  	_ =	shalt  }
0x69: {  	_ =	shalt  }
0x6a: {  	_ =	shalt  }
0x6b: {  	_ =	shalt  }
0x6c: {  	_ =	shalt  }
0x6d: {  	_ =	shalt  }
0x6e: {  	_ =	shalt  }
0x6f: {  	_ =	shalt  }
0x70: {  	_ =	shalt  }
0x71: {  	_ =	shalt  }
0x72: {  	_ =	shalt  }
0x73: {  	_ =	shalt  }
0x74: {  	_ =	shalt  }
0x75: {  	_ =	shalt  }
0x76: {  	_ =	shalt  }
0x77: {  	_ =	shalt  }
0x78: {  	_ =	shalt  }
0x79: {  	_ =	shalt  }
0x7a: {  	_ =	shalt  }
0x7b: {  	_ =	shalt  }
0x7c: {  	_ =	shalt  }
0x7d: {  	_ =	shalt  }
0x7e: {  	_ =	shalt  }
0x7f: {  	_ =	shalt  }
0x80: {  	_ =	shalt  }
0x81: {  	_ =	shalt  }
0x82: {  	_ =	shalt  }
0x83: {  	_ =	shalt  }
0x84: {  	_ =	shalt  }
0x85: {  	_ =	shalt  }
0x86: {  	_ =	shalt  }
0x87: {  	_ =	shalt  }
.Lfunc_end0:
.L_simem_size_0:
called_computation.1_lowered:
.L_overlay_start_0:
0x88: {  	s2 =	sld [smem:$0x3FD9]  }
0x89: {  	s3 =	sld [smem:$0x3FFE];
	_ =	sdelay $0x1  }
0x8a: {  	s1 =	srdreg.scid  }
0x8b: {  	s0 =	sand.u32 $0x1, s1  }
0x8c: {  	s16 =	sshll.u32 s0, $0xA;
	s2 =	sadd.s32 s3, s2  }
0x8d: {  	s2 =	sadd.s32 s2, s16  }
0x8e: {  	[smem:$0x3FBA] =	sst s2  }
0x8f: {  	_ = 	snop  }
0x90: {  	(tm) =	ssettm $0x1  }
0x91: {  	s17 =	sld [smem:$0x3FFB];
	_ =	sdelay $0x3  }
0x92: {  	_ =	strace s17  }
0x93: {  	s2 =	sld [smem:$0x3FFC];
	_ =	sdelay $0x3  }
0x94: {  	_ =	strace s2  }
0x95: {  	s2 =	sld [smem:$0x3FFD];
	_ =	sdelay $0x3  }
0x96: {  	_ =	strace s2  }
0x97: {  	_ =	strace $0x8FFFFFFF  }
0x98: {  	s18 =	sld [smem:$0x3FDB];
	_ =	sdelay $0x1  }
0x99: {  	s19 =	simm.s32 $_scs_section_size  }
0x9a: {  	s4 =	simm.s32 $_size__tile_overlayer_lowered;
	s5 =	simm.s32 $_tile_overlayer_lowered  }
0x9b: {  	s22 =	simm.s32 $0x1BFF;
	s21 =	sshll.u32 s5, $0x1;
	s2 =	sadd.s32 s19, s18  }
0x9c: {  	s6 =	simm.s32 $0x0;
	s20 =	sshll.u32 s4, $0x1;
	s4 =	sadd.s32 s21, s2  }
0x9d: {  	[timem:s6], [sflag:s22] =	dma.local [hbm:s4], s20  }
0x9e: {  	_ =	swait.ge [sflag:s22], s20  }
0x9f: {  	s3 =	ssub.s32 $0x0, s20;
	[sflag:s22] =	ssyncset.done $0x0  }
0xa0: {  	[sflag:s22] =	ssyncadd.s32 s3;
	_ =	sdelay $0x1  }
0xa1: {  	s23 =	simm.s32 $0x1B8B  }
0xa2: {  	_ =	swait.ge [sflag:s23], $0x1  }
0xa3: {  	[sflag:s23] =	ssyncset.done $0x0  }
0xa4: {  	s25 =	simm.s32 $0x1B8E;
	s24 =	sld [smem:$0x3FFE];
	[sflag:s23] =	ssyncadd.s32 $0xFFFFFFFF  }
0xa5: {  	s26 =	simm.s32 $execute0_lowered;
	[smem:$0x3FD2] =	sst s25  }
0xa6: {  	s4 =	sshll.u32 s26, $0x1;
	_ =	strace $0x80000049;
	[dreg:$0x1] =	wrdreg $0xFFFFFFFF  }
0xa7: {  	s28 =	simm.s32 $_size_execute0_lowered;
	s2 =	sadd.s32 s2, s4;
	[dreg:$0x0] =	wrdreg $0x0  }
0xa8: {  	s4 =	sshll.u32 s28, $0x1;
	[dreg:$0x2] =	wrdreg s2  }
0xa9: {  	[dreg:$0x3] =	wrdreg s4  }
0xaa: {  	[dreg:$0x4] =	wrdreg $0xC0  }
0xab: {  	_ =	task [dreg:s6], $0x5FFFF  }
0xac: {  	[dreg:$0x1] =	wrdreg $0xFFFFFFFF  }
0xad: {  	[dreg:$0x0] =	wrdreg $0x60  }
0xae: {  	[dreg:$0x2] =	wrdreg s24  }
0xaf: {  	[dreg:$0x3] =	wrdreg $0x90000  }
0xb0: {  	[dreg:$0x4] =	wrdreg $0x9  }
0xb1: {  	_ =	task.clear_ibuf [dreg:s6], $0x5FFFF;
	_ =	strace $0x90000049  }
0xb2: {  	s29 =	simm.s32 $0x9;
	_ =	strace $0x8000004B  }
0xb3: {  	_ =	swait.ge [sflag:s29], $0x1  }
0xb4: {  	[sflag:s29] =	ssyncadd.s32 $0xFFFFFFFF  }
0xb5: {  	_ =	strace $0x9000004B  }
0xb6: {  	_ =	sfence  }
0xb7: {  	s30 =	sld [smem:$0x0];
	_ =	sdelay $0x2  }
0xb8: {  	s31 =	sshll.u32 s1, $0xD;
	s1 =	sshrl.u32 s1, $0x2  }
0xb9: {  	s3 =	sand.u32 $0x4000, s31;
	s1 =	sadd.s32 s1, s30  }
0xba: {  	s0 =	sor.u32 s3, s0;
	s1 =	sshll.u32 s1, $0x11  }
0xbb: {  	s0 =	sor.u32 s1, s0  }
0xbc: {  	s0 =	sadd.s32 $0x8F2B, s0  }
0xbd: {  	[sflag:s0] =	ssyncadd.remote.s32 $0x1  }
0xbe: {  	_ =	sfence.sel $0xFFFF  }
0xbf: {  	[dreg:$0x0] =	wrdreg $0xFFFFFFFF;
	(pc) =	sbr.abs _section_cstart, $3  }
0xc0: {  	[dreg:$0x1] =	wrdreg $0xFFFFFFFF  }
0xc1: {  	_ =	task.clear_ibuf [dreg:s6], $0x2FFFF;
	_ =	strace $0x9FFFFFFF  }
0xc2: {  	(tm) =	ssettm $0x7FFFFFFF  }
0xc3: {  	_ =	shalt  }
tec
execute0_lowered:
.L_overlay_start_1:
0x0: {  	(tag) =	ssettag $0x1  }
0x1: {  	s0 =	rddreg [dreg:$0x0]  }
0x2: {  	s2 =	rddreg [dreg:$0x1]  }
0x3: {  	s9 =	stileid.u32;
	s3 =	simm.s32 $0x0;
	s6 =	srdreg.scid  }
0x4: {  	s17 =	simm.s32 $0x5;
	s18 =	simm.s32 $0x800;
	s19 =	simm.s32 $0x80  }
0x5: {  	s20 =	simm.s32 $0x1000;
	s21 =	simm.s32 $0x1;
	s28 =	simm.s32 $0x4  }
0x6: {  	s15 =	simm.s32 $0x180;
	s29 =	simm.s32 $0x900;
	s30 =	simm.s32 $0x200  }
0x7: {  	s13 =	simm.s32 $0xB00;
	s11 =	simm.s32 $0x0;
	s1 =	smul.u32 $0xA00, s9  }
0x8: {  	[smem:$0x7FF] =	sst s3;
	s4 =	sadd.s32 $0x22400, s0;
	s5 =	sadd.s32 $0x4A400, s0  }
0x9: {  	s6 =	sand.u32 $0x1, s6;
	s7 =	sadd.s32 $0x72400, s0;
	s8 =	smul.u32 $0x4F000, s9  }
0xa: {  	s10 =	smul.u32 $0x2780, s9;
	s31 =	sshll.u32 s9, $0x6;
	s9 =	simm.s32 $0xA00  }
0xb: {  	_ =	strace $0x8000004A;
	[dreg:$0x3] =	wrdreg s7;
	s22 =	ssub.s32 $0x2, s6  }
0xc: {  	p0 =	seq.s32 s6, $0x1;
	[dreg:$0x9] =	wrdreg s31;
	s7 =	simm.s32 $0x380  }
0xd: {  	s1 =	sadd.s32 s1, s0;
	s0 =	sadd.s32 $0x99C00, s0;
	s23 =	sshrl.u32 s22, $0x1  }
0xe: {  	s24 =	sshrl.u32 s8, $0x2;
	s25 =	sadd.s32 s4, s10;
	[dreg:$0x5] =	wrdreg s10  }
0xf: {  	s26 =	sadd.s32 s5, s10;
	s10 =	simm.s32 $0x300;
	[dreg:$0x4] =	wrdreg s0  }
0x10: {  	s0 =	ssub.s32 s22, s23;
	s6 =	sadd.s32 s24, s2;
	[dreg:$0x6] =	wrdreg s25  }
0x11: {  	[dreg:$0x7] =	wrdreg s26;
	s12 =	sadd.s32 $0xD800, s1;
	s14 =	sadd.s32 $0x17800, s1  }
.Ltmp0:
0x12: {  	s22 =	simm.s32 $0x5000;
	s23 =	simm.s32 $0x2;
	(pc) =	sbr.rel .LBB2_1-.Ltmp0, $4  }
0x13: {  	s24 =	simm.s32 $0x3;
	s25 =	simm.s32 $0x100;
	s0 =	smax.u32 s0, $0x1  }
0x14: {  	s26 =	simm.s32 $0x880;
	s16 =	sshrl.u32 s6, $0x3;
	[dreg:$0x8] =	wrdreg s0  }
0x15: {  	s1 =	simm.s32 $0x280;
	s0 =	sor.u32 $0x1C05, s31;
	[dreg:$0xb] =	wrdreg s16  }
0x16: {  	s6 =	simm.s32 $0xA80;
	[dreg:$0xa] =	wrdreg s0;
	s0 =	simm.s32 $0x980  }
.LBB2_7:
0x17: {  	s8 =	sadd.s32 s15, s14;
	[sflag:s28] =	ssyncadd.s32 $0xFFFFC000  }
0x18: {  	[tilespmem:s3], [sflag:$0x5] =	stream.linear.gather [hbm4b:s8+s3], $0x800, $0x38;
	[tilespmem:$0x1CC00] =	vst v63  }
0x19: {  	_ =	swait.ge [sflag:s17], $0x800  }
0x1a: {  	[sflag:s17] =	ssyncset.done $0x0  }
0x1b: {  	s16 =	sadd.s32 s15, s12;
	[sflag:s17] =	ssyncadd.s32 $0xFFFFF800  }
0x1c: {  	[tilespmem:s18], [sflag:$0x5] =	stream.linear.gather [hbm4b:s16+s3], $0x800, $0x38;
	[tilespmem:$0x1CC00] =	vst v63  }
0x1d: {  	_ =	swait.ge [sflag:s17], $0x800  }
0x1e: {  	[sflag:s17] =	ssyncset.done $0x0  }
0x1f: {  	[sflag:s17] =	ssyncadd.s32 $0xFFFFF800  }
0x20: {  	[tilespmem:s20], [sflag:$0x1] =	stream.indirect.gather [hbm4b:s5+s19], $0x80, s3, s19, $0xb8;
	[tilespmem:$0x1CC00] =	vst v63  }
0x21: {  	_ =	swait.ge [sflag:s21], $0x4000  }
0x22: {  	[sflag:s21] =	ssyncset.done $0x0  }
0x23: {  	[sflag:s21] =	ssyncadd.s32 $0xFFFFC000  }
0x24: {  	[tilespmem:s22], [sflag:$0x2] =	stream.indirect.gather [hbm4b:s5+s19], $0x80, s19, s19, $0xb8;
	[tilespmem:$0x1CC00] =	vst v63  }
0x25: {  	_ = 	snop  }
0x26: {  	[spmem:s2] =	stream.indirect.scatter.add.f32 [tilespmem:s20], [sflag:$0x3], $0x80, s18, s19, $0xb8;
	[tilespmem:$0x1CC00] =	vst v63  }
0x27: {  	_ =	swait.ge [sflag:s23], $0x4000  }
0x28: {  	[sflag:s23] =	ssyncset.done $0x0  }
0x29: {  	[sflag:s23] =	ssyncadd.s32 $0xFFFFC000  }
0x2a: {  	_ =	swait.ge [sflag:s24], $0x4000  }
0x2b: {  	[sflag:s24] =	ssyncset.done $0x0  }
0x2c: {  	[sflag:s24] =	ssyncadd.s32 $0xFFFFC000  }
0x2d: {  	[tilespmem:s20], [sflag:$0x1] =	stream.indirect.gather [hbm4b:s5+s19], $0x80, s25, s19, $0xb8;
	[tilespmem:$0x1CC00] =	vst v63  }
0x2e: {  	_ = 	snop  }
0x2f: {  	[spmem:s2] =	stream.indirect.scatter.add.f32 [tilespmem:s22], [sflag:$0x4], $0x80, s26, s19, $0xb8;
	[tilespmem:$0x1CC00] =	vst v63  }
0x30: {  	_ =	swait.ge [sflag:s21], $0x4000  }
0x31: {  	[sflag:s21] =	ssyncset.done $0x0  }
0x32: {  	[sflag:s21] =	ssyncadd.s32 $0xFFFFC000  }
0x33: {  	_ =	swait.ge [sflag:s28], $0x4000  }
0x34: {  	[sflag:s28] =	ssyncset.done $0x0  }
0x35: {  	s15 =	simm.s32 $0x180;
	[sflag:s28] =	ssyncadd.s32 $0xFFFFC000  }
0x36: {  	[tilespmem:s22], [sflag:$0x2] =	stream.indirect.gather [hbm4b:s5+s19], $0x80, s15, s19, $0xb8;
	[tilespmem:$0x1CC00] =	vst v63  }
0x37: {  	s16 =	simm.s32 $0x900  }
0x38: {  	[spmem:s2] =	stream.indirect.scatter.add.f32 [tilespmem:s20], [sflag:$0x3], $0x80, s16, s19, $0xb8;
	[tilespmem:$0x1CC00] =	vst v63  }
0x39: {  	_ =	swait.ge [sflag:s23], $0x4000  }
0x3a: {  	[sflag:s23] =	ssyncset.done $0x0  }
0x3b: {  	[sflag:s23] =	ssyncadd.s32 $0xFFFFC000  }
0x3c: {  	_ =	swait.ge [sflag:s24], $0x4000  }
0x3d: {  	[sflag:s24] =	ssyncset.done $0x0  }
0x3e: {  	s15 =	simm.s32 $0x200;
	[sflag:s24] =	ssyncadd.s32 $0xFFFFC000  }
0x3f: {  	[tilespmem:s20], [sflag:$0x1] =	stream.indirect.gather [hbm4b:s5+s19], $0x80, s15, s19, $0xb8;
	[tilespmem:$0x1CC00] =	vst v63  }
0x40: {  	s16 =	simm.s32 $0x980  }
0x41: {  	[spmem:s2] =	stream.indirect.scatter.add.f32 [tilespmem:s22], [sflag:$0x4], $0x80, s16, s19, $0xb8;
	[tilespmem:$0x1CC00] =	vst v63  }
0x42: {  	_ =	swait.ge [sflag:s21], $0x4000  }
0x43: {  	[sflag:s21] =	ssyncset.done $0x0  }
0x44: {  	[sflag:s21] =	ssyncadd.s32 $0xFFFFC000  }
0x45: {  	_ =	swait.ge [sflag:s28], $0x4000  }
0x46: {  	[sflag:s28] =	ssyncset.done $0x0  }
0x47: {  	s15 =	simm.s32 $0x280;
	[sflag:s28] =	ssyncadd.s32 $0xFFFFC000  }
0x48: {  	[tilespmem:s22], [sflag:$0x2] =	stream.indirect.gather [hbm4b:s5+s19], $0x80, s15, s19, $0xb8;
	[tilespmem:$0x1CC00] =	vst v63  }
0x49: {  	s16 =	simm.s32 $0xA00  }
0x4a: {  	[spmem:s2] =	stream.indirect.scatter.add.f32 [tilespmem:s20], [sflag:$0x3], $0x80, s16, s19, $0xb8;
	[tilespmem:$0x1CC00] =	vst v63  }
0x4b: {  	_ =	swait.ge [sflag:s23], $0x4000  }
0x4c: {  	[sflag:s23] =	ssyncset.done $0x0  }
0x4d: {  	[sflag:s23] =	ssyncadd.s32 $0xFFFFC000  }
0x4e: {  	_ =	swait.ge [sflag:s24], $0x4000  }
0x4f: {  	[sflag:s24] =	ssyncset.done $0x0  }
0x50: {  	s15 =	simm.s32 $0x300;
	[sflag:s24] =	ssyncadd.s32 $0xFFFFC000  }
0x51: {  	[tilespmem:s20], [sflag:$0x1] =	stream.indirect.gather [hbm4b:s5+s19], $0x80, s15, s19, $0xb8;
	[tilespmem:$0x1CC00] =	vst v63  }
0x52: {  	s16 =	simm.s32 $0xA80  }
0x53: {  	[spmem:s2] =	stream.indirect.scatter.add.f32 [tilespmem:s22], [sflag:$0x4], $0x80, s16, s19, $0xb8;
	[tilespmem:$0x1CC00] =	vst v63  }
0x54: {  	_ =	swait.ge [sflag:s21], $0x4000  }
0x55: {  	[sflag:s21] =	ssyncset.done $0x0  }
0x56: {  	[sflag:s21] =	ssyncadd.s32 $0xFFFFC000  }
0x57: {  	_ =	swait.ge [sflag:s28], $0x4000  }
0x58: {  	[sflag:s28] =	ssyncset.done $0x0  }
0x59: {  	s15 =	simm.s32 $0x380;
	[sflag:s28] =	ssyncadd.s32 $0xFFFFC000  }
0x5a: {  	[tilespmem:s22], [sflag:$0x2] =	stream.indirect.gather [hbm4b:s5+s19], $0x80, s15, s19, $0xb8;
	[tilespmem:$0x1CC00] =	vst v63  }
0x5b: {  	s16 =	simm.s32 $0xB00  }
0x5c: {  	[spmem:s2] =	stream.indirect.scatter.add.f32 [tilespmem:s20], [sflag:$0x3], $0x80, s16, s19, $0xb8;
	[tilespmem:$0x1CC00] =	vst v63  }
0x5d: {  	_ =	swait.ge [sflag:s23], $0x4000  }
0x5e: {  	[sflag:s23] =	ssyncset.done $0x0  }
0x5f: {  	[sflag:s23] =	ssyncadd.s32 $0xFFFFC000  }
0x60: {  	_ =	swait.ge [sflag:s24], $0x4000  }
0x61: {  	[sflag:s24] =	ssyncset.done $0x0  }
0x62: {  	s15 =	simm.s32 $0x400;
	[sflag:s24] =	ssyncadd.s32 $0xFFFFC000  }
0x63: {  	[tilespmem:s20], [sflag:$0x1] =	stream.indirect.gather [hbm4b:s5+s19], $0x80, s15, s19, $0xb8;
	[tilespmem:$0x1CC00] =	vst v63  }
0x64: {  	s16 =	simm.s32 $0xB80  }
0x65: {  	[spmem:s2] =	stream.indirect.scatter.add.f32 [tilespmem:s22], [sflag:$0x4], $0x80, s16, s19, $0xb8;
	[tilespmem:$0x1CC00] =	vst v63  }
0x66: {  	_ =	swait.ge [sflag:s21], $0x4000  }
0x67: {  	[sflag:s21] =	ssyncset.done $0x0  }
0x68: {  	[sflag:s21] =	ssyncadd.s32 $0xFFFFC000  }
0x69: {  	_ =	swait.ge [sflag:s28], $0x4000  }
0x6a: {  	[sflag:s28] =	ssyncset.done $0x0  }
0x6b: {  	[sflag:s28] =	ssyncadd.s32 $0xFFFFC000  }
0x6c: {  	[tilespmem:s22], [sflag:$0x2] =	stream.indirect.gather [hbm4b:s5+s19], $0x80, s11, s19, $0xb8;
	[tilespmem:$0x1CC00] =	vst v63  }
0x6d: {  	_ = 	snop  }
0x6e: {  	[spmem:s2] =	stream.indirect.scatter.add.f32 [tilespmem:s20], [sflag:$0x3], $0x80, s7, s19, $0xb8;
	[tilespmem:$0x1CC00] =	vst v63  }
0x6f: {  	_ =	swait.ge [sflag:s23], $0x4000  }
0x70: {  	[sflag:s23] =	ssyncset.done $0x0  }
0x71: {  	[sflag:s23] =	ssyncadd.s32 $0xFFFFC000  }
0x72: {  	_ =	swait.ge [sflag:s24], $0x4000  }
0x73: {  	[sflag:s24] =	ssyncset.done $0x0  }
0x74: {  	[sflag:s24] =	ssyncadd.s32 $0xFFFFC000  }
0x75: {  	[tilespmem:s20], [sflag:$0x1] =	stream.indirect.gather [hbm4b:s5+s19], $0x80, s13, s19, $0xb8;
	[tilespmem:$0x1CC00] =	vst v63  }
0x76: {  	_ = 	snop  }
0x77: {  	[spmem:s2] =	stream.indirect.scatter.add.f32 [tilespmem:s22], [sflag:$0x4], $0x80, s10, s19, $0xb8;
	[tilespmem:$0x1CC00] =	vst v63  }
0x78: {  	_ =	swait.ge [sflag:s21], $0x4000  }
0x79: {  	[sflag:s21] =	ssyncset.done $0x0  }
0x7a: {  	[sflag:s21] =	ssyncadd.s32 $0xFFFFC000  }
0x7b: {  	_ =	swait.ge [sflag:s28], $0x4000  }
0x7c: {  	[sflag:s28] =	ssyncset.done $0x0  }
0x7d: {  	[sflag:s28] =	ssyncadd.s32 $0xFFFFC000  }
0x7e: {  	[tilespmem:s22], [sflag:$0x2] =	stream.indirect.gather [hbm4b:s5+s19], $0x80, s6, s19, $0xb8;
	[tilespmem:$0x1CC00] =	vst v63  }
0x7f: {  	_ = 	snop  }
0x80: {  	[spmem:s2] =	stream.indirect.scatter.add.f32 [tilespmem:s20], [sflag:$0x3], $0x80, s1, s19, $0xb8;
	[tilespmem:$0x1CC00] =	vst v63  }
0x81: {  	_ =	swait.ge [sflag:s23], $0x4000  }
0x82: {  	[sflag:s23] =	ssyncset.done $0x0  }
0x83: {  	[sflag:s23] =	ssyncadd.s32 $0xFFFFC000  }
0x84: {  	_ =	swait.ge [sflag:s24], $0x4000  }
0x85: {  	[sflag:s24] =	ssyncset.done $0x0  }
0x86: {  	[sflag:s24] =	ssyncadd.s32 $0xFFFFC000  }
0x87: {  	[tilespmem:s20], [sflag:$0x1] =	stream.indirect.gather [hbm4b:s5+s19], $0x80, s9, s19, $0xb8;
	[tilespmem:$0x1CC00] =	vst v63  }
0x88: {  	_ = 	snop  }
0x89: {  	[spmem:s2] =	stream.indirect.scatter.add.f32 [tilespmem:s22], [sflag:$0x4], $0x80, s0, s19, $0xb8;
	[tilespmem:$0x1CC00] =	vst v63  }
0x8a: {  	_ =	swait.ge [sflag:s21], $0x4000  }
0x8b: {  	[sflag:s21] =	ssyncset.done $0x0  }
0x8c: {  	[sflag:s21] =	ssyncadd.s32 $0xFFFFC000  }
0x8d: {  	_ =	swait.ge [sflag:s28], $0x4000  }
0x8e: {  	[sflag:s28] =	ssyncset.done $0x0  }
0x8f: {  	[sflag:s28] =	ssyncadd.s32 $0xFFFFC000  }
0x90: {  	[tilespmem:s22], [sflag:$0x2] =	stream.indirect.gather [hbm4b:s5+s19], $0x80, s31, s19, $0xb8;
	[tilespmem:$0x1CC00] =	vst v63  }
0x91: {  	_ = 	snop  }
0x92: {  	[spmem:s2] =	stream.indirect.scatter.add.f32 [tilespmem:s20], [sflag:$0x3], $0x80, s30, s19, $0xb8;
	[tilespmem:$0x1CC00] =	vst v63  }
0x93: {  	_ =	swait.ge [sflag:s23], $0x4000  }
0x94: {  	[sflag:s23] =	ssyncset.done $0x0  }
0x95: {  	[sflag:s23] =	ssyncadd.s32 $0xFFFFC000  }
0x96: {  	_ =	swait.ge [sflag:s24], $0x4000  }
0x97: {  	[sflag:s24] =	ssyncset.done $0x0  }
0x98: {  	[sflag:s24] =	ssyncadd.s32 $0xFFFFC000  }
0x99: {  	[tilespmem:s20], [sflag:$0x1] =	stream.indirect.gather [hbm4b:s5+s19], $0x80, s29, s19, $0xb8;
	[tilespmem:$0x1CC00] =	vst v63  }
0x9a: {  	s11 =	simm.s32 $0xE80  }
0x9b: {  	[spmem:s2] =	stream.indirect.scatter.add.f32 [tilespmem:s22], [sflag:$0x4], $0x80, s11, s19, $0xb8;
	[tilespmem:$0x1CC00] =	vst v63  }
0x9c: {  	_ =	swait.ge [sflag:s21], $0x4000  }
0x9d: {  	[sflag:s21] =	ssyncset.done $0x0  }
0x9e: {  	[sflag:s21] =	ssyncadd.s32 $0xFFFFC000  }
0x9f: {  	_ =	swait.ge [sflag:s28], $0x4000  }
0xa0: {  	[sflag:s28] =	ssyncset.done $0x0  }
0xa1: {  	s13 =	simm.s32 $0x780;
	[sflag:s28] =	ssyncadd.s32 $0xFFFFC000  }
0xa2: {  	[tilespmem:s22], [sflag:$0x2] =	stream.indirect.gather [hbm4b:s5+s19], $0x80, s13, s19, $0xb8;
	[tilespmem:$0x1CC00] =	vst v63  }
0xa3: {  	s15 =	simm.s32 $0xF00  }
0xa4: {  	[spmem:s2] =	stream.indirect.scatter.add.f32 [tilespmem:s20], [sflag:$0x3], $0x80, s15, s19, $0xb8;
	[tilespmem:$0x1CC00] =	vst v63  }
0xa5: {  	_ =	swait.ge [sflag:s23], $0x4000  }
0xa6: {  	[sflag:s23] =	ssyncset.done $0x0  }
0xa7: {  	s16 =	simm.s32 $0xF80;
	[sflag:s23] =	ssyncadd.s32 $0xFFFFC000  }
0xa8: {  	[spmem:s2] =	stream.indirect.scatter.add.f32 [tilespmem:s22], [sflag:$0x4], $0x80, s16, s19, $0xb8;
	[tilespmem:$0x1CC00] =	vst v63  }
0xa9: {  	_ =	swait.ge [sflag:s24], $0x4000  }
0xaa: {  	s7 =	simm.s32 $0x380;
	[sflag:s24] =	ssyncset.done $0x0  }
0xab: {  	s10 =	simm.s32 $0x300;
	s6 =	simm.s32 $0xA80;
	[sflag:s24] =	ssyncadd.s32 $0xFFFFC000  }
0xac: {  	s1 =	simm.s32 $0x280;
	s9 =	simm.s32 $0xA00;
	_ =	swait.ge [sflag:s28], $0x4000  }
0xad: {  	s0 =	simm.s32 $0x980;
	s30 =	simm.s32 $0x200;
	s8 =	rddreg [dreg:$0x4]  }
0xae: {  	s29 =	simm.s32 $0x900;
	[sflag:s28] =	ssyncset.done $0x0;
	s31 =	rddreg [dreg:$0xa]  }
0xaf: {  	s13 =	simm.s32 $0xB00;
	s11 =	rddreg [dreg:$0xc];
	[sflag:s28] =	ssyncadd.s32 $0xFFFFC000  }
.LBB2_8:
0xb0: {  	s15 =	rddreg [dreg:$0x5];
	[bflag:$0x0] =	sbarrier.arrive $0xFFFF  }
0xb1: {  	s8 =	sadd.s32 s8, s15;
	s16 =	rddreg [dreg:$0xb]  }
0xb2: {  	[hbm:s8], [sflag:s31] =	dma.local [spmem:s16], $0x2780  }
0xb3: {  	_ =	swait.ge [sflag:s17], $0x2780  }
0xb4: {  	s11 =	sadd.s32 $0x1, s11;
	s31 =	rddreg [dreg:$0x8]  }
0xb5: {  	p1 =	sne.s32 s11, s31  }
.Ltmp1:
0xb6: {  	_ = 	snop;
	(pc) =	sbr.rel @!p1 .LBB2_9-.Ltmp1, $3  }
0xb7: {  	_ =	sdelay $0x1  }
0xb8: {  	[sflag:s17] =	ssyncset.done $0x0  }
0xb9: {  	s15 =	simm.s32 $0x180;
	[sflag:s17] =	ssyncadd.s32 $0xFFFFD880  }
.LBB2_1:
.Ltmp2:
0xba: {  	(pc) =	sbr.rel @!p0 .LBB2_2-.Ltmp2, $2  }
0xbb: {  	_ =	sdelay $0x2  }
0xbc: {  	[dreg:$0xc] =	wrdreg s11  }
0xbd: {  	s8 =	rddreg [dreg:$0x7]  }
0xbe: {  	s15 =	rddreg [dreg:$0xa]  }
0xbf: {  	[spmem:s16], [sflag:s15] =	dma.local [hbm:s8], $0x2780  }
0xc0: {  	_ =	swait.ge [sflag:s17], $0x2780  }
0xc1: {  	[sflag:s17] =	ssyncset.done $0x0  }
0xc2: {  	[sflag:s17] =	ssyncadd.s32 $0xFFFFD880  }
0xc3: {  	s15 =	sadd.s32 $0x0, s14;
	[bflag:$0x0] =	sbarrier.arrive $0xFFFF  }
0xc4: {  	[tilespmem:s3], [sflag:$0x5] =	stream.linear.gather [hbm4b:s15+s3], $0x800, $0x38;
	[tilespmem:$0x1CC00] =	vst v63  }
0xc5: {  	_ =	swait.ge [sflag:s17], $0x800  }
0xc6: {  	[sflag:s17] =	ssyncset.done $0x0  }
0xc7: {  	s16 =	sadd.s32 $0x0, s12;
	[sflag:s17] =	ssyncadd.s32 $0xFFFFF800  }
0xc8: {  	[tilespmem:s18], [sflag:$0x5] =	stream.linear.gather [hbm4b:s16+s3], $0x800, $0x38;
	[tilespmem:$0x1CC00] =	vst v63  }
0xc9: {  	_ =	swait.ge [sflag:s17], $0x800  }
0xca: {  	[sflag:s17] =	ssyncset.done $0x0  }
0xcb: {  	[sflag:s17] =	ssyncadd.s32 $0xFFFFF800  }
0xcc: {  	[tilespmem:s20], [sflag:$0x1] =	stream.indirect.gather [hbm4b:s5+s19], $0x80, s3, s19, $0xb8;
	[tilespmem:$0x1CC00] =	vst v63  }
0xcd: {  	_ =	swait.ge [sflag:s21], $0x4000  }
0xce: {  	[sflag:s21] =	ssyncset.done $0x0  }
0xcf: {  	[sflag:s21] =	ssyncadd.s32 $0xFFFFC000  }
0xd0: {  	[tilespmem:s22], [sflag:$0x2] =	stream.indirect.gather [hbm4b:s5+s19], $0x80, s19, s19, $0xb8;
	[tilespmem:$0x1CC00] =	vst v63  }
0xd1: {  	_ = 	snop  }
0xd2: {  	[spmem:s2] =	stream.indirect.scatter.add.f32 [tilespmem:s20], [sflag:$0x3], $0x80, s18, s19, $0xb8;
	[tilespmem:$0x1CC00] =	vst v63  }
0xd3: {  	_ =	swait.ge [sflag:s23], $0x4000  }
0xd4: {  	[sflag:s23] =	ssyncset.done $0x0  }
0xd5: {  	[sflag:s23] =	ssyncadd.s32 $0xFFFFC000  }
0xd6: {  	_ =	swait.ge [sflag:s24], $0x4000  }
0xd7: {  	[sflag:s24] =	ssyncset.done $0x0  }
0xd8: {  	[sflag:s24] =	ssyncadd.s32 $0xFFFFC000  }
0xd9: {  	[tilespmem:s20], [sflag:$0x1] =	stream.indirect.gather [hbm4b:s5+s19], $0x80, s25, s19, $0xb8;
	[tilespmem:$0x1CC00] =	vst v63  }
0xda: {  	_ = 	snop  }
0xdb: {  	[spmem:s2] =	stream.indirect.scatter.add.f32 [tilespmem:s22], [sflag:$0x4], $0x80, s26, s19, $0xb8;
	[tilespmem:$0x1CC00] =	vst v63  }
0xdc: {  	_ =	swait.ge [sflag:s21], $0x4000  }
0xdd: {  	[sflag:s21] =	ssyncset.done $0x0  }
0xde: {  	[sflag:s21] =	ssyncadd.s32 $0xFFFFC000  }
0xdf: {  	_ =	swait.ge [sflag:s28], $0x4000  }
0xe0: {  	[sflag:s28] =	ssyncset.done $0x0  }
0xe1: {  	s0 =	simm.s32 $0x180;
	[sflag:s28] =	ssyncadd.s32 $0xFFFFC000  }
0xe2: {  	[tilespmem:s22], [sflag:$0x2] =	stream.indirect.gather [hbm4b:s5+s19], $0x80, s0, s19, $0xb8;
	[tilespmem:$0x1CC00] =	vst v63  }
0xe3: {  	s31 =	simm.s32 $0x900  }
0xe4: {  	[spmem:s2] =	stream.indirect.scatter.add.f32 [tilespmem:s20], [sflag:$0x3], $0x80, s31, s19, $0xb8;
	[tilespmem:$0x1CC00] =	vst v63  }
0xe5: {  	_ =	swait.ge [sflag:s23], $0x4000  }
0xe6: {  	[sflag:s23] =	ssyncset.done $0x0  }
0xe7: {  	[sflag:s23] =	ssyncadd.s32 $0xFFFFC000  }
0xe8: {  	_ =	swait.ge [sflag:s24], $0x4000  }
0xe9: {  	[sflag:s24] =	ssyncset.done $0x0  }
0xea: {  	s30 =	simm.s32 $0x200;
	[sflag:s24] =	ssyncadd.s32 $0xFFFFC000  }
0xeb: {  	[tilespmem:s20], [sflag:$0x1] =	stream.indirect.gather [hbm4b:s5+s19], $0x80, s30, s19, $0xb8;
	[tilespmem:$0x1CC00] =	vst v63  }
0xec: {  	s29 =	simm.s32 $0x980  }
0xed: {  	[spmem:s2] =	stream.indirect.scatter.add.f32 [tilespmem:s22], [sflag:$0x4], $0x80, s29, s19, $0xb8;
	[tilespmem:$0x1CC00] =	vst v63  }
0xee: {  	_ =	swait.ge [sflag:s21], $0x4000  }
0xef: {  	[sflag:s21] =	ssyncset.done $0x0  }
0xf0: {  	[sflag:s21] =	ssyncadd.s32 $0xFFFFC000  }
0xf1: {  	_ =	swait.ge [sflag:s28], $0x4000  }
0xf2: {  	[sflag:s28] =	ssyncset.done $0x0  }
0xf3: {  	s13 =	simm.s32 $0x280;
	[sflag:s28] =	ssyncadd.s32 $0xFFFFC000  }
0xf4: {  	[tilespmem:s22], [sflag:$0x2] =	stream.indirect.gather [hbm4b:s5+s19], $0x80, s13, s19, $0xb8;
	[tilespmem:$0x1CC00] =	vst v63  }
0xf5: {  	s11 =	simm.s32 $0xA00  }
0xf6: {  	[spmem:s2] =	stream.indirect.scatter.add.f32 [tilespmem:s20], [sflag:$0x3], $0x80, s11, s19, $0xb8;
	[tilespmem:$0x1CC00] =	vst v63  }
0xf7: {  	_ =	swait.ge [sflag:s23], $0x4000  }
0xf8: {  	[sflag:s23] =	ssyncset.done $0x0  }
0xf9: {  	[sflag:s23] =	ssyncadd.s32 $0xFFFFC000  }
0xfa: {  	_ =	swait.ge [sflag:s24], $0x4000  }
0xfb: {  	[sflag:s24] =	ssyncset.done $0x0  }
0xfc: {  	s10 =	simm.s32 $0x300;
	[sflag:s24] =	ssyncadd.s32 $0xFFFFC000  }
0xfd: {  	[tilespmem:s20], [sflag:$0x1] =	stream.indirect.gather [hbm4b:s5+s19], $0x80, s10, s19, $0xb8;
	[tilespmem:$0x1CC00] =	vst v63  }
0xfe: {  	s9 =	simm.s32 $0xA80  }
0xff: {  	[spmem:s2] =	stream.indirect.scatter.add.f32 [tilespmem:s22], [sflag:$0x4], $0x80, s9, s19, $0xb8;
	[tilespmem:$0x1CC00] =	vst v63  }
0x100: {  	_ =	swait.ge [sflag:s21], $0x4000  }
0x101: {  	[sflag:s21] =	ssyncset.done $0x0  }
0x102: {  	[sflag:s21] =	ssyncadd.s32 $0xFFFFC000  }
0x103: {  	_ =	swait.ge [sflag:s28], $0x4000  }
0x104: {  	[sflag:s28] =	ssyncset.done $0x0  }
0x105: {  	s7 =	simm.s32 $0x380;
	[sflag:s28] =	ssyncadd.s32 $0xFFFFC000  }
0x106: {  	[tilespmem:s22], [sflag:$0x2] =	stream.indirect.gather [hbm4b:s5+s19], $0x80, s7, s19, $0xb8;
	[tilespmem:$0x1CC00] =	vst v63  }
0x107: {  	s6 =	simm.s32 $0xB00  }
0x108: {  	[spmem:s2] =	stream.indirect.scatter.add.f32 [tilespmem:s20], [sflag:$0x3], $0x80, s6, s19, $0xb8;
	[tilespmem:$0x1CC00] =	vst v63  }
0x109: {  	_ =	swait.ge [sflag:s23], $0x4000  }
0x10a: {  	[sflag:s23] =	ssyncset.done $0x0  }
0x10b: {  	[sflag:s23] =	ssyncadd.s32 $0xFFFFC000  }
0x10c: {  	_ =	swait.ge [sflag:s24], $0x4000  }
0x10d: {  	[sflag:s24] =	ssyncset.done $0x0  }
0x10e: {  	s1 =	simm.s32 $0x400;
	[sflag:s24] =	ssyncadd.s32 $0xFFFFC000  }
0x10f: {  	[tilespmem:s20], [sflag:$0x1] =	stream.indirect.gather [hbm4b:s5+s19], $0x80, s1, s19, $0xb8;
	[tilespmem:$0x1CC00] =	vst v63  }
0x110: {  	s13 =	simm.s32 $0xB80  }
0x111: {  	[spmem:s2] =	stream.indirect.scatter.add.f32 [tilespmem:s22], [sflag:$0x4], $0x80, s13, s19, $0xb8;
	[tilespmem:$0x1CC00] =	vst v63  }
0x112: {  	_ =	swait.ge [sflag:s21], $0x4000  }
0x113: {  	[sflag:s21] =	ssyncset.done $0x0  }
0x114: {  	[sflag:s21] =	ssyncadd.s32 $0xFFFFC000  }
0x115: {  	_ =	swait.ge [sflag:s28], $0x4000  }
0x116: {  	[sflag:s28] =	ssyncset.done $0x0  }
0x117: {  	s11 =	simm.s32 $0x480;
	[sflag:s28] =	ssyncadd.s32 $0xFFFFC000  }
0x118: {  	[tilespmem:s22], [sflag:$0x2] =	stream.indirect.gather [hbm4b:s5+s19], $0x80, s11, s19, $0xb8;
	[tilespmem:$0x1CC00] =	vst v63  }
0x119: {  	s7 =	simm.s32 $0xC00  }
0x11a: {  	[spmem:s2] =	stream.indirect.scatter.add.f32 [tilespmem:s20], [sflag:$0x3], $0x80, s7, s19, $0xb8;
	[tilespmem:$0x1CC00] =	vst v63  }
0x11b: {  	_ =	swait.ge [sflag:s23], $0x4000  }
0x11c: {  	[sflag:s23] =	ssyncset.done $0x0  }
0x11d: {  	[sflag:s23] =	ssyncadd.s32 $0xFFFFC000  }
0x11e: {  	_ =	swait.ge [sflag:s24], $0x4000  }
0x11f: {  	[sflag:s24] =	ssyncset.done $0x0  }
0x120: {  	s13 =	simm.s32 $0x500;
	[sflag:s24] =	ssyncadd.s32 $0xFFFFC000  }
0x121: {  	[tilespmem:s20], [sflag:$0x1] =	stream.indirect.gather [hbm4b:s5+s19], $0x80, s13, s19, $0xb8;
	[tilespmem:$0x1CC00] =	vst v63  }
0x122: {  	s10 =	simm.s32 $0xC80  }
0x123: {  	[spmem:s2] =	stream.indirect.scatter.add.f32 [tilespmem:s22], [sflag:$0x4], $0x80, s10, s19, $0xb8;
	[tilespmem:$0x1CC00] =	vst v63  }
0x124: {  	_ =	swait.ge [sflag:s21], $0x4000  }
0x125: {  	[sflag:s21] =	ssyncset.done $0x0  }
0x126: {  	[sflag:s21] =	ssyncadd.s32 $0xFFFFC000  }
0x127: {  	_ =	swait.ge [sflag:s28], $0x4000  }
0x128: {  	[sflag:s28] =	ssyncset.done $0x0  }
0x129: {  	s6 =	simm.s32 $0x580;
	[sflag:s28] =	ssyncadd.s32 $0xFFFFC000  }
0x12a: {  	[tilespmem:s22], [sflag:$0x2] =	stream.indirect.gather [hbm4b:s5+s19], $0x80, s6, s19, $0xb8;
	[tilespmem:$0x1CC00] =	vst v63  }
0x12b: {  	s1 =	simm.s32 $0xD00  }
0x12c: {  	[spmem:s2] =	stream.indirect.scatter.add.f32 [tilespmem:s20], [sflag:$0x3], $0x80, s1, s19, $0xb8;
	[tilespmem:$0x1CC00] =	vst v63  }
0x12d: {  	_ =	swait.ge [sflag:s23], $0x4000  }
0x12e: {  	[sflag:s23] =	ssyncset.done $0x0  }
0x12f: {  	[sflag:s23] =	ssyncadd.s32 $0xFFFFC000  }
0x130: {  	_ =	swait.ge [sflag:s24], $0x4000  }
0x131: {  	[sflag:s24] =	ssyncset.done $0x0  }
0x132: {  	s9 =	simm.s32 $0x600;
	[sflag:s24] =	ssyncadd.s32 $0xFFFFC000  }
0x133: {  	[tilespmem:s20], [sflag:$0x1] =	stream.indirect.gather [hbm4b:s5+s19], $0x80, s9, s19, $0xb8;
	[tilespmem:$0x1CC00] =	vst v63  }
0x134: {  	s0 =	simm.s32 $0xD80  }
0x135: {  	[spmem:s2] =	stream.indirect.scatter.add.f32 [tilespmem:s22], [sflag:$0x4], $0x80, s0, s19, $0xb8;
	[tilespmem:$0x1CC00] =	vst v63  }
0x136: {  	_ =	swait.ge [sflag:s21], $0x4000  }
0x137: {  	[sflag:s21] =	ssyncset.done $0x0  }
0x138: {  	[sflag:s21] =	ssyncadd.s32 $0xFFFFC000  }
0x139: {  	_ =	swait.ge [sflag:s28], $0x4000  }
0x13a: {  	[sflag:s28] =	ssyncset.done $0x0  }
0x13b: {  	s31 =	simm.s32 $0x680;
	[sflag:s28] =	ssyncadd.s32 $0xFFFFC000  }
0x13c: {  	[tilespmem:s22], [sflag:$0x2] =	stream.indirect.gather [hbm4b:s5+s19], $0x80, s31, s19, $0xb8;
	[tilespmem:$0x1CC00] =	vst v63  }
0x13d: {  	s30 =	simm.s32 $0xE00  }
0x13e: {  	[spmem:s2] =	stream.indirect.scatter.add.f32 [tilespmem:s20], [sflag:$0x3], $0x80, s30, s19, $0xb8;
	[tilespmem:$0x1CC00] =	vst v63  }
0x13f: {  	_ =	swait.ge [sflag:s23], $0x4000  }
0x140: {  	[sflag:s23] =	ssyncset.done $0x0  }
0x141: {  	[sflag:s23] =	ssyncadd.s32 $0xFFFFC000  }
0x142: {  	_ =	swait.ge [sflag:s24], $0x4000  }
0x143: {  	[sflag:s24] =	ssyncset.done $0x0  }
0x144: {  	s29 =	simm.s32 $0x700;
	[sflag:s24] =	ssyncadd.s32 $0xFFFFC000  }
0x145: {  	[tilespmem:s20], [sflag:$0x1] =	stream.indirect.gather [hbm4b:s5+s19], $0x80, s29, s19, $0xb8;
	[tilespmem:$0x1CC00] =	vst v63  }
0x146: {  	s15 =	simm.s32 $0xE80  }
0x147: {  	[spmem:s2] =	stream.indirect.scatter.add.f32 [tilespmem:s22], [sflag:$0x4], $0x80, s15, s19, $0xb8;
	[tilespmem:$0x1CC00] =	vst v63  }
0x148: {  	_ =	swait.ge [sflag:s21], $0x4000  }
0x149: {  	[sflag:s21] =	ssyncset.done $0x0  }
0x14a: {  	[sflag:s21] =	ssyncadd.s32 $0xFFFFC000  }
0x14b: {  	_ =	swait.ge [sflag:s28], $0x4000  }
0x14c: {  	[sflag:s28] =	ssyncset.done $0x0  }
0x14d: {  	s16 =	simm.s32 $0x780;
	[sflag:s28] =	ssyncadd.s32 $0xFFFFC000  }
0x14e: {  	[tilespmem:s22], [sflag:$0x2] =	stream.indirect.gather [hbm4b:s5+s19], $0x80, s16, s19, $0xb8;
	[tilespmem:$0x1CC00] =	vst v63  }
0x14f: {  	s25 =	simm.s32 $0xF00  }
0x150: {  	[spmem:s2] =	stream.indirect.scatter.add.f32 [tilespmem:s20], [sflag:$0x3], $0x80, s25, s19, $0xb8;
	[tilespmem:$0x1CC00] =	vst v63  }
0x151: {  	_ =	swait.ge [sflag:s23], $0x4000  }
0x152: {  	[sflag:s23] =	ssyncset.done $0x0  }
0x153: {  	s26 =	simm.s32 $0xF80;
	[sflag:s23] =	ssyncadd.s32 $0xFFFFC000  }
0x154: {  	[spmem:s2] =	stream.indirect.scatter.add.f32 [tilespmem:s22], [sflag:$0x4], $0x80, s26, s19, $0xb8;
	[tilespmem:$0x1CC00] =	vst v63  }
0x155: {  	_ =	swait.ge [sflag:s24], $0x4000  }
0x156: {  	[sflag:s24] =	ssyncset.done $0x0  }
0x157: {  	[sflag:s24] =	ssyncadd.s32 $0xFFFFC000  }
0x158: {  	_ =	swait.ge [sflag:s28], $0x4000  }
0x159: {  	s15 =	simm.s32 $0x100;
	s16 =	simm.s32 $0x200;
	[sflag:s28] =	ssyncset.done $0x0  }
.LBB2_6:
0x15a: {  	s25 =	sadd.s32 s15, s14  }
0x15b: {  	[sflag:s28] =	ssyncadd.s32 $0xFFFFC000;
	s26 =	smov.u32 s16;
	s8 =	sadd.s32 $0x100, s16  }
0x15c: {  	[tilespmem:s3], [sflag:$0x5] =	stream.linear.gather [hbm4b:s25+s3], $0x800, $0x38;
	[tilespmem:$0x1CC00] =	vst v63  }
0x15d: {  	s25 =	simm.s32 $0x100  }
0x15e: {  	p1 =	sne.s32 s16, $0x900;
	_ =	swait.ge [sflag:s17], $0x800  }
0x15f: {  	s16 =	sadd.s32 s15, s12;
	[sflag:s17] =	ssyncset.done $0x0  }
0x160: {  	s15 =	smov.u32 s26;
	s26 =	simm.s32 $0x880;
	[sflag:s17] =	ssyncadd.s32 $0xFFFFF800  }
0x161: {  	[tilespmem:s18], [sflag:$0x5] =	stream.linear.gather [hbm4b:s16+s3], $0x800, $0x38;
	[tilespmem:$0x1CC00] =	vst v63  }
0x162: {  	_ =	swait.ge [sflag:s17], $0x800  }
0x163: {  	[sflag:s17] =	ssyncset.done $0x0  }
0x164: {  	[sflag:s17] =	ssyncadd.s32 $0xFFFFF800  }
0x165: {  	[tilespmem:s20], [sflag:$0x1] =	stream.indirect.gather [hbm4b:s5+s19], $0x80, s3, s19, $0xb8;
	[tilespmem:$0x1CC00] =	vst v63  }
0x166: {  	_ =	swait.ge [sflag:s21], $0x4000  }
0x167: {  	[sflag:s21] =	ssyncset.done $0x0  }
0x168: {  	[sflag:s21] =	ssyncadd.s32 $0xFFFFC000  }
0x169: {  	[tilespmem:s22], [sflag:$0x2] =	stream.indirect.gather [hbm4b:s5+s19], $0x80, s19, s19, $0xb8;
	[tilespmem:$0x1CC00] =	vst v63  }
0x16a: {  	_ = 	snop  }
0x16b: {  	[spmem:s2] =	stream.indirect.scatter.add.f32 [tilespmem:s20], [sflag:$0x3], $0x80, s18, s19, $0xb8;
	[tilespmem:$0x1CC00] =	vst v63  }
0x16c: {  	_ =	swait.ge [sflag:s23], $0x4000  }
0x16d: {  	[sflag:s23] =	ssyncset.done $0x0  }
0x16e: {  	[sflag:s23] =	ssyncadd.s32 $0xFFFFC000  }
0x16f: {  	_ =	swait.ge [sflag:s24], $0x4000  }
0x170: {  	[sflag:s24] =	ssyncset.done $0x0  }
0x171: {  	[sflag:s24] =	ssyncadd.s32 $0xFFFFC000  }
0x172: {  	[tilespmem:s20], [sflag:$0x1] =	stream.indirect.gather [hbm4b:s5+s19], $0x80, s25, s19, $0xb8;
	[tilespmem:$0x1CC00] =	vst v63  }
0x173: {  	_ = 	snop  }
0x174: {  	[spmem:s2] =	stream.indirect.scatter.add.f32 [tilespmem:s22], [sflag:$0x4], $0x80, s26, s19, $0xb8;
	[tilespmem:$0x1CC00] =	vst v63  }
0x175: {  	_ =	swait.ge [sflag:s21], $0x4000  }
0x176: {  	[sflag:s21] =	ssyncset.done $0x0  }
0x177: {  	[sflag:s21] =	ssyncadd.s32 $0xFFFFC000  }
0x178: {  	_ =	swait.ge [sflag:s28], $0x4000  }
0x179: {  	[sflag:s28] =	ssyncset.done $0x0  }
0x17a: {  	s16 =	simm.s32 $0x180;
	[sflag:s28] =	ssyncadd.s32 $0xFFFFC000  }
0x17b: {  	[tilespmem:s22], [sflag:$0x2] =	stream.indirect.gather [hbm4b:s5+s19], $0x80, s16, s19, $0xb8;
	[tilespmem:$0x1CC00] =	vst v63  }
0x17c: {  	s16 =	simm.s32 $0x900  }
0x17d: {  	[spmem:s2] =	stream.indirect.scatter.add.f32 [tilespmem:s20], [sflag:$0x3], $0x80, s16, s19, $0xb8;
	[tilespmem:$0x1CC00] =	vst v63  }
0x17e: {  	_ =	swait.ge [sflag:s23], $0x4000  }
0x17f: {  	[sflag:s23] =	ssyncset.done $0x0  }
0x180: {  	[sflag:s23] =	ssyncadd.s32 $0xFFFFC000  }
0x181: {  	_ =	swait.ge [sflag:s24], $0x4000  }
0x182: {  	[sflag:s24] =	ssyncset.done $0x0  }
0x183: {  	s16 =	simm.s32 $0x200;
	[sflag:s24] =	ssyncadd.s32 $0xFFFFC000  }
0x184: {  	[tilespmem:s20], [sflag:$0x1] =	stream.indirect.gather [hbm4b:s5+s19], $0x80, s16, s19, $0xb8;
	[tilespmem:$0x1CC00] =	vst v63  }
0x185: {  	s16 =	simm.s32 $0x980  }
0x186: {  	[spmem:s2] =	stream.indirect.scatter.add.f32 [tilespmem:s22], [sflag:$0x4], $0x80, s16, s19, $0xb8;
	[tilespmem:$0x1CC00] =	vst v63  }
0x187: {  	_ =	swait.ge [sflag:s21], $0x4000  }
0x188: {  	[sflag:s21] =	ssyncset.done $0x0  }
0x189: {  	[sflag:s21] =	ssyncadd.s32 $0xFFFFC000  }
0x18a: {  	_ =	swait.ge [sflag:s28], $0x4000  }
0x18b: {  	[sflag:s28] =	ssyncset.done $0x0  }
0x18c: {  	s16 =	simm.s32 $0x280;
	[sflag:s28] =	ssyncadd.s32 $0xFFFFC000  }
0x18d: {  	[tilespmem:s22], [sflag:$0x2] =	stream.indirect.gather [hbm4b:s5+s19], $0x80, s16, s19, $0xb8;
	[tilespmem:$0x1CC00] =	vst v63  }
0x18e: {  	s16 =	simm.s32 $0xA00  }
0x18f: {  	[spmem:s2] =	stream.indirect.scatter.add.f32 [tilespmem:s20], [sflag:$0x3], $0x80, s16, s19, $0xb8;
	[tilespmem:$0x1CC00] =	vst v63  }
0x190: {  	_ =	swait.ge [sflag:s23], $0x4000  }
0x191: {  	[sflag:s23] =	ssyncset.done $0x0  }
0x192: {  	[sflag:s23] =	ssyncadd.s32 $0xFFFFC000  }
0x193: {  	_ =	swait.ge [sflag:s24], $0x4000  }
0x194: {  	[sflag:s24] =	ssyncset.done $0x0  }
0x195: {  	s16 =	simm.s32 $0x300;
	[sflag:s24] =	ssyncadd.s32 $0xFFFFC000  }
0x196: {  	[tilespmem:s20], [sflag:$0x1] =	stream.indirect.gather [hbm4b:s5+s19], $0x80, s16, s19, $0xb8;
	[tilespmem:$0x1CC00] =	vst v63  }
0x197: {  	s16 =	simm.s32 $0xA80  }
0x198: {  	[spmem:s2] =	stream.indirect.scatter.add.f32 [tilespmem:s22], [sflag:$0x4], $0x80, s16, s19, $0xb8;
	[tilespmem:$0x1CC00] =	vst v63  }
0x199: {  	_ =	swait.ge [sflag:s21], $0x4000  }
0x19a: {  	[sflag:s21] =	ssyncset.done $0x0  }
0x19b: {  	[sflag:s21] =	ssyncadd.s32 $0xFFFFC000  }
0x19c: {  	_ =	swait.ge [sflag:s28], $0x4000  }
0x19d: {  	[sflag:s28] =	ssyncset.done $0x0  }
0x19e: {  	s16 =	simm.s32 $0x380;
	[sflag:s28] =	ssyncadd.s32 $0xFFFFC000  }
0x19f: {  	[tilespmem:s22], [sflag:$0x2] =	stream.indirect.gather [hbm4b:s5+s19], $0x80, s16, s19, $0xb8;
	[tilespmem:$0x1CC00] =	vst v63  }
0x1a0: {  	s16 =	simm.s32 $0xB00  }
0x1a1: {  	[spmem:s2] =	stream.indirect.scatter.add.f32 [tilespmem:s20], [sflag:$0x3], $0x80, s16, s19, $0xb8;
	[tilespmem:$0x1CC00] =	vst v63  }
0x1a2: {  	_ =	swait.ge [sflag:s23], $0x4000  }
0x1a3: {  	[sflag:s23] =	ssyncset.done $0x0  }
0x1a4: {  	[sflag:s23] =	ssyncadd.s32 $0xFFFFC000  }
0x1a5: {  	_ =	swait.ge [sflag:s24], $0x4000  }
0x1a6: {  	[sflag:s24] =	ssyncset.done $0x0  }
0x1a7: {  	s16 =	simm.s32 $0x400;
	[sflag:s24] =	ssyncadd.s32 $0xFFFFC000  }
0x1a8: {  	[tilespmem:s20], [sflag:$0x1] =	stream.indirect.gather [hbm4b:s5+s19], $0x80, s16, s19, $0xb8;
	[tilespmem:$0x1CC00] =	vst v63  }
0x1a9: {  	s16 =	simm.s32 $0xB80  }
0x1aa: {  	[spmem:s2] =	stream.indirect.scatter.add.f32 [tilespmem:s22], [sflag:$0x4], $0x80, s16, s19, $0xb8;
	[tilespmem:$0x1CC00] =	vst v63  }
0x1ab: {  	_ =	swait.ge [sflag:s21], $0x4000  }
0x1ac: {  	[sflag:s21] =	ssyncset.done $0x0  }
0x1ad: {  	[sflag:s21] =	ssyncadd.s32 $0xFFFFC000  }
0x1ae: {  	_ =	swait.ge [sflag:s28], $0x4000  }
0x1af: {  	[sflag:s28] =	ssyncset.done $0x0  }
0x1b0: {  	[sflag:s28] =	ssyncadd.s32 $0xFFFFC000  }
0x1b1: {  	[tilespmem:s22], [sflag:$0x2] =	stream.indirect.gather [hbm4b:s5+s19], $0x80, s11, s19, $0xb8;
	[tilespmem:$0x1CC00] =	vst v63  }
0x1b2: {  	_ = 	snop  }
0x1b3: {  	[spmem:s2] =	stream.indirect.scatter.add.f32 [tilespmem:s20], [sflag:$0x3], $0x80, s7, s19, $0xb8;
	[tilespmem:$0x1CC00] =	vst v63  }
0x1b4: {  	_ =	swait.ge [sflag:s23], $0x4000  }
0x1b5: {  	[sflag:s23] =	ssyncset.done $0x0  }
0x1b6: {  	[sflag:s23] =	ssyncadd.s32 $0xFFFFC000  }
0x1b7: {  	_ =	swait.ge [sflag:s24], $0x4000  }
0x1b8: {  	[sflag:s24] =	ssyncset.done $0x0  }
0x1b9: {  	[sflag:s24] =	ssyncadd.s32 $0xFFFFC000  }
0x1ba: {  	[tilespmem:s20], [sflag:$0x1] =	stream.indirect.gather [hbm4b:s5+s19], $0x80, s13, s19, $0xb8;
	[tilespmem:$0x1CC00] =	vst v63  }
0x1bb: {  	_ = 	snop  }
0x1bc: {  	[spmem:s2] =	stream.indirect.scatter.add.f32 [tilespmem:s22], [sflag:$0x4], $0x80, s10, s19, $0xb8;
	[tilespmem:$0x1CC00] =	vst v63  }
0x1bd: {  	_ =	swait.ge [sflag:s21], $0x4000  }
0x1be: {  	[sflag:s21] =	ssyncset.done $0x0  }
0x1bf: {  	[sflag:s21] =	ssyncadd.s32 $0xFFFFC000  }
0x1c0: {  	_ =	swait.ge [sflag:s28], $0x4000  }
0x1c1: {  	[sflag:s28] =	ssyncset.done $0x0  }
0x1c2: {  	[sflag:s28] =	ssyncadd.s32 $0xFFFFC000  }
0x1c3: {  	[tilespmem:s22], [sflag:$0x2] =	stream.indirect.gather [hbm4b:s5+s19], $0x80, s6, s19, $0xb8;
	[tilespmem:$0x1CC00] =	vst v63  }
0x1c4: {  	_ = 	snop  }
0x1c5: {  	[spmem:s2] =	stream.indirect.scatter.add.f32 [tilespmem:s20], [sflag:$0x3], $0x80, s1, s19, $0xb8;
	[tilespmem:$0x1CC00] =	vst v63  }
0x1c6: {  	_ =	swait.ge [sflag:s23], $0x4000  }
0x1c7: {  	[sflag:s23] =	ssyncset.done $0x0  }
0x1c8: {  	[sflag:s23] =	ssyncadd.s32 $0xFFFFC000  }
0x1c9: {  	_ =	swait.ge [sflag:s24], $0x4000  }
0x1ca: {  	[sflag:s24] =	ssyncset.done $0x0  }
0x1cb: {  	[sflag:s24] =	ssyncadd.s32 $0xFFFFC000  }
0x1cc: {  	[tilespmem:s20], [sflag:$0x1] =	stream.indirect.gather [hbm4b:s5+s19], $0x80, s9, s19, $0xb8;
	[tilespmem:$0x1CC00] =	vst v63  }
0x1cd: {  	_ = 	snop  }
0x1ce: {  	[spmem:s2] =	stream.indirect.scatter.add.f32 [tilespmem:s22], [sflag:$0x4], $0x80, s0, s19, $0xb8;
	[tilespmem:$0x1CC00] =	vst v63  }
0x1cf: {  	_ =	swait.ge [sflag:s21], $0x4000  }
0x1d0: {  	[sflag:s21] =	ssyncset.done $0x0  }
0x1d1: {  	[sflag:s21] =	ssyncadd.s32 $0xFFFFC000  }
0x1d2: {  	_ =	swait.ge [sflag:s28], $0x4000  }
0x1d3: {  	[sflag:s28] =	ssyncset.done $0x0  }
0x1d4: {  	[sflag:s28] =	ssyncadd.s32 $0xFFFFC000  }
0x1d5: {  	[tilespmem:s22], [sflag:$0x2] =	stream.indirect.gather [hbm4b:s5+s19], $0x80, s31, s19, $0xb8;
	[tilespmem:$0x1CC00] =	vst v63  }
0x1d6: {  	_ = 	snop  }
0x1d7: {  	[spmem:s2] =	stream.indirect.scatter.add.f32 [tilespmem:s20], [sflag:$0x3], $0x80, s30, s19, $0xb8;
	[tilespmem:$0x1CC00] =	vst v63  }
0x1d8: {  	_ =	swait.ge [sflag:s23], $0x4000  }
0x1d9: {  	[sflag:s23] =	ssyncset.done $0x0  }
0x1da: {  	[sflag:s23] =	ssyncadd.s32 $0xFFFFC000  }
0x1db: {  	_ =	swait.ge [sflag:s24], $0x4000  }
0x1dc: {  	[sflag:s24] =	ssyncset.done $0x0  }
0x1dd: {  	[sflag:s24] =	ssyncadd.s32 $0xFFFFC000  }
0x1de: {  	[tilespmem:s20], [sflag:$0x1] =	stream.indirect.gather [hbm4b:s5+s19], $0x80, s29, s19, $0xb8;
	[tilespmem:$0x1CC00] =	vst v63  }
0x1df: {  	s16 =	simm.s32 $0xE80  }
0x1e0: {  	[spmem:s2] =	stream.indirect.scatter.add.f32 [tilespmem:s22], [sflag:$0x4], $0x80, s16, s19, $0xb8;
	[tilespmem:$0x1CC00] =	vst v63  }
0x1e1: {  	_ =	swait.ge [sflag:s21], $0x4000  }
0x1e2: {  	[sflag:s21] =	ssyncset.done $0x0  }
0x1e3: {  	[sflag:s21] =	ssyncadd.s32 $0xFFFFC000  }
0x1e4: {  	_ =	swait.ge [sflag:s28], $0x4000  }
0x1e5: {  	[sflag:s28] =	ssyncset.done $0x0  }
0x1e6: {  	s16 =	simm.s32 $0x780;
	[sflag:s28] =	ssyncadd.s32 $0xFFFFC000  }
0x1e7: {  	[tilespmem:s22], [sflag:$0x2] =	stream.indirect.gather [hbm4b:s5+s19], $0x80, s16, s19, $0xb8;
	[tilespmem:$0x1CC00] =	vst v63  }
0x1e8: {  	s16 =	simm.s32 $0xF00  }
0x1e9: {  	[spmem:s2] =	stream.indirect.scatter.add.f32 [tilespmem:s20], [sflag:$0x3], $0x80, s16, s19, $0xb8;
	[tilespmem:$0x1CC00] =	vst v63  }
0x1ea: {  	_ =	swait.ge [sflag:s23], $0x4000  }
0x1eb: {  	[sflag:s23] =	ssyncset.done $0x0  }
0x1ec: {  	s16 =	simm.s32 $0xF80;
	[sflag:s23] =	ssyncadd.s32 $0xFFFFC000  }
0x1ed: {  	[spmem:s2] =	stream.indirect.scatter.add.f32 [tilespmem:s22], [sflag:$0x4], $0x80, s16, s19, $0xb8;
	[tilespmem:$0x1CC00] =	vst v63  }
.Ltmp3:
0x1ee: {  	_ =	swait.ge [sflag:s24], $0x4000;
	(pc) =	sbr.rel @p1 .LBB2_6-.Ltmp3, $4  }
0x1ef: {  	[sflag:s24] =	ssyncset.done $0x0  }
0x1f0: {  	[sflag:s24] =	ssyncadd.s32 $0xFFFFC000  }
0x1f1: {  	_ =	swait.ge [sflag:s28], $0x4000  }
0x1f2: {  	s16 =	smov.u32 s8;
	[sflag:s28] =	ssyncset.done $0x0  }
.Ltmp4:
0x1f3: {  	_ = 	snop;
	(pc) =	sbr.rel .LBB2_7-.Ltmp4, $1  }
0x1f4: {  	_ =	sdelay $0x3  }
.LBB2_2:
0x1f5: {  	s8 =	rddreg [dreg:$0x9]  }
0x1f6: {  	s11 =	sor.u32 $0x1C05, s8;
	s8 =	rddreg [dreg:$0x6]  }
0x1f7: {  	[dreg:$0xd] =	wrdreg s11  }
0x1f8: {  	[spmem:s16], [sflag:s11] =	dma.local [hbm:s8], $0x2780  }
0x1f9: {  	_ =	swait.ge [sflag:s17], $0x2780  }
0x1fa: {  	[sflag:s17] =	ssyncset.done $0x0  }
0x1fb: {  	[sflag:s17] =	ssyncadd.s32 $0xFFFFD880  }
0x1fc: {  	s16 =	sadd.s32 $0x0, s14;
	[bflag:$0x0] =	sbarrier.arrive $0xFFFF  }
0x1fd: {  	[tilespmem:s3], [sflag:$0x5] =	stream.linear.gather [hbm4b:s16+s3], $0x800, $0x38;
	[tilespmem:$0x1CC00] =	vst v63  }
0x1fe: {  	_ =	swait.ge [sflag:s17], $0x800  }
0x1ff: {  	[sflag:s17] =	ssyncset.done $0x0  }
0x200: {  	s11 =	sadd.s32 $0x0, s12;
	[sflag:s17] =	ssyncadd.s32 $0xFFFFF800  }
0x201: {  	[tilespmem:s18], [sflag:$0x5] =	stream.linear.gather [hbm4b:s11+s3], $0x800, $0x38;
	[tilespmem:$0x1CC00] =	vst v63  }
0x202: {  	_ =	swait.ge [sflag:s17], $0x800  }
0x203: {  	[sflag:s17] =	ssyncset.done $0x0  }
0x204: {  	[sflag:s17] =	ssyncadd.s32 $0xFFFFF800  }
0x205: {  	[tilespmem:s20], [sflag:$0x1] =	stream.indirect.gather [hbm4b:s4+s19], $0x80, s3, s19, $0xb8;
	[tilespmem:$0x1CC00] =	vst v63  }
0x206: {  	_ =	swait.ge [sflag:s21], $0x4000  }
0x207: {  	[sflag:s21] =	ssyncset.done $0x0  }
0x208: {  	[sflag:s21] =	ssyncadd.s32 $0xFFFFC000  }
0x209: {  	[tilespmem:s22], [sflag:$0x2] =	stream.indirect.gather [hbm4b:s4+s19], $0x80, s19, s19, $0xb8;
	[tilespmem:$0x1CC00] =	vst v63  }
0x20a: {  	_ = 	snop  }
0x20b: {  	[spmem:s2] =	stream.indirect.scatter.add.f32 [tilespmem:s20], [sflag:$0x3], $0x80, s18, s19, $0xb8;
	[tilespmem:$0x1CC00] =	vst v63  }
0x20c: {  	_ =	swait.ge [sflag:s23], $0x4000  }
0x20d: {  	[sflag:s23] =	ssyncset.done $0x0  }
0x20e: {  	[sflag:s23] =	ssyncadd.s32 $0xFFFFC000  }
0x20f: {  	_ =	swait.ge [sflag:s24], $0x4000  }
0x210: {  	[sflag:s24] =	ssyncset.done $0x0  }
0x211: {  	[sflag:s24] =	ssyncadd.s32 $0xFFFFC000  }
0x212: {  	[tilespmem:s20], [sflag:$0x1] =	stream.indirect.gather [hbm4b:s4+s19], $0x80, s25, s19, $0xb8;
	[tilespmem:$0x1CC00] =	vst v63  }
0x213: {  	_ = 	snop  }
0x214: {  	[spmem:s2] =	stream.indirect.scatter.add.f32 [tilespmem:s22], [sflag:$0x4], $0x80, s26, s19, $0xb8;
	[tilespmem:$0x1CC00] =	vst v63  }
0x215: {  	_ =	swait.ge [sflag:s21], $0x4000  }
0x216: {  	[sflag:s21] =	ssyncset.done $0x0  }
0x217: {  	[sflag:s21] =	ssyncadd.s32 $0xFFFFC000  }
0x218: {  	_ =	swait.ge [sflag:s28], $0x4000  }
0x219: {  	[sflag:s28] =	ssyncset.done $0x0  }
0x21a: {  	[sflag:s28] =	ssyncadd.s32 $0xFFFFC000  }
0x21b: {  	[tilespmem:s22], [sflag:$0x2] =	stream.indirect.gather [hbm4b:s4+s19], $0x80, s15, s19, $0xb8;
	[tilespmem:$0x1CC00] =	vst v63  }
0x21c: {  	_ = 	snop  }
0x21d: {  	[spmem:s2] =	stream.indirect.scatter.add.f32 [tilespmem:s20], [sflag:$0x3], $0x80, s29, s19, $0xb8;
	[tilespmem:$0x1CC00] =	vst v63  }
0x21e: {  	_ =	swait.ge [sflag:s23], $0x4000  }
0x21f: {  	[sflag:s23] =	ssyncset.done $0x0  }
0x220: {  	[sflag:s23] =	ssyncadd.s32 $0xFFFFC000  }
0x221: {  	_ =	swait.ge [sflag:s24], $0x4000  }
0x222: {  	[sflag:s24] =	ssyncset.done $0x0  }
0x223: {  	[sflag:s24] =	ssyncadd.s32 $0xFFFFC000  }
0x224: {  	[tilespmem:s20], [sflag:$0x1] =	stream.indirect.gather [hbm4b:s4+s19], $0x80, s30, s19, $0xb8;
	[tilespmem:$0x1CC00] =	vst v63  }
0x225: {  	_ = 	snop  }
0x226: {  	[spmem:s2] =	stream.indirect.scatter.add.f32 [tilespmem:s22], [sflag:$0x4], $0x80, s0, s19, $0xb8;
	[tilespmem:$0x1CC00] =	vst v63  }
0x227: {  	_ =	swait.ge [sflag:s21], $0x4000  }
0x228: {  	[sflag:s21] =	ssyncset.done $0x0  }
0x229: {  	[sflag:s21] =	ssyncadd.s32 $0xFFFFC000  }
0x22a: {  	_ =	swait.ge [sflag:s28], $0x4000  }
0x22b: {  	[sflag:s28] =	ssyncset.done $0x0  }
0x22c: {  	[sflag:s28] =	ssyncadd.s32 $0xFFFFC000  }
0x22d: {  	[tilespmem:s22], [sflag:$0x2] =	stream.indirect.gather [hbm4b:s4+s19], $0x80, s1, s19, $0xb8;
	[tilespmem:$0x1CC00] =	vst v63  }
0x22e: {  	_ = 	snop  }
0x22f: {  	[spmem:s2] =	stream.indirect.scatter.add.f32 [tilespmem:s20], [sflag:$0x3], $0x80, s9, s19, $0xb8;
	[tilespmem:$0x1CC00] =	vst v63  }
0x230: {  	_ =	swait.ge [sflag:s23], $0x4000  }
0x231: {  	[sflag:s23] =	ssyncset.done $0x0  }
0x232: {  	[sflag:s23] =	ssyncadd.s32 $0xFFFFC000  }
0x233: {  	_ =	swait.ge [sflag:s24], $0x4000  }
0x234: {  	[sflag:s24] =	ssyncset.done $0x0  }
0x235: {  	[sflag:s24] =	ssyncadd.s32 $0xFFFFC000  }
0x236: {  	[tilespmem:s20], [sflag:$0x1] =	stream.indirect.gather [hbm4b:s4+s19], $0x80, s10, s19, $0xb8;
	[tilespmem:$0x1CC00] =	vst v63  }
0x237: {  	_ = 	snop  }
0x238: {  	[spmem:s2] =	stream.indirect.scatter.add.f32 [tilespmem:s22], [sflag:$0x4], $0x80, s6, s19, $0xb8;
	[tilespmem:$0x1CC00] =	vst v63  }
0x239: {  	_ =	swait.ge [sflag:s21], $0x4000  }
0x23a: {  	[sflag:s21] =	ssyncset.done $0x0  }
0x23b: {  	[sflag:s21] =	ssyncadd.s32 $0xFFFFC000  }
0x23c: {  	_ =	swait.ge [sflag:s28], $0x4000  }
0x23d: {  	[sflag:s28] =	ssyncset.done $0x0  }
0x23e: {  	[sflag:s28] =	ssyncadd.s32 $0xFFFFC000  }
0x23f: {  	[tilespmem:s22], [sflag:$0x2] =	stream.indirect.gather [hbm4b:s4+s19], $0x80, s7, s19, $0xb8;
	[tilespmem:$0x1CC00] =	vst v63  }
0x240: {  	_ = 	snop  }
0x241: {  	[spmem:s2] =	stream.indirect.scatter.add.f32 [tilespmem:s20], [sflag:$0x3], $0x80, s13, s19, $0xb8;
	[tilespmem:$0x1CC00] =	vst v63  }
0x242: {  	_ =	swait.ge [sflag:s23], $0x4000  }
0x243: {  	[sflag:s23] =	ssyncset.done $0x0  }
0x244: {  	[sflag:s23] =	ssyncadd.s32 $0xFFFFC000  }
0x245: {  	_ =	swait.ge [sflag:s24], $0x4000  }
0x246: {  	[sflag:s24] =	ssyncset.done $0x0  }
0x247: {  	s13 =	simm.s32 $0x400;
	[sflag:s24] =	ssyncadd.s32 $0xFFFFC000  }
0x248: {  	[tilespmem:s20], [sflag:$0x1] =	stream.indirect.gather [hbm4b:s4+s19], $0x80, s13, s19, $0xb8;
	[tilespmem:$0x1CC00] =	vst v63  }
0x249: {  	s15 =	simm.s32 $0xB80  }
0x24a: {  	[spmem:s2] =	stream.indirect.scatter.add.f32 [tilespmem:s22], [sflag:$0x4], $0x80, s15, s19, $0xb8;
	[tilespmem:$0x1CC00] =	vst v63  }
0x24b: {  	_ =	swait.ge [sflag:s21], $0x4000  }
0x24c: {  	[sflag:s21] =	ssyncset.done $0x0  }
0x24d: {  	[sflag:s21] =	ssyncadd.s32 $0xFFFFC000  }
0x24e: {  	_ =	swait.ge [sflag:s28], $0x4000  }
0x24f: {  	[sflag:s28] =	ssyncset.done $0x0  }
0x250: {  	s16 =	simm.s32 $0x480;
	[sflag:s28] =	ssyncadd.s32 $0xFFFFC000  }
0x251: {  	[tilespmem:s22], [sflag:$0x2] =	stream.indirect.gather [hbm4b:s4+s19], $0x80, s16, s19, $0xb8;
	[tilespmem:$0x1CC00] =	vst v63  }
0x252: {  	s25 =	simm.s32 $0xC00  }
0x253: {  	[spmem:s2] =	stream.indirect.scatter.add.f32 [tilespmem:s20], [sflag:$0x3], $0x80, s25, s19, $0xb8;
	[tilespmem:$0x1CC00] =	vst v63  }
0x254: {  	_ =	swait.ge [sflag:s23], $0x4000  }
0x255: {  	[sflag:s23] =	ssyncset.done $0x0  }
0x256: {  	[sflag:s23] =	ssyncadd.s32 $0xFFFFC000  }
0x257: {  	_ =	swait.ge [sflag:s24], $0x4000  }
0x258: {  	[sflag:s24] =	ssyncset.done $0x0  }
0x259: {  	s26 =	simm.s32 $0x500;
	[sflag:s24] =	ssyncadd.s32 $0xFFFFC000  }
0x25a: {  	[tilespmem:s20], [sflag:$0x1] =	stream.indirect.gather [hbm4b:s4+s19], $0x80, s26, s19, $0xb8;
	[tilespmem:$0x1CC00] =	vst v63  }
0x25b: {  	s1 =	simm.s32 $0xC80  }
0x25c: {  	[spmem:s2] =	stream.indirect.scatter.add.f32 [tilespmem:s22], [sflag:$0x4], $0x80, s1, s19, $0xb8;
	[tilespmem:$0x1CC00] =	vst v63  }
0x25d: {  	_ =	swait.ge [sflag:s21], $0x4000  }
0x25e: {  	[sflag:s21] =	ssyncset.done $0x0  }
0x25f: {  	[sflag:s21] =	ssyncadd.s32 $0xFFFFC000  }
0x260: {  	_ =	swait.ge [sflag:s28], $0x4000  }
0x261: {  	[sflag:s28] =	ssyncset.done $0x0  }
0x262: {  	s6 =	simm.s32 $0x580;
	[sflag:s28] =	ssyncadd.s32 $0xFFFFC000  }
0x263: {  	[tilespmem:s22], [sflag:$0x2] =	stream.indirect.gather [hbm4b:s4+s19], $0x80, s6, s19, $0xb8;
	[tilespmem:$0x1CC00] =	vst v63  }
0x264: {  	s7 =	simm.s32 $0xD00  }
0x265: {  	[spmem:s2] =	stream.indirect.scatter.add.f32 [tilespmem:s20], [sflag:$0x3], $0x80, s7, s19, $0xb8;
	[tilespmem:$0x1CC00] =	vst v63  }
0x266: {  	_ =	swait.ge [sflag:s23], $0x4000  }
0x267: {  	[sflag:s23] =	ssyncset.done $0x0  }
0x268: {  	[sflag:s23] =	ssyncadd.s32 $0xFFFFC000  }
0x269: {  	_ =	swait.ge [sflag:s24], $0x4000  }
0x26a: {  	[sflag:s24] =	ssyncset.done $0x0  }
0x26b: {  	s8 =	simm.s32 $0x600;
	[sflag:s24] =	ssyncadd.s32 $0xFFFFC000  }
0x26c: {  	[tilespmem:s20], [sflag:$0x1] =	stream.indirect.gather [hbm4b:s4+s19], $0x80, s8, s19, $0xb8;
	[tilespmem:$0x1CC00] =	vst v63  }
0x26d: {  	s9 =	simm.s32 $0xD80  }
0x26e: {  	[spmem:s2] =	stream.indirect.scatter.add.f32 [tilespmem:s22], [sflag:$0x4], $0x80, s9, s19, $0xb8;
	[tilespmem:$0x1CC00] =	vst v63  }
0x26f: {  	_ =	swait.ge [sflag:s21], $0x4000  }
0x270: {  	[sflag:s21] =	ssyncset.done $0x0  }
0x271: {  	[sflag:s21] =	ssyncadd.s32 $0xFFFFC000  }
0x272: {  	_ =	swait.ge [sflag:s28], $0x4000  }
0x273: {  	[sflag:s28] =	ssyncset.done $0x0  }
0x274: {  	s10 =	simm.s32 $0x680;
	[sflag:s28] =	ssyncadd.s32 $0xFFFFC000  }
0x275: {  	[tilespmem:s22], [sflag:$0x2] =	stream.indirect.gather [hbm4b:s4+s19], $0x80, s10, s19, $0xb8;
	[tilespmem:$0x1CC00] =	vst v63  }
0x276: {  	s11 =	simm.s32 $0xE00  }
0x277: {  	[spmem:s2] =	stream.indirect.scatter.add.f32 [tilespmem:s20], [sflag:$0x3], $0x80, s11, s19, $0xb8;
	[tilespmem:$0x1CC00] =	vst v63  }
0x278: {  	_ =	swait.ge [sflag:s23], $0x4000  }
0x279: {  	[sflag:s23] =	ssyncset.done $0x0  }
0x27a: {  	[sflag:s23] =	ssyncadd.s32 $0xFFFFC000  }
0x27b: {  	_ =	swait.ge [sflag:s24], $0x4000  }
0x27c: {  	[sflag:s24] =	ssyncset.done $0x0  }
0x27d: {  	s13 =	simm.s32 $0x700;
	[sflag:s24] =	ssyncadd.s32 $0xFFFFC000  }
0x27e: {  	[tilespmem:s20], [sflag:$0x1] =	stream.indirect.gather [hbm4b:s4+s19], $0x80, s13, s19, $0xb8;
	[tilespmem:$0x1CC00] =	vst v63  }
0x27f: {  	s15 =	simm.s32 $0xE80  }
0x280: {  	[spmem:s2] =	stream.indirect.scatter.add.f32 [tilespmem:s22], [sflag:$0x4], $0x80, s15, s19, $0xb8;
	[tilespmem:$0x1CC00] =	vst v63  }
0x281: {  	_ =	swait.ge [sflag:s21], $0x4000  }
0x282: {  	[sflag:s21] =	ssyncset.done $0x0  }
0x283: {  	[sflag:s21] =	ssyncadd.s32 $0xFFFFC000  }
0x284: {  	_ =	swait.ge [sflag:s28], $0x4000  }
0x285: {  	[sflag:s28] =	ssyncset.done $0x0  }
0x286: {  	s16 =	simm.s32 $0x780;
	[sflag:s28] =	ssyncadd.s32 $0xFFFFC000  }
0x287: {  	[tilespmem:s22], [sflag:$0x2] =	stream.indirect.gather [hbm4b:s4+s19], $0x80, s16, s19, $0xb8;
	[tilespmem:$0x1CC00] =	vst v63  }
0x288: {  	s25 =	simm.s32 $0xF00  }
0x289: {  	[spmem:s2] =	stream.indirect.scatter.add.f32 [tilespmem:s20], [sflag:$0x3], $0x80, s25, s19, $0xb8;
	[tilespmem:$0x1CC00] =	vst v63  }
0x28a: {  	_ =	swait.ge [sflag:s23], $0x4000  }
0x28b: {  	s31 =	simm.s32 $0x200;
	s29 =	simm.s32 $0x180;
	[sflag:s23] =	ssyncset.done $0x0  }
0x28c: {  	s30 =	simm.s32 $0x900;
	s26 =	simm.s32 $0xF80;
	[sflag:s23] =	ssyncadd.s32 $0xFFFFC000  }
0x28d: {  	[spmem:s2] =	stream.indirect.scatter.add.f32 [tilespmem:s22], [sflag:$0x4], $0x80, s26, s19, $0xb8;
	[tilespmem:$0x1CC00] =	vst v63  }
0x28e: {  	s0 =	simm.s32 $0x980;
	s1 =	simm.s32 $0x280;
	_ =	swait.ge [sflag:s24], $0x4000  }
0x28f: {  	s6 =	simm.s32 $0xA80;
	s7 =	simm.s32 $0x380;
	[sflag:s24] =	ssyncset.done $0x0  }
0x290: {  	s8 =	simm.s32 $0x200;
	s9 =	simm.s32 $0xA00;
	[sflag:s24] =	ssyncadd.s32 $0xFFFFC000  }
0x291: {  	s10 =	simm.s32 $0x300;
	s11 =	simm.s32 $0x400;
	_ =	swait.ge [sflag:s28], $0x4000  }
0x292: {  	s13 =	simm.s32 $0xB00;
	s15 =	simm.s32 $0x100;
	[sflag:s28] =	ssyncset.done $0x0  }
.LBB2_3:
0x293: {  	s25 =	sadd.s32 s15, s14  }
0x294: {  	[sflag:s28] =	ssyncadd.s32 $0xFFFFC000;
	s26 =	smov.u32 s8;
	s16 =	sadd.s32 $0x100, s8  }
0x295: {  	[tilespmem:s3], [sflag:$0x5] =	stream.linear.gather [hbm4b:s25+s3], $0x800, $0x38;
	[tilespmem:$0x1CC00] =	vst v63  }
0x296: {  	s25 =	simm.s32 $0x100  }
0x297: {  	p1 =	seq.s32 s8, $0x900;
	_ =	swait.ge [sflag:s17], $0x800  }
0x298: {  	s8 =	sadd.s32 s15, s12;
	[sflag:s17] =	ssyncset.done $0x0  }
0x299: {  	s15 =	smov.u32 s26;
	s26 =	simm.s32 $0x880;
	[sflag:s17] =	ssyncadd.s32 $0xFFFFF800  }
0x29a: {  	[tilespmem:s18], [sflag:$0x5] =	stream.linear.gather [hbm4b:s8+s3], $0x800, $0x38;
	[tilespmem:$0x1CC00] =	vst v63  }
0x29b: {  	_ =	swait.ge [sflag:s17], $0x800  }
0x29c: {  	[sflag:s17] =	ssyncset.done $0x0  }
0x29d: {  	[sflag:s17] =	ssyncadd.s32 $0xFFFFF800  }
0x29e: {  	[tilespmem:s20], [sflag:$0x1] =	stream.indirect.gather [hbm4b:s4+s19], $0x80, s3, s19, $0xb8;
	[tilespmem:$0x1CC00] =	vst v63  }
0x29f: {  	_ =	swait.ge [sflag:s21], $0x4000  }
0x2a0: {  	[sflag:s21] =	ssyncset.done $0x0  }
0x2a1: {  	[sflag:s21] =	ssyncadd.s32 $0xFFFFC000  }
0x2a2: {  	[tilespmem:s22], [sflag:$0x2] =	stream.indirect.gather [hbm4b:s4+s19], $0x80, s19, s19, $0xb8;
	[tilespmem:$0x1CC00] =	vst v63  }
0x2a3: {  	_ = 	snop  }
0x2a4: {  	[spmem:s2] =	stream.indirect.scatter.add.f32 [tilespmem:s20], [sflag:$0x3], $0x80, s18, s19, $0xb8;
	[tilespmem:$0x1CC00] =	vst v63  }
0x2a5: {  	_ =	swait.ge [sflag:s23], $0x4000  }
0x2a6: {  	[sflag:s23] =	ssyncset.done $0x0  }
0x2a7: {  	[sflag:s23] =	ssyncadd.s32 $0xFFFFC000  }
0x2a8: {  	_ =	swait.ge [sflag:s24], $0x4000  }
0x2a9: {  	[sflag:s24] =	ssyncset.done $0x0  }
0x2aa: {  	[sflag:s24] =	ssyncadd.s32 $0xFFFFC000  }
0x2ab: {  	[tilespmem:s20], [sflag:$0x1] =	stream.indirect.gather [hbm4b:s4+s19], $0x80, s25, s19, $0xb8;
	[tilespmem:$0x1CC00] =	vst v63  }
0x2ac: {  	_ = 	snop  }
0x2ad: {  	[spmem:s2] =	stream.indirect.scatter.add.f32 [tilespmem:s22], [sflag:$0x4], $0x80, s26, s19, $0xb8;
	[tilespmem:$0x1CC00] =	vst v63  }
0x2ae: {  	_ =	swait.ge [sflag:s21], $0x4000  }
0x2af: {  	[sflag:s21] =	ssyncset.done $0x0  }
0x2b0: {  	[sflag:s21] =	ssyncadd.s32 $0xFFFFC000  }
0x2b1: {  	_ =	swait.ge [sflag:s28], $0x4000  }
0x2b2: {  	[sflag:s28] =	ssyncset.done $0x0  }
0x2b3: {  	[sflag:s28] =	ssyncadd.s32 $0xFFFFC000  }
0x2b4: {  	[tilespmem:s22], [sflag:$0x2] =	stream.indirect.gather [hbm4b:s4+s19], $0x80, s29, s19, $0xb8;
	[tilespmem:$0x1CC00] =	vst v63  }
0x2b5: {  	_ = 	snop  }
0x2b6: {  	[spmem:s2] =	stream.indirect.scatter.add.f32 [tilespmem:s20], [sflag:$0x3], $0x80, s30, s19, $0xb8;
	[tilespmem:$0x1CC00] =	vst v63  }
0x2b7: {  	_ =	swait.ge [sflag:s23], $0x4000  }
0x2b8: {  	[sflag:s23] =	ssyncset.done $0x0  }
0x2b9: {  	[sflag:s23] =	ssyncadd.s32 $0xFFFFC000  }
0x2ba: {  	_ =	swait.ge [sflag:s24], $0x4000  }
0x2bb: {  	[sflag:s24] =	ssyncset.done $0x0  }
0x2bc: {  	[sflag:s24] =	ssyncadd.s32 $0xFFFFC000  }
0x2bd: {  	[tilespmem:s20], [sflag:$0x1] =	stream.indirect.gather [hbm4b:s4+s19], $0x80, s31, s19, $0xb8;
	[tilespmem:$0x1CC00] =	vst v63  }
0x2be: {  	_ = 	snop  }
0x2bf: {  	[spmem:s2] =	stream.indirect.scatter.add.f32 [tilespmem:s22], [sflag:$0x4], $0x80, s0, s19, $0xb8;
	[tilespmem:$0x1CC00] =	vst v63  }
0x2c0: {  	_ =	swait.ge [sflag:s21], $0x4000  }
0x2c1: {  	[sflag:s21] =	ssyncset.done $0x0  }
0x2c2: {  	[sflag:s21] =	ssyncadd.s32 $0xFFFFC000  }
0x2c3: {  	_ =	swait.ge [sflag:s28], $0x4000  }
0x2c4: {  	[sflag:s28] =	ssyncset.done $0x0  }
0x2c5: {  	[sflag:s28] =	ssyncadd.s32 $0xFFFFC000  }
0x2c6: {  	[tilespmem:s22], [sflag:$0x2] =	stream.indirect.gather [hbm4b:s4+s19], $0x80, s1, s19, $0xb8;
	[tilespmem:$0x1CC00] =	vst v63  }
0x2c7: {  	_ = 	snop  }
0x2c8: {  	[spmem:s2] =	stream.indirect.scatter.add.f32 [tilespmem:s20], [sflag:$0x3], $0x80, s9, s19, $0xb8;
	[tilespmem:$0x1CC00] =	vst v63  }
0x2c9: {  	_ =	swait.ge [sflag:s23], $0x4000  }
0x2ca: {  	[sflag:s23] =	ssyncset.done $0x0  }
0x2cb: {  	[sflag:s23] =	ssyncadd.s32 $0xFFFFC000  }
0x2cc: {  	_ =	swait.ge [sflag:s24], $0x4000  }
0x2cd: {  	[sflag:s24] =	ssyncset.done $0x0  }
0x2ce: {  	[sflag:s24] =	ssyncadd.s32 $0xFFFFC000  }
0x2cf: {  	[tilespmem:s20], [sflag:$0x1] =	stream.indirect.gather [hbm4b:s4+s19], $0x80, s10, s19, $0xb8;
	[tilespmem:$0x1CC00] =	vst v63  }
0x2d0: {  	_ = 	snop  }
0x2d1: {  	[spmem:s2] =	stream.indirect.scatter.add.f32 [tilespmem:s22], [sflag:$0x4], $0x80, s6, s19, $0xb8;
	[tilespmem:$0x1CC00] =	vst v63  }
0x2d2: {  	_ =	swait.ge [sflag:s21], $0x4000  }
0x2d3: {  	[sflag:s21] =	ssyncset.done $0x0  }
0x2d4: {  	[sflag:s21] =	ssyncadd.s32 $0xFFFFC000  }
0x2d5: {  	_ =	swait.ge [sflag:s28], $0x4000  }
0x2d6: {  	[sflag:s28] =	ssyncset.done $0x0  }
0x2d7: {  	[sflag:s28] =	ssyncadd.s32 $0xFFFFC000  }
0x2d8: {  	[tilespmem:s22], [sflag:$0x2] =	stream.indirect.gather [hbm4b:s4+s19], $0x80, s7, s19, $0xb8;
	[tilespmem:$0x1CC00] =	vst v63  }
0x2d9: {  	_ = 	snop  }
0x2da: {  	[spmem:s2] =	stream.indirect.scatter.add.f32 [tilespmem:s20], [sflag:$0x3], $0x80, s13, s19, $0xb8;
	[tilespmem:$0x1CC00] =	vst v63  }
0x2db: {  	_ =	swait.ge [sflag:s23], $0x4000  }
0x2dc: {  	[sflag:s23] =	ssyncset.done $0x0  }
0x2dd: {  	[sflag:s23] =	ssyncadd.s32 $0xFFFFC000  }
0x2de: {  	_ =	swait.ge [sflag:s24], $0x4000  }
0x2df: {  	[sflag:s24] =	ssyncset.done $0x0  }
0x2e0: {  	[sflag:s24] =	ssyncadd.s32 $0xFFFFC000  }
0x2e1: {  	[tilespmem:s20], [sflag:$0x1] =	stream.indirect.gather [hbm4b:s4+s19], $0x80, s11, s19, $0xb8;
	[tilespmem:$0x1CC00] =	vst v63  }
0x2e2: {  	s8 =	simm.s32 $0xB80  }
0x2e3: {  	[spmem:s2] =	stream.indirect.scatter.add.f32 [tilespmem:s22], [sflag:$0x4], $0x80, s8, s19, $0xb8;
	[tilespmem:$0x1CC00] =	vst v63  }
0x2e4: {  	_ =	swait.ge [sflag:s21], $0x4000  }
0x2e5: {  	[sflag:s21] =	ssyncset.done $0x0  }
0x2e6: {  	[sflag:s21] =	ssyncadd.s32 $0xFFFFC000  }
0x2e7: {  	_ =	swait.ge [sflag:s28], $0x4000  }
0x2e8: {  	[sflag:s28] =	ssyncset.done $0x0  }
0x2e9: {  	s8 =	simm.s32 $0x480;
	[sflag:s28] =	ssyncadd.s32 $0xFFFFC000  }
0x2ea: {  	[tilespmem:s22], [sflag:$0x2] =	stream.indirect.gather [hbm4b:s4+s19], $0x80, s8, s19, $0xb8;
	[tilespmem:$0x1CC00] =	vst v63  }
0x2eb: {  	s8 =	simm.s32 $0xC00  }
0x2ec: {  	[spmem:s2] =	stream.indirect.scatter.add.f32 [tilespmem:s20], [sflag:$0x3], $0x80, s8, s19, $0xb8;
	[tilespmem:$0x1CC00] =	vst v63  }
0x2ed: {  	_ =	swait.ge [sflag:s23], $0x4000  }
0x2ee: {  	[sflag:s23] =	ssyncset.done $0x0  }
0x2ef: {  	[sflag:s23] =	ssyncadd.s32 $0xFFFFC000  }
0x2f0: {  	_ =	swait.ge [sflag:s24], $0x4000  }
0x2f1: {  	[sflag:s24] =	ssyncset.done $0x0  }
0x2f2: {  	s8 =	simm.s32 $0x500;
	[sflag:s24] =	ssyncadd.s32 $0xFFFFC000  }
0x2f3: {  	[tilespmem:s20], [sflag:$0x1] =	stream.indirect.gather [hbm4b:s4+s19], $0x80, s8, s19, $0xb8;
	[tilespmem:$0x1CC00] =	vst v63  }
0x2f4: {  	s8 =	simm.s32 $0xC80  }
0x2f5: {  	[spmem:s2] =	stream.indirect.scatter.add.f32 [tilespmem:s22], [sflag:$0x4], $0x80, s8, s19, $0xb8;
	[tilespmem:$0x1CC00] =	vst v63  }
0x2f6: {  	_ =	swait.ge [sflag:s21], $0x4000  }
0x2f7: {  	[sflag:s21] =	ssyncset.done $0x0  }
0x2f8: {  	[sflag:s21] =	ssyncadd.s32 $0xFFFFC000  }
0x2f9: {  	_ =	swait.ge [sflag:s28], $0x4000  }
0x2fa: {  	[sflag:s28] =	ssyncset.done $0x0  }
0x2fb: {  	s8 =	simm.s32 $0x580;
	[sflag:s28] =	ssyncadd.s32 $0xFFFFC000  }
0x2fc: {  	[tilespmem:s22], [sflag:$0x2] =	stream.indirect.gather [hbm4b:s4+s19], $0x80, s8, s19, $0xb8;
	[tilespmem:$0x1CC00] =	vst v63  }
0x2fd: {  	s8 =	simm.s32 $0xD00  }
0x2fe: {  	[spmem:s2] =	stream.indirect.scatter.add.f32 [tilespmem:s20], [sflag:$0x3], $0x80, s8, s19, $0xb8;
	[tilespmem:$0x1CC00] =	vst v63  }
0x2ff: {  	_ =	swait.ge [sflag:s23], $0x4000  }
0x300: {  	[sflag:s23] =	ssyncset.done $0x0  }
0x301: {  	[sflag:s23] =	ssyncadd.s32 $0xFFFFC000  }
0x302: {  	_ =	swait.ge [sflag:s24], $0x4000  }
0x303: {  	[sflag:s24] =	ssyncset.done $0x0  }
0x304: {  	s8 =	simm.s32 $0x600;
	[sflag:s24] =	ssyncadd.s32 $0xFFFFC000  }
0x305: {  	[tilespmem:s20], [sflag:$0x1] =	stream.indirect.gather [hbm4b:s4+s19], $0x80, s8, s19, $0xb8;
	[tilespmem:$0x1CC00] =	vst v63  }
0x306: {  	s8 =	simm.s32 $0xD80  }
0x307: {  	[spmem:s2] =	stream.indirect.scatter.add.f32 [tilespmem:s22], [sflag:$0x4], $0x80, s8, s19, $0xb8;
	[tilespmem:$0x1CC00] =	vst v63  }
0x308: {  	_ =	swait.ge [sflag:s21], $0x4000  }
0x309: {  	[sflag:s21] =	ssyncset.done $0x0  }
0x30a: {  	[sflag:s21] =	ssyncadd.s32 $0xFFFFC000  }
0x30b: {  	_ =	swait.ge [sflag:s28], $0x4000  }
0x30c: {  	[sflag:s28] =	ssyncset.done $0x0  }
0x30d: {  	s8 =	simm.s32 $0x680;
	[sflag:s28] =	ssyncadd.s32 $0xFFFFC000  }
0x30e: {  	[tilespmem:s22], [sflag:$0x2] =	stream.indirect.gather [hbm4b:s4+s19], $0x80, s8, s19, $0xb8;
	[tilespmem:$0x1CC00] =	vst v63  }
0x30f: {  	s8 =	simm.s32 $0xE00  }
0x310: {  	[spmem:s2] =	stream.indirect.scatter.add.f32 [tilespmem:s20], [sflag:$0x3], $0x80, s8, s19, $0xb8;
	[tilespmem:$0x1CC00] =	vst v63  }
0x311: {  	_ =	swait.ge [sflag:s23], $0x4000  }
0x312: {  	[sflag:s23] =	ssyncset.done $0x0  }
0x313: {  	[sflag:s23] =	ssyncadd.s32 $0xFFFFC000  }
0x314: {  	_ =	swait.ge [sflag:s24], $0x4000  }
0x315: {  	[sflag:s24] =	ssyncset.done $0x0  }
0x316: {  	s8 =	simm.s32 $0x700;
	[sflag:s24] =	ssyncadd.s32 $0xFFFFC000  }
0x317: {  	[tilespmem:s20], [sflag:$0x1] =	stream.indirect.gather [hbm4b:s4+s19], $0x80, s8, s19, $0xb8;
	[tilespmem:$0x1CC00] =	vst v63  }
0x318: {  	s8 =	simm.s32 $0xE80  }
0x319: {  	[spmem:s2] =	stream.indirect.scatter.add.f32 [tilespmem:s22], [sflag:$0x4], $0x80, s8, s19, $0xb8;
	[tilespmem:$0x1CC00] =	vst v63  }
0x31a: {  	_ =	swait.ge [sflag:s21], $0x4000  }
0x31b: {  	[sflag:s21] =	ssyncset.done $0x0  }
0x31c: {  	[sflag:s21] =	ssyncadd.s32 $0xFFFFC000  }
0x31d: {  	_ =	swait.ge [sflag:s28], $0x4000  }
0x31e: {  	[sflag:s28] =	ssyncset.done $0x0  }
0x31f: {  	s8 =	simm.s32 $0x780;
	[sflag:s28] =	ssyncadd.s32 $0xFFFFC000  }
0x320: {  	[tilespmem:s22], [sflag:$0x2] =	stream.indirect.gather [hbm4b:s4+s19], $0x80, s8, s19, $0xb8;
	[tilespmem:$0x1CC00] =	vst v63  }
0x321: {  	s8 =	simm.s32 $0xF00  }
0x322: {  	[spmem:s2] =	stream.indirect.scatter.add.f32 [tilespmem:s20], [sflag:$0x3], $0x80, s8, s19, $0xb8;
	[tilespmem:$0x1CC00] =	vst v63  }
0x323: {  	_ =	swait.ge [sflag:s23], $0x4000  }
0x324: {  	[sflag:s23] =	ssyncset.done $0x0  }
0x325: {  	s8 =	simm.s32 $0xF80;
	[sflag:s23] =	ssyncadd.s32 $0xFFFFC000  }
0x326: {  	[spmem:s2] =	stream.indirect.scatter.add.f32 [tilespmem:s22], [sflag:$0x4], $0x80, s8, s19, $0xb8;
	[tilespmem:$0x1CC00] =	vst v63  }
.Ltmp5:
0x327: {  	_ =	swait.ge [sflag:s24], $0x4000;
	(pc) =	sbr.rel @!p1 .LBB2_3-.Ltmp5, $4  }
0x328: {  	[sflag:s24] =	ssyncset.done $0x0  }
0x329: {  	[sflag:s24] =	ssyncadd.s32 $0xFFFFC000  }
0x32a: {  	_ =	swait.ge [sflag:s28], $0x4000  }
0x32b: {  	s8 =	smov.u32 s16;
	[sflag:s28] =	ssyncset.done $0x0  }
0x32c: {  	s8 =	sadd.s32 s15, s14;
	[sflag:s28] =	ssyncadd.s32 $0xFFFFC000  }
0x32d: {  	[tilespmem:s3], [sflag:$0x5] =	stream.linear.gather [hbm4b:s8+s3], $0x800, $0x38;
	[tilespmem:$0x1CC00] =	vst v63  }
0x32e: {  	_ =	swait.ge [sflag:s17], $0x800  }
0x32f: {  	[sflag:s17] =	ssyncset.done $0x0  }
0x330: {  	s16 =	sadd.s32 s15, s12;
	[sflag:s17] =	ssyncadd.s32 $0xFFFFF800  }
0x331: {  	[tilespmem:s18], [sflag:$0x5] =	stream.linear.gather [hbm4b:s16+s3], $0x800, $0x38;
	[tilespmem:$0x1CC00] =	vst v63  }
0x332: {  	_ =	swait.ge [sflag:s17], $0x800  }
0x333: {  	[sflag:s17] =	ssyncset.done $0x0  }
0x334: {  	[sflag:s17] =	ssyncadd.s32 $0xFFFFF800  }
0x335: {  	[tilespmem:s20], [sflag:$0x1] =	stream.indirect.gather [hbm4b:s4+s19], $0x80, s3, s19, $0xb8;
	[tilespmem:$0x1CC00] =	vst v63  }
0x336: {  	_ =	swait.ge [sflag:s21], $0x4000  }
0x337: {  	[sflag:s21] =	ssyncset.done $0x0  }
0x338: {  	[sflag:s21] =	ssyncadd.s32 $0xFFFFC000  }
0x339: {  	[tilespmem:s22], [sflag:$0x2] =	stream.indirect.gather [hbm4b:s4+s19], $0x80, s19, s19, $0xb8;
	[tilespmem:$0x1CC00] =	vst v63  }
0x33a: {  	_ = 	snop  }
0x33b: {  	[spmem:s2] =	stream.indirect.scatter.add.f32 [tilespmem:s20], [sflag:$0x3], $0x80, s18, s19, $0xb8;
	[tilespmem:$0x1CC00] =	vst v63  }
0x33c: {  	_ =	swait.ge [sflag:s23], $0x4000  }
0x33d: {  	[sflag:s23] =	ssyncset.done $0x0  }
0x33e: {  	[sflag:s23] =	ssyncadd.s32 $0xFFFFC000  }
0x33f: {  	_ =	swait.ge [sflag:s24], $0x4000  }
0x340: {  	[sflag:s24] =	ssyncset.done $0x0  }
0x341: {  	[sflag:s24] =	ssyncadd.s32 $0xFFFFC000  }
0x342: {  	[tilespmem:s20], [sflag:$0x1] =	stream.indirect.gather [hbm4b:s4+s19], $0x80, s25, s19, $0xb8;
	[tilespmem:$0x1CC00] =	vst v63  }
0x343: {  	_ = 	snop  }
0x344: {  	[spmem:s2] =	stream.indirect.scatter.add.f32 [tilespmem:s22], [sflag:$0x4], $0x80, s26, s19, $0xb8;
	[tilespmem:$0x1CC00] =	vst v63  }
0x345: {  	_ =	swait.ge [sflag:s21], $0x4000  }
0x346: {  	[sflag:s21] =	ssyncset.done $0x0  }
0x347: {  	[sflag:s21] =	ssyncadd.s32 $0xFFFFC000  }
0x348: {  	_ =	swait.ge [sflag:s28], $0x4000  }
0x349: {  	[sflag:s28] =	ssyncset.done $0x0  }
0x34a: {  	[sflag:s28] =	ssyncadd.s32 $0xFFFFC000  }
0x34b: {  	[tilespmem:s22], [sflag:$0x2] =	stream.indirect.gather [hbm4b:s4+s19], $0x80, s29, s19, $0xb8;
	[tilespmem:$0x1CC00] =	vst v63  }
0x34c: {  	_ = 	snop  }
0x34d: {  	[spmem:s2] =	stream.indirect.scatter.add.f32 [tilespmem:s20], [sflag:$0x3], $0x80, s30, s19, $0xb8;
	[tilespmem:$0x1CC00] =	vst v63  }
0x34e: {  	_ =	swait.ge [sflag:s23], $0x4000  }
0x34f: {  	[sflag:s23] =	ssyncset.done $0x0  }
0x350: {  	[sflag:s23] =	ssyncadd.s32 $0xFFFFC000  }
0x351: {  	_ =	swait.ge [sflag:s24], $0x4000  }
0x352: {  	[sflag:s24] =	ssyncset.done $0x0  }
0x353: {  	[sflag:s24] =	ssyncadd.s32 $0xFFFFC000  }
0x354: {  	[tilespmem:s20], [sflag:$0x1] =	stream.indirect.gather [hbm4b:s4+s19], $0x80, s31, s19, $0xb8;
	[tilespmem:$0x1CC00] =	vst v63  }
0x355: {  	_ = 	snop  }
0x356: {  	[spmem:s2] =	stream.indirect.scatter.add.f32 [tilespmem:s22], [sflag:$0x4], $0x80, s0, s19, $0xb8;
	[tilespmem:$0x1CC00] =	vst v63  }
0x357: {  	_ =	swait.ge [sflag:s21], $0x4000  }
0x358: {  	[sflag:s21] =	ssyncset.done $0x0  }
0x359: {  	[sflag:s21] =	ssyncadd.s32 $0xFFFFC000  }
0x35a: {  	_ =	swait.ge [sflag:s28], $0x4000  }
0x35b: {  	[sflag:s28] =	ssyncset.done $0x0  }
0x35c: {  	[sflag:s28] =	ssyncadd.s32 $0xFFFFC000  }
0x35d: {  	[tilespmem:s22], [sflag:$0x2] =	stream.indirect.gather [hbm4b:s4+s19], $0x80, s1, s19, $0xb8;
	[tilespmem:$0x1CC00] =	vst v63  }
0x35e: {  	_ = 	snop  }
0x35f: {  	[spmem:s2] =	stream.indirect.scatter.add.f32 [tilespmem:s20], [sflag:$0x3], $0x80, s9, s19, $0xb8;
	[tilespmem:$0x1CC00] =	vst v63  }
0x360: {  	_ =	swait.ge [sflag:s23], $0x4000  }
0x361: {  	[sflag:s23] =	ssyncset.done $0x0  }
0x362: {  	[sflag:s23] =	ssyncadd.s32 $0xFFFFC000  }
0x363: {  	_ =	swait.ge [sflag:s24], $0x4000  }
0x364: {  	[sflag:s24] =	ssyncset.done $0x0  }
0x365: {  	[sflag:s24] =	ssyncadd.s32 $0xFFFFC000  }
0x366: {  	[tilespmem:s20], [sflag:$0x1] =	stream.indirect.gather [hbm4b:s4+s19], $0x80, s10, s19, $0xb8;
	[tilespmem:$0x1CC00] =	vst v63  }
0x367: {  	_ = 	snop  }
0x368: {  	[spmem:s2] =	stream.indirect.scatter.add.f32 [tilespmem:s22], [sflag:$0x4], $0x80, s6, s19, $0xb8;
	[tilespmem:$0x1CC00] =	vst v63  }
0x369: {  	_ =	swait.ge [sflag:s21], $0x4000  }
0x36a: {  	[sflag:s21] =	ssyncset.done $0x0  }
0x36b: {  	[sflag:s21] =	ssyncadd.s32 $0xFFFFC000  }
0x36c: {  	_ =	swait.ge [sflag:s28], $0x4000  }
0x36d: {  	[sflag:s28] =	ssyncset.done $0x0  }
0x36e: {  	[sflag:s28] =	ssyncadd.s32 $0xFFFFC000  }
0x36f: {  	[tilespmem:s22], [sflag:$0x2] =	stream.indirect.gather [hbm4b:s4+s19], $0x80, s7, s19, $0xb8;
	[tilespmem:$0x1CC00] =	vst v63  }
0x370: {  	_ = 	snop  }
0x371: {  	[spmem:s2] =	stream.indirect.scatter.add.f32 [tilespmem:s20], [sflag:$0x3], $0x80, s13, s19, $0xb8;
	[tilespmem:$0x1CC00] =	vst v63  }
0x372: {  	_ =	swait.ge [sflag:s23], $0x4000  }
0x373: {  	[sflag:s23] =	ssyncset.done $0x0  }
0x374: {  	[sflag:s23] =	ssyncadd.s32 $0xFFFFC000  }
0x375: {  	_ =	swait.ge [sflag:s24], $0x4000  }
0x376: {  	[sflag:s24] =	ssyncset.done $0x0  }
0x377: {  	[sflag:s24] =	ssyncadd.s32 $0xFFFFC000  }
0x378: {  	[tilespmem:s20], [sflag:$0x1] =	stream.indirect.gather [hbm4b:s4+s19], $0x80, s11, s19, $0xb8;
	[tilespmem:$0x1CC00] =	vst v63  }
0x379: {  	s9 =	simm.s32 $0xB80  }
0x37a: {  	[spmem:s2] =	stream.indirect.scatter.add.f32 [tilespmem:s22], [sflag:$0x4], $0x80, s9, s19, $0xb8;
	[tilespmem:$0x1CC00] =	vst v63  }
0x37b: {  	_ =	swait.ge [sflag:s21], $0x4000  }
0x37c: {  	[sflag:s21] =	ssyncset.done $0x0  }
0x37d: {  	[sflag:s21] =	ssyncadd.s32 $0xFFFFC000  }
0x37e: {  	_ =	swait.ge [sflag:s28], $0x4000  }
0x37f: {  	[sflag:s28] =	ssyncset.done $0x0  }
0x380: {  	s10 =	simm.s32 $0x480;
	[sflag:s28] =	ssyncadd.s32 $0xFFFFC000  }
0x381: {  	[tilespmem:s22], [sflag:$0x2] =	stream.indirect.gather [hbm4b:s4+s19], $0x80, s10, s19, $0xb8;
	[tilespmem:$0x1CC00] =	vst v63  }
0x382: {  	s11 =	simm.s32 $0xC00  }
0x383: {  	[spmem:s2] =	stream.indirect.scatter.add.f32 [tilespmem:s20], [sflag:$0x3], $0x80, s11, s19, $0xb8;
	[tilespmem:$0x1CC00] =	vst v63  }
0x384: {  	_ =	swait.ge [sflag:s23], $0x4000  }
0x385: {  	[sflag:s23] =	ssyncset.done $0x0  }
0x386: {  	[sflag:s23] =	ssyncadd.s32 $0xFFFFC000  }
0x387: {  	_ =	swait.ge [sflag:s24], $0x4000  }
0x388: {  	[sflag:s24] =	ssyncset.done $0x0  }
0x389: {  	s13 =	simm.s32 $0x500;
	[sflag:s24] =	ssyncadd.s32 $0xFFFFC000  }
0x38a: {  	[tilespmem:s20], [sflag:$0x1] =	stream.indirect.gather [hbm4b:s4+s19], $0x80, s13, s19, $0xb8;
	[tilespmem:$0x1CC00] =	vst v63  }
0x38b: {  	s15 =	simm.s32 $0xC80  }
0x38c: {  	[spmem:s2] =	stream.indirect.scatter.add.f32 [tilespmem:s22], [sflag:$0x4], $0x80, s15, s19, $0xb8;
	[tilespmem:$0x1CC00] =	vst v63  }
0x38d: {  	_ =	swait.ge [sflag:s21], $0x4000  }
0x38e: {  	[sflag:s21] =	ssyncset.done $0x0  }
0x38f: {  	[sflag:s21] =	ssyncadd.s32 $0xFFFFC000  }
0x390: {  	_ =	swait.ge [sflag:s28], $0x4000  }
0x391: {  	[sflag:s28] =	ssyncset.done $0x0  }
0x392: {  	s16 =	simm.s32 $0x580;
	[sflag:s28] =	ssyncadd.s32 $0xFFFFC000  }
0x393: {  	[tilespmem:s22], [sflag:$0x2] =	stream.indirect.gather [hbm4b:s4+s19], $0x80, s16, s19, $0xb8;
	[tilespmem:$0x1CC00] =	vst v63  }
0x394: {  	s1 =	simm.s32 $0xD00  }
0x395: {  	[spmem:s2] =	stream.indirect.scatter.add.f32 [tilespmem:s20], [sflag:$0x3], $0x80, s1, s19, $0xb8;
	[tilespmem:$0x1CC00] =	vst v63  }
0x396: {  	_ =	swait.ge [sflag:s23], $0x4000  }
0x397: {  	[sflag:s23] =	ssyncset.done $0x0  }
0x398: {  	[sflag:s23] =	ssyncadd.s32 $0xFFFFC000  }
0x399: {  	_ =	swait.ge [sflag:s24], $0x4000  }
0x39a: {  	[sflag:s24] =	ssyncset.done $0x0  }
0x39b: {  	s6 =	simm.s32 $0x600;
	[sflag:s24] =	ssyncadd.s32 $0xFFFFC000  }
0x39c: {  	[tilespmem:s20], [sflag:$0x1] =	stream.indirect.gather [hbm4b:s4+s19], $0x80, s6, s19, $0xb8;
	[tilespmem:$0x1CC00] =	vst v63  }
0x39d: {  	s7 =	simm.s32 $0xD80  }
0x39e: {  	[spmem:s2] =	stream.indirect.scatter.add.f32 [tilespmem:s22], [sflag:$0x4], $0x80, s7, s19, $0xb8;
	[tilespmem:$0x1CC00] =	vst v63  }
0x39f: {  	_ =	swait.ge [sflag:s21], $0x4000  }
0x3a0: {  	[sflag:s21] =	ssyncset.done $0x0  }
0x3a1: {  	[sflag:s21] =	ssyncadd.s32 $0xFFFFC000  }
0x3a2: {  	_ =	swait.ge [sflag:s28], $0x4000  }
0x3a3: {  	[sflag:s28] =	ssyncset.done $0x0  }
0x3a4: {  	s8 =	simm.s32 $0x680;
	[sflag:s28] =	ssyncadd.s32 $0xFFFFC000  }
0x3a5: {  	[tilespmem:s22], [sflag:$0x2] =	stream.indirect.gather [hbm4b:s4+s19], $0x80, s8, s19, $0xb8;
	[tilespmem:$0x1CC00] =	vst v63  }
0x3a6: {  	s9 =	simm.s32 $0xE00  }
0x3a7: {  	[spmem:s2] =	stream.indirect.scatter.add.f32 [tilespmem:s20], [sflag:$0x3], $0x80, s9, s19, $0xb8;
	[tilespmem:$0x1CC00] =	vst v63  }
0x3a8: {  	_ =	swait.ge [sflag:s23], $0x4000  }
0x3a9: {  	[sflag:s23] =	ssyncset.done $0x0  }
0x3aa: {  	[sflag:s23] =	ssyncadd.s32 $0xFFFFC000  }
0x3ab: {  	_ =	swait.ge [sflag:s24], $0x4000  }
0x3ac: {  	[sflag:s24] =	ssyncset.done $0x0  }
0x3ad: {  	s10 =	simm.s32 $0x700;
	[sflag:s24] =	ssyncadd.s32 $0xFFFFC000  }
0x3ae: {  	[tilespmem:s20], [sflag:$0x1] =	stream.indirect.gather [hbm4b:s4+s19], $0x80, s10, s19, $0xb8;
	[tilespmem:$0x1CC00] =	vst v63  }
0x3af: {  	s11 =	simm.s32 $0xE80  }
0x3b0: {  	[spmem:s2] =	stream.indirect.scatter.add.f32 [tilespmem:s22], [sflag:$0x4], $0x80, s11, s19, $0xb8;
	[tilespmem:$0x1CC00] =	vst v63  }
0x3b1: {  	_ =	swait.ge [sflag:s21], $0x4000  }
0x3b2: {  	[sflag:s21] =	ssyncset.done $0x0  }
0x3b3: {  	[sflag:s21] =	ssyncadd.s32 $0xFFFFC000  }
0x3b4: {  	_ =	swait.ge [sflag:s28], $0x4000  }
0x3b5: {  	[sflag:s28] =	ssyncset.done $0x0  }
0x3b6: {  	s13 =	simm.s32 $0x780;
	[sflag:s28] =	ssyncadd.s32 $0xFFFFC000  }
0x3b7: {  	[tilespmem:s22], [sflag:$0x2] =	stream.indirect.gather [hbm4b:s4+s19], $0x80, s13, s19, $0xb8;
	[tilespmem:$0x1CC00] =	vst v63  }
0x3b8: {  	s15 =	simm.s32 $0xF00  }
0x3b9: {  	[spmem:s2] =	stream.indirect.scatter.add.f32 [tilespmem:s20], [sflag:$0x3], $0x80, s15, s19, $0xb8;
	[tilespmem:$0x1CC00] =	vst v63  }
0x3ba: {  	_ =	swait.ge [sflag:s23], $0x4000  }
0x3bb: {  	[sflag:s23] =	ssyncset.done $0x0  }
0x3bc: {  	s16 =	simm.s32 $0xF80;
	[sflag:s23] =	ssyncadd.s32 $0xFFFFC000  }
0x3bd: {  	[spmem:s2] =	stream.indirect.scatter.add.f32 [tilespmem:s22], [sflag:$0x4], $0x80, s16, s19, $0xb8;
	[tilespmem:$0x1CC00] =	vst v63  }
0x3be: {  	_ =	swait.ge [sflag:s24], $0x4000  }
0x3bf: {  	s29 =	simm.s32 $0x900;
	s30 =	simm.s32 $0x200;
	[sflag:s24] =	ssyncset.done $0x0  }
.Ltmp6:
0x3c0: {  	s0 =	simm.s32 $0x980;
	[sflag:s24] =	ssyncadd.s32 $0xFFFFC000;
	(pc) =	sbr.rel .LBB2_8-.Ltmp6, $4  }
0x3c1: {  	s1 =	simm.s32 $0x280;
	s6 =	simm.s32 $0xA80;
	_ =	swait.ge [sflag:s28], $0x4000  }
0x3c2: {  	s7 =	simm.s32 $0x380;
	s9 =	simm.s32 $0xA00;
	s8 =	rddreg [dreg:$0x3]  }
0x3c3: {  	s10 =	simm.s32 $0x300;
	[sflag:s28] =	ssyncset.done $0x0;
	s11 =	rddreg [dreg:$0xc]  }
0x3c4: {  	s13 =	simm.s32 $0xB00;
	s31 =	rddreg [dreg:$0xd];
	[sflag:s28] =	ssyncadd.s32 $0xFFFFC000  }
.LBB2_9:
0x3c5: {  	_ =	sfence.sel $0x180000  }
0x3c6: {  	[bflag:$0x0] =	sbarrier.arrive $0xFFFF  }
0x3c7: {  	_ =	strace $0x9000004A  }
0x3c8: {  	s0 =	stileid.u32;
	[bflag:$0x2] =	sbarrier.arrive $0xFFFF  }
0x3c9: {  	p0 =	sne.s32 s0, $0x0;
	s0 =	rddreg [dreg:$0x2]  }
0x3ca: {  	s0 =	sadd.s32 @!p0 $0x100000, s0  }
0x3cb: {  	[sflag:s0] =	ssyncadd.tile.s32 @!p0 $0x1;
	_ =	shalt  }
.Lfunc_end2:
_tile_overlayer_lowered:
.L_overlay_start_2:
0x3cc: {  	(tag) =	ssettag $0x2  }
0x3cd: {  	s0 =	rddreg [dreg:$0x0];
	s2 =	stileid.u32  }
0x3ce: {  	s1 =	rddreg [dreg:$0x1];
	p0 =	sne.s32 s2, $0x0  }
0x3cf: {  	s3 =	rddreg [dreg:$0x2];
	[bflag:$0x3] =	sbarrier.arrive $0xFFFF;
	s2 =	simm.s32 @!p0 $0x1C05  }
0x3d0: {  	[timem:s3], [sflag:s2] =	dma.local @!p0 [hbm:s0], s1  }
0x3d1: {  	s0 =	simm.s32 @!p0 $0x5  }
0x3d2: {  	_ =	swait.ge @!p0 [sflag:s0], s1  }
0x3d3: {  	s1 =	ssub.s32 @!p0 $0x0, s1;
	[sflag:s0] =	ssyncset.done @!p0 $0x0  }
0x3d4: {  	[sflag:s0] =	ssyncadd.s32 @!p0 s1  }
0x3d5: {  	[bflag:$0x3] =	sbarrier.arrive $0xFFFF  }
0x3d6: {  	_ =	shalt  }

</sc_bundles>
